<compile_context>
chip_gen: v7x
topology: tpu7x:2x2x1
jax: 0.10.2.dev20260603
libtpu: 0.0.44.dev20260713+nightly
codegen_flags: <defaults>
</compile_context>

<pallas_src>
import functools

import jax
import jax.numpy as jnp
import numpy as np
from jax import lax
from jax.experimental import pallas as pl
from jax.experimental.pallas import tpu as pltpu
from jax.experimental.pallas import tpu_sc as plsc

N = 10000
DF = 128
HID = 64
HEADS = 2
OUT = 32
HD = HEADS * HID

N_PAD = 10240
NW = 32
B = 64
NB = 164
EPW = NB * B
E_PAD = NW * EPW
RPT = N_PAD // 16

def _elu(x):
    return jnp.where(x > 0, x, jnp.exp(jnp.minimum(x, 0.0)) - 1.0)



def _tc_pre_body(xu_ref, xi_ref, Wu_ref, bu_ref, Wi_ref, bi_ref,
                 Wl_ref, bl_ref, Wr_ref, br_ref, att_ref, sel_ref,
                 xl_out, xr_out, s_out):
    xu = _elu(jnp.dot(xu_ref[...], Wu_ref[...],
                            preferred_element_type=jnp.float32) + bu_ref[...])
    xi = _elu(jnp.dot(xi_ref[...], Wi_ref[...],
                            preferred_element_type=jnp.float32) + bi_ref[...])
    xl = jnp.dot(xu, Wl_ref[...], preferred_element_type=jnp.float32) + bl_ref[...]
    xr = jnp.dot(xi, Wr_ref[...], preferred_element_type=jnp.float32) + br_ref[...]
    z = xl + xr
    z = jnp.maximum(z, 0.2 * z) * att_ref[...]
    xl_out[...] = xl.astype(jnp.bfloat16)
    xr_out[...] = xr.astype(jnp.bfloat16)
    s_out[...] = jnp.dot(z, sel_ref[...], preferred_element_type=jnp.float32)


def _tc_pre(xu_pad, xi_pad, W_user, b_user, W_item, b_item,
            Wl1, bl1, Wr1, br1, att_flat, sel):
    R = N_PAD // 5
    grid = (5,)
    full = lambda *shape: pl.BlockSpec(shape, lambda i: tuple(0 for _ in shape))
    return pl.pallas_call(
        _tc_pre_body,
        grid=grid,
        in_specs=[
            pl.BlockSpec((R, DF), lambda i: (i, 0)),
            pl.BlockSpec((R, DF), lambda i: (i, 0)),
            full(DF, HID), full(1, HID),
            full(DF, HID), full(1, HID),
            full(HID, HD), full(1, HD),
            full(HID, HD), full(1, HD),
            full(1, HD), full(HD, 16),
        ],
        out_specs=[
            pl.BlockSpec((R, HD), lambda i: (i, 0)),
            pl.BlockSpec((R, HD), lambda i: (i, 0)),
            pl.BlockSpec((R, 16), lambda i: (i, 0)),
        ],
        out_shape=[
            jax.ShapeDtypeStruct((N_PAD, HD), jnp.bfloat16),
            jax.ShapeDtypeStruct((N_PAD, HD), jnp.bfloat16),
            jax.ShapeDtypeStruct((N_PAD, 16), jnp.float32),
        ],
    )(xu_pad, xi_pad, W_user, b_user, W_item, b_item,
      Wl1, bl1, Wr1, br1, att_flat, sel)


_mesh = plsc.VectorSubcoreMesh(core_axis_name="c", subcore_axis_name="s")


@functools.partial(
    pl.kernel,
    out_type=(jax.ShapeDtypeStruct((2, N_PAD, HD), jnp.float32),
              jax.ShapeDtypeStruct((2, N_PAD, 16), jnp.float32)),
    mesh=_mesh,
    compiler_params=pltpu.CompilerParams(needs_layout_passes=False,
                                         use_tc_tiling_on_sc=False),
    scratch_types=[
        pltpu.VMEM((HD,), jnp.float32),
        pltpu.VMEM((B,), jnp.int32),
        pltpu.VMEM((B,), jnp.int32),
        pltpu.VMEM((B,), jnp.int32),
        pltpu.VMEM((B,), jnp.int32),
        pltpu.VMEM((B, HD), jnp.bfloat16),
        pltpu.VMEM((B, HD), jnp.bfloat16),
        pltpu.VMEM((B, HD), jnp.bfloat16),
        pltpu.VMEM((B, HD), jnp.bfloat16),
        pltpu.VMEM((B, HD), jnp.float32),
        pltpu.VMEM((B, 16), jnp.float32),
        pltpu.VMEM((B, 16), jnp.float32),
        pltpu.VMEM((B, 16), jnp.float32),
        pltpu.VMEM((B, 16), jnp.float32),
        pltpu.VMEM_SHARED((N_PAD, HD), jnp.float32),
        pltpu.VMEM_SHARED((N_PAD, 16), jnp.float32),
        pltpu.SemaphoreType.DMA,
        pltpu.SemaphoreType.DMA,
        pltpu.SemaphoreType.DMA,
        pltpu.SemaphoreType.DMA,
    ])
def _sc_edge(xl_hbm, xr_hbm, s_hbm, src_hbm, dst_hbm, att_hbm,
             acc_out, den_out,
             att_v, srcb0, srcb1, dstb0, dstb1,
             xl0, xl1, xr0, xr1, stage, s0, s1, den0, den1,
             acc_sh, den_sh, gsem0, gsem1, isem0, isem1):
    c = lax.axis_index("c")
    s = lax.axis_index("s")
    wid = s * 2 + c
    ebase0 = wid * EPW
    zero16 = jnp.zeros((16,), jnp.float32)

    def zrow(e, carry):
        for k in range(HD // 16):
            stage[e, pl.ds(k * 16, 16)] = zero16
        den0[e, pl.ds(0, 16)] = zero16
        den1[e, pl.ds(0, 16)] = zero16
        return carry

    lax.fori_loop(0, B, zrow, 0)
    base = s * RPT
    for j in range(RPT // B):
        pltpu.sync_copy(stage, acc_sh.at[pl.ds(base + j * B, B)])
        pltpu.sync_copy(den0, den_sh.at[pl.ds(base + j * B, B)])
    pltpu.sync_copy(att_hbm, att_v)
    plsc.subcore_barrier()

    rows0 = lax.iota(jnp.int32, 16)
    col0 = jnp.zeros((16,), jnp.int32)
    col1 = jnp.ones((16,), jnp.int32)
    set0 = (xl0, xr0, s0, den0, srcb0, dstb0, gsem0, isem0)
    set1 = (xl1, xr1, s1, den1, srcb1, dstb1, gsem1, isem1)

    def issue_idx(bb, bufset):
        srcb, dstb, isem = bufset[4], bufset[5], bufset[7]
        off = ebase0 + bb * B
        pltpu.async_copy(src_hbm.at[pl.ds(off, B)], srcb, isem)
        pltpu.async_copy(dst_hbm.at[pl.ds(off, B)], dstb, isem)

    def wait_idx(bb, bufset):
        srcb, dstb, isem = bufset[4], bufset[5], bufset[7]
        off = ebase0 + bb * B
        pltpu.make_async_copy(src_hbm.at[pl.ds(off, B)], srcb, isem).wait()
        pltpu.make_async_copy(dst_hbm.at[pl.ds(off, B)], dstb, isem).wait()

    def issue_gathers(bufset):
        xl_b, xr_b, s_b, _, srcb, dstb, gsem, _ = bufset
        pltpu.async_copy(xl_hbm.at[srcb], xl_b, gsem)
        pltpu.async_copy(xr_hbm.at[dstb], xr_b, gsem)
        pltpu.async_copy(s_hbm.at[dstb], s_b, gsem)

    def wait_gathers(bufset):
        xl_b, xr_b, s_b, _, srcb, dstb, gsem, _ = bufset
        pltpu.make_async_copy(xl_hbm.at[srcb], xl_b, gsem).wait()
        pltpu.make_async_copy(xr_hbm.at[dstb], xr_b, gsem).wait()
        pltpu.make_async_copy(s_hbm.at[dstb], s_b, gsem).wait()

    def do_scatters(bufset):
        den_b, dstb = bufset[3], bufset[5]
        pltpu.sync_copy(stage, acc_sh.at[dstb], add=True)
        pltpu.sync_copy(den_b, den_sh.at[dstb], add=True)

    lane0 = (lax.iota(jnp.int32, 16) == 0).astype(jnp.float32)
    lane1 = (lax.iota(jnp.int32, 16) == 1).astype(jnp.float32)

    def compute(bufset):
        xl_b, xr_b, s_b, den_b = bufset[0], bufset[1], bufset[2], bufset[3]

        attcs = tuple(att_v[pl.ds(k * 16, 16)] for k in range(HD // 16))

        @plsc.parallel_loop(0, B, 1, unroll=4, carry=attcs)
        def logits(e, att_c):
            a0 = jnp.zeros((16,), jnp.float32)
            a1 = jnp.zeros((16,), jnp.float32)
            b0 = jnp.zeros((16,), jnp.float32)
            b1 = jnp.zeros((16,), jnp.float32)
            for j in range(HD // 32):
                xla, xlb = plsc.unpack(xl_b[e, pl.ds(j * 32, 32)],
                                       format=plsc.PackFormat.INTERLEAVED)
                xra, xrb = plsc.unpack(xr_b[e, pl.ds(j * 32, 32)],
                                       format=plsc.PackFormat.INTERLEAVED)
                za = xla + xra
                zb = xlb + xrb
                za = jnp.maximum(za, 0.2 * za)
                zb = jnp.maximum(zb, 0.2 * zb)
                ta = za * att_c[2 * j]
                tb = zb * att_c[2 * j + 1]
                if j < HID // 32:
                    a0 = a0 + ta
                    a1 = a1 + tb
                else:
                    b0 = b0 + ta
                    b1 = b1 + tb
            l0 = jnp.sum(a0 + a1)
            l1 = jnp.sum(b0 + b1)
            sv = s_b[e, pl.ds(0, 16)]
            w0 = jnp.exp(jnp.full((16,), l0 - sv[0], jnp.float32))
            w1 = jnp.exp(jnp.full((16,), l1 - sv[1], jnp.float32))
            den_b[e, pl.ds(0, 16)] = w0 * lane0 + w1 * lane1
            return att_c

        @plsc.parallel_loop(0, B, 1, unroll=4)
        def scale(e):
            wv = den_b[e, pl.ds(0, 16)]
            w0 = wv[0]
            w1 = wv[1]
            for j in range(HD // 32):
                xla, xlb = plsc.unpack(xl_b[e, pl.ds(j * 32, 32)],
                                       format=plsc.PackFormat.INTERLEAVED)
                w = w0 if j < (HID // 32) else w1
                stage[e, pl.ds(j * 32, 16)] = xla * w
                stage[e, pl.ds(j * 32 + 16, 16)] = xlb * w

    last = NB - 1

    def step(b, cur, nxt):
        wait_gathers(cur)
        wait_idx(jnp.minimum(b + 1, last), nxt)
        issue_gathers(nxt)
        issue_idx(jnp.minimum(b + 2, last), cur)

    def pair(i, carry):
        step(2 * i, set0, set1)
        step(2 * i + 1, set1, set0)
        return carry

    issue_idx(0, set0)
    wait_idx(0, set0)
    issue_idx(1, set1)
    issue_gathers(set0)
    lax.fori_loop(0, NB // 2, pair, 0)
    wait_gathers(set0)
    wait_idx(last, set1)
    plsc.subcore_barrier()

    for j in range(RPT // B):
        r0 = base + j * B
        pltpu.sync_copy(acc_sh.at[pl.ds(r0, B)], stage)
        pltpu.sync_copy(stage, acc_out.at[c, pl.ds(r0, B)])
        pltpu.sync_copy(den_sh.at[pl.ds(r0, B)], den0)
        pltpu.sync_copy(den0, den_out.at[c, pl.ds(r0, B)])


def _tc_post_body(acc_ref, den_ref, b1_ref, Wo_ref, bo_ref, out_ref):
    num = acc_ref[0] + acc_ref[1]
    dd = den_ref[0] + den_ref[1] + 1e-16
    xi0 = _elu(num[:, :HID] / dd[:, 0:1] + b1_ref[:, :HID])
    xi1 = _elu(num[:, HID:] / dd[:, 1:2] + b1_ref[:, HID:])
    out_ref[...] = (jnp.dot(xi0, Wo_ref[:HID], preferred_element_type=jnp.float32)
                    + jnp.dot(xi1, Wo_ref[HID:], preferred_element_type=jnp.float32)
                    + bo_ref[...])


def _tc_post(acc, den, bias1, W_out, b_out):
    R = N_PAD // 5
    grid = (5,)
    return pl.pallas_call(
        _tc_post_body,
        grid=grid,
        in_specs=[
            pl.BlockSpec((2, R, HD), lambda i: (0, i, 0)),
            pl.BlockSpec((2, R, 16), lambda i: (0, i, 0)),
            pl.BlockSpec((1, HD), lambda i: (0, 0)),
            pl.BlockSpec((HD, OUT), lambda i: (0, 0)),
            pl.BlockSpec((1, OUT), lambda i: (0, 0)),
        ],
        out_specs=pl.BlockSpec((R, OUT), lambda i: (i, 0)),
        out_shape=jax.ShapeDtypeStruct((N_PAD, OUT), jnp.float32),
    )(acc, den, bias1, W_out, b_out)


_PERM = np.concatenate([np.concatenate([np.arange(32 * j, 32 * j + 32, 2),
                                        np.arange(32 * j + 1, 32 * j + 32, 2)])
                        for j in range(HD // 32)])


def kernel(x_user, x_item, edge_index_u2i, edge_index_i2u,
           W_user, b_user, W_item, b_item,
           Wl1, bl1, Wr1, br1, att1, bias1,
           Wl2, bl2, Wr2, br2, att2, bias2,
           W_out, b_out):
    E = edge_index_u2i.shape[1]
    xu_pad = jnp.pad(x_user, ((0, N_PAD - N), (0, 0)))
    xi_pad = jnp.pad(x_item, ((0, N_PAD - N), (0, 0)))
    att_flat = att1.reshape(1, HD)
    sel = jnp.zeros((HD, 16), jnp.float32)
    sel = sel.at[:HID, 0].set(1.0).at[HID:, 1].set(1.0)

    xl_tab, xr_tab, s_tab = _tc_pre(
        xu_pad, xi_pad, W_user, b_user.reshape(1, -1), W_item,
        b_item.reshape(1, -1), Wl1, bl1.reshape(1, -1), Wr1,
        br1.reshape(1, -1), att_flat, sel)

    loop = jnp.arange(N, dtype=jnp.int32)
    n_pad_e = E_PAD - N - E
    src = jnp.concatenate([edge_index_u2i[0].astype(jnp.int32), loop,
                           jnp.zeros((n_pad_e,), jnp.int32)])
    trash = (jnp.arange(n_pad_e, dtype=jnp.int32) % 128) + N
    dst = jnp.concatenate([edge_index_u2i[1].astype(jnp.int32), loop, trash])

    att_p = att_flat.reshape(HD)[_PERM]
    acc, den = _sc_edge(xl_tab, xr_tab, s_tab, src, dst, att_p)

    res = _tc_post(acc, den, bias1[_PERM].reshape(1, -1), W_out[_PERM],
                   b_out.reshape(1, -1))
    return res[:N]

# --- scband reference (transcript-rebuilt; emitter-appended) ---
"""Pipeline reference for scband-hetero-gatmodel-24739011625783 (READ-ONLY COPY).

The authoritative reference and input builder live on the scoring server;
editing this copy changes nothing except your own understanding.
"""

import jax, jax.numpy as jnp
import numpy as np

N = 10000
E = 320000
DF = 128
HID = 64
HEADS = 2
OUT = 32


def _glorot(key, shape):
    fan_in = shape[0]
    return jax.random.normal(key, shape, dtype=jnp.float32) * (1.0 / np.sqrt(fan_in))


def setup_inputs(seed: int = 0):
    key = jax.random.key(seed)
    ks = jax.random.split(key, 16)
    inp = {}
    inp['x_user'] = jax.random.normal(ks[0], (N, DF), dtype=jnp.float32)
    inp['x_item'] = jax.random.normal(ks[1], (N, DF), dtype=jnp.float32)
    inp['edge_index_u2i'] = jax.random.randint(ks[2], (2, E), 0, N)
    inp['edge_index_i2u'] = jax.random.randint(ks[3], (2, E), 0, N)
    # per-node-type input projections
    inp['W_user'] = _glorot(ks[4], (DF, HID)); inp['b_user'] = jnp.zeros((HID,), jnp.float32)
    inp['W_item'] = _glorot(ks[5], (DF, HID)); inp['b_item'] = jnp.zeros((HID,), jnp.float32)
    # GATv2Conv for ('user','to','item'): src dim HID, dst dim HID
    inp['Wl1'] = _glorot(ks[6], (HID, HEADS * HID)); inp['bl1'] = jnp.zeros((HEADS * HID,), jnp.float32)
    inp['Wr1'] = _glorot(ks[7], (HID, HEADS * HID)); inp['br1'] = jnp.zeros((HEADS * HID,), jnp.float32)
    inp['att1'] = _glorot(ks[8], (HEADS, HID))
    inp['bias1'] = jnp.zeros((HEADS * HID,), jnp.float32)
    # GATv2Conv for ('item','rev_to','user'): src dim HEADS*HID (updated item), dst dim HID
    inp['Wl2'] = _glorot(ks[9], (HEADS * HID, HEADS * HID)); inp['bl2'] = jnp.zeros((HEADS * HID,), jnp.float32)
    inp['Wr2'] = _glorot(ks[10], (HID, HEADS * HID)); inp['br2'] = jnp.zeros((HEADS * HID,), jnp.float32)
    inp['att2'] = _glorot(ks[11], (HEADS, HID))
    inp['bias2'] = jnp.zeros((HEADS * HID,), jnp.float32)
    # output head
    inp['W_out'] = _glorot(ks[12], (HEADS * HID, OUT)); inp['b_out'] = jnp.zeros((OUT,), jnp.float32)
    return inp


def _gatv2(x_src, x_dst, edge_index, Wl, bl, Wr, br, att, bias):
    # Faithful GATv2Conv (concat=True, negative_slope=0.2, add_self_loops=True, dropout=0 / eval)
    H, C = HEADS, HID
    xl = (x_src @ Wl + bl).reshape(-1, H, C)
    xr = (x_dst @ Wr + br).reshape(-1, H, C)
    n_dst = x_dst.shape[0]
    loop = jnp.arange(n_dst)
    src = jnp.concatenate([edge_index[0], loop])
    dst = jnp.concatenate([edge_index[1], loop])
    e = jax.nn.leaky_relu(xl[src] + xr[dst], negative_slope=0.2)  # [E+N, H, C]
    alpha = jnp.einsum('ehc,hc->eh', e, att)                      # [E+N, H]
    amax = jax.lax.stop_gradient(jax.ops.segment_max(alpha, dst, num_segments=n_dst))
    alpha = jnp.exp(alpha - amax[dst])
    denom = jax.ops.segment_sum(alpha, dst, num_segments=n_dst)
    alpha = alpha / (denom[dst] + 1e-16)
    out = jax.ops.segment_sum(xl[src] * alpha[:, :, None], dst, num_segments=n_dst)
    return out.reshape(n_dst, H * C) + bias


def reference(x_user, x_item, edge_index_u2i, edge_index_i2u,
              W_user, b_user, W_item, b_item,
              Wl1, bl1, Wr1, br1, att1, bias1,
              Wl2, bl2, Wr2, br2, att2, bias2,
              W_out, b_out):
    # per-type input lin + ELU (dropout_rate=0.0 / eval -> identity)
    xu = jax.nn.elu(x_user @ W_user + b_user)
    xi = jax.nn.elu(x_item @ W_item + b_item)
    # edge type ('user','to','item')
    xi = jax.nn.elu(_gatv2(xu, xi, edge_index_u2i, Wl1, bl1, Wr1, br1, att1, bias1))
    # edge type ('item','rev_to','user') uses the updated item features as src
    xu = jax.nn.elu(_gatv2(xi, xu, edge_index_i2u, Wl2, bl2, Wr2, br2, att2, bias2))
    # target node type is 'item'
    return xi @ W_out + b_out

if __name__ == "__main__":
    import jax
    _d = setup_inputs()
    print(jax.jit(kernel)(*tuple(_d.values())))

</pallas_src>

<mosaic_0001>
#map = affine_map<(d0, d1) -> (0, 0)>
#map1 = affine_map<(d0, d1) -> (0)>
#map2 = affine_map<(d0, d1) -> (0, 0, 0)>
module attributes {stable_mosaic.version = 14 : i64} {
  func.func @_sc_edge(%arg0: i32, %arg1: i32, %arg2: memref<10240x128xbf16, #tpu.memory_space<hbm>>, %arg3: memref<10240x128xbf16, #tpu.memory_space<hbm>>, %arg4: memref<10240x16xf32, #tpu.memory_space<hbm>>, %arg5: memref<335872xi32, #tpu.memory_space<hbm>>, %arg6: memref<335872xi32, #tpu.memory_space<hbm>>, %arg7: memref<128xf32, #tpu.memory_space<hbm>>, %arg8: memref<2x10240x128xf32, #tpu.memory_space<hbm>>, %arg9: memref<2x10240x16xf32, #tpu.memory_space<hbm>>, %arg10: memref<128xf32, #tpu.memory_space<vmem>>, %arg11: memref<64xi32, #tpu.memory_space<vmem>>, %arg12: memref<64xi32, #tpu.memory_space<vmem>>, %arg13: memref<64xi32, #tpu.memory_space<vmem>>, %arg14: memref<64xi32, #tpu.memory_space<vmem>>, %arg15: memref<64x128xbf16, #tpu.memory_space<vmem>>, %arg16: memref<64x128xbf16, #tpu.memory_space<vmem>>, %arg17: memref<64x128xbf16, #tpu.memory_space<vmem>>, %arg18: memref<64x128xbf16, #tpu.memory_space<vmem>>, %arg19: memref<64x128xf32, #tpu.memory_space<vmem>>, %arg20: memref<64x16xf32, #tpu.memory_space<vmem>>, %arg21: memref<64x16xf32, #tpu.memory_space<vmem>>, %arg22: memref<64x16xf32, #tpu.memory_space<vmem>>, %arg23: memref<64x16xf32, #tpu.memory_space<vmem>>, %arg24: memref<10240x128xf32, #tpu.memory_space<vmem_shared>>, %arg25: memref<10240x16xf32, #tpu.memory_space<vmem_shared>>, %arg26: memref<!tpu.dma_semaphore, #tpu.memory_space<semaphore_mem>>, %arg27: memref<!tpu.dma_semaphore, #tpu.memory_space<semaphore_mem>>, %arg28: memref<!tpu.dma_semaphore, #tpu.memory_space<semaphore_mem>>, %arg29: memref<!tpu.dma_semaphore, #tpu.memory_space<semaphore_mem>>) attributes {dimension_semantics = [#tpu.dimension_semantics<core_parallel>, #tpu.dimension_semantics<subcore_parallel>], iteration_bounds = array<i64: 2, 16>, scalar_prefetch = 0 : i64, scratch_operands = 20 : i64, tpu.core_type = #tpu.core_type<sc_vector_subcore>, window_params = [{transform_indices = #map}, {transform_indices = #map}, {transform_indices = #map}, {transform_indices = #map1}, {transform_indices = #map1}, {transform_indices = #map1}, {transform_indices = #map2}, {transform_indices = #map2}]} {
    %mul3A = arith.constant 2 : i32
    %mul3A_0 = arith.muli %arg1, %mul3A : i32
    %add3A = arith.addi %mul3A_0, %arg0 : i32
    %mul3A_1 = arith.constant 10496 : i32
    %mul3A_2 = arith.muli %add3A, %mul3A_1 : i32
    %broadcast_in_dim3A = arith.constant 0.000000e+00 : f32
    %broadcast_in_dim3A_3 = vector.broadcast %broadcast_in_dim3A : f32 to vector<16xf32>
    %scan3A = arith.constant 0 : i32
    %scan3A_4 = arith.constant 0 : i32
    %scan3A_5 = arith.constant 64 : i32
    %scan3A_6 = arith.addi %scan3A_4, %scan3A_5 : i32
    %scan3A_7 = arith.constant 1 : i32
    scf.for %scan3A_132 = %scan3A_4 to %scan3A_6 step %scan3A_7  : i32 {
      %swap3A = arith.index_cast %scan3A_132 : i32 to index
      %swap3A_133 = arith.constant 0 : index
      %swap3A_134 = tpu.vector_load %arg19[%swap3A, %swap3A_133] {strides = array<i32>} : memref<64x128xf32, #tpu.memory_space<vmem>>, vector<16xf32>,
      tpu.vector_store %arg19[%swap3A, %swap3A_133], %broadcast_in_dim3A_3 {strides = array<i32>} : memref<64x128xf32, #tpu.memory_space<vmem>>, vector<16xf32>,
      %swap3A_135 = arith.index_cast %scan3A_132 : i32 to index
      %swap3A_136 = arith.constant 16 : index
      %swap3A_137 = tpu.vector_load %arg19[%swap3A_135, %swap3A_136] {strides = array<i32>} : memref<64x128xf32, #tpu.memory_space<vmem>>, vector<16xf32>,
      tpu.vector_store %arg19[%swap3A_135, %swap3A_136], %broadcast_in_dim3A_3 {strides = array<i32>} : memref<64x128xf32, #tpu.memory_space<vmem>>, vector<16xf32>,
      %swap3A_138 = arith.index_cast %scan3A_132 : i32 to index
      %swap3A_139 = arith.constant 32 : index
      %swap3A_140 = tpu.vector_load %arg19[%swap3A_138, %swap3A_139] {strides = array<i32>} : memref<64x128xf32, #tpu.memory_space<vmem>>, vector<16xf32>,
      tpu.vector_store %arg19[%swap3A_138, %swap3A_139], %broadcast_in_dim3A_3 {strides = array<i32>} : memref<64x128xf32, #tpu.memory_space<vmem>>, vector<16xf32>,
      %swap3A_141 = arith.index_cast %scan3A_132 : i32 to index
      %swap3A_142 = arith.constant 48 : index
      %swap3A_143 = tpu.vector_load %arg19[%swap3A_141, %swap3A_142] {strides = array<i32>} : memref<64x128xf32, #tpu.memory_space<vmem>>, vector<16xf32>,
      tpu.vector_store %arg19[%swap3A_141, %swap3A_142], %broadcast_in_dim3A_3 {strides = array<i32>} : memref<64x128xf32, #tpu.memory_space<vmem>>, vector<16xf32>,
      %swap3A_144 = arith.index_cast %scan3A_132 : i32 to index
      %swap3A_145 = arith.constant 64 : index
      %swap3A_146 = tpu.vector_load %arg19[%swap3A_144, %swap3A_145] {strides = array<i32>} : memref<64x128xf32, #tpu.memory_space<vmem>>, vector<16xf32>,
      tpu.vector_store %arg19[%swap3A_144, %swap3A_145], %broadcast_in_dim3A_3 {strides = array<i32>} : memref<64x128xf32, #tpu.memory_space<vmem>>, vector<16xf32>,
      %swap3A_147 = arith.index_cast %scan3A_132 : i32 to index
      %swap3A_148 = arith.constant 80 : index
      %swap3A_149 = tpu.vector_load %arg19[%swap3A_147, %swap3A_148] {strides = array<i32>} : memref<64x128xf32, #tpu.memory_space<vmem>>, vector<16xf32>,
      tpu.vector_store %arg19[%swap3A_147, %swap3A_148], %broadcast_in_dim3A_3 {strides = array<i32>} : memref<64x128xf32, #tpu.memory_space<vmem>>, vector<16xf32>,
      %swap3A_150 = arith.index_cast %scan3A_132 : i32 to index
      %swap3A_151 = arith.constant 96 : index
      %swap3A_152 = tpu.vector_load %arg19[%swap3A_150, %swap3A_151] {strides = array<i32>} : memref<64x128xf32, #tpu.memory_space<vmem>>, vector<16xf32>,
      tpu.vector_store %arg19[%swap3A_150, %swap3A_151], %broadcast_in_dim3A_3 {strides = array<i32>} : memref<64x128xf32, #tpu.memory_space<vmem>>, vector<16xf32>,
      %swap3A_153 = arith.index_cast %scan3A_132 : i32 to index
      %swap3A_154 = arith.constant 112 : index
      %swap3A_155 = tpu.vector_load %arg19[%swap3A_153, %swap3A_154] {strides = array<i32>} : memref<64x128xf32, #tpu.memory_space<vmem>>, vector<16xf32>,
      tpu.vector_store %arg19[%swap3A_153, %swap3A_154], %broadcast_in_dim3A_3 {strides = array<i32>} : memref<64x128xf32, #tpu.memory_space<vmem>>, vector<16xf32>,
      %swap3A_156 = arith.index_cast %scan3A_132 : i32 to index
      %swap3A_157 = arith.constant 0 : index
      %swap3A_158 = tpu.vector_load %arg22[%swap3A_156, %swap3A_157] {strides = array<i32>} : memref<64x16xf32, #tpu.memory_space<vmem>>, vector<16xf32>,
      tpu.vector_store %arg22[%swap3A_156, %swap3A_157], %broadcast_in_dim3A_3 {strides = array<i32>} : memref<64x16xf32, #tpu.memory_space<vmem>>, vector<16xf32>,
      %swap3A_159 = arith.index_cast %scan3A_132 : i32 to index
      %swap3A_160 = arith.constant 0 : index
      %swap3A_161 = tpu.vector_load %arg23[%swap3A_159, %swap3A_160] {strides = array<i32>} : memref<64x16xf32, #tpu.memory_space<vmem>>, vector<16xf32>,
      tpu.vector_store %arg23[%swap3A_159, %swap3A_160], %broadcast_in_dim3A_3 {strides = array<i32>} : memref<64x16xf32, #tpu.memory_space<vmem>>, vector<16xf32>,
    }
    %scan3A_8 = arith.constant 64 : i32
    %mul3A_9 = arith.constant 640 : i32
    %mul3A_10 = arith.muli %arg1, %mul3A_9 : i32
    %add3A_11 = arith.constant 0 : i32
    %add3A_12 = arith.addi %mul3A_10, %add3A_11 : i32
    "tpu.region"() ({
      %run_scoped3A = tpu.sem_alloc : memref<!tpu.dma_semaphore, #tpu.memory_space<semaphore_mem>>
      %dma_start3A_132 = arith.constant 0 : i32
      %dma_start3A_133 = tpu.memref_slice %arg24[%add3A_12, %dma_start3A_132] : memref<10240x128xf32, #tpu.memory_space<vmem_shared>> -> memref<64x128xf32, #tpu.memory_space<vmem_shared>>
      %dma_start3A_134 = arith.constant 0 : i32
      %dma_start3A_135 = tpu.memref_slice %arg24[%add3A_12, %dma_start3A_134] : memref<10240x128xf32, #tpu.memory_space<vmem_shared>> -> memref<64x128xf32, #tpu.memory_space<vmem_shared>>
      tpu.enqueue_dma source(%arg19 : memref<64x128xf32, #tpu.memory_space<vmem>>) target(%dma_start3A_135 : memref<64x128xf32, #tpu.memory_space<vmem_shared>>) target_semaphore(%run_scoped3A : memref<!tpu.dma_semaphore, #tpu.memory_space<semaphore_mem>>)
      %dma_wait3A_136 = arith.constant 0 : i32
      %dma_wait3A_137 = tpu.memref_slice %arg24[%add3A_12, %dma_wait3A_136] : memref<10240x128xf32, #tpu.memory_space<vmem_shared>> -> memref<64x128xf32, #tpu.memory_space<vmem_shared>>
      %dma_wait3A_138 = arith.constant 0 : i32
      %dma_wait3A_139 = tpu.memref_slice %arg24[%add3A_12, %dma_wait3A_138] : memref<10240x128xf32, #tpu.memory_space<vmem_shared>> -> memref<64x128xf32, #tpu.memory_space<vmem_shared>>
      tpu.wait_dma2 semaphore(%run_scoped3A : memref<!tpu.dma_semaphore, #tpu.memory_space<semaphore_mem>>) src(%arg19 : memref<64x128xf32, #tpu.memory_space<vmem>>) dst(%dma_wait3A_139 : memref<64x128xf32, #tpu.memory_space<vmem_shared>>)
      tpu.yield
    }) : () -> ()
    %add3A_13 = arith.constant 0 : i32
    %add3A_14 = arith.addi %mul3A_10, %add3A_13 : i32
    "tpu.region"() ({
      %run_scoped3A = tpu.sem_alloc : memref<!tpu.dma_semaphore, #tpu.memory_space<semaphore_mem>>
      %dma_start3A_132 = arith.constant 0 : i32
      %dma_start3A_133 = tpu.memref_slice %arg25[%add3A_14, %dma_start3A_132] : memref<10240x16xf32, #tpu.memory_space<vmem_shared>> -> memref<64x16xf32, #tpu.memory_space<vmem_shared>>
      %dma_start3A_134 = arith.constant 0 : i32
      %dma_start3A_135 = tpu.memref_slice %arg25[%add3A_14, %dma_start3A_134] : memref<10240x16xf32, #tpu.memory_space<vmem_shared>> -> memref<64x16xf32, #tpu.memory_space<vmem_shared>>
      tpu.enqueue_dma source(%arg22 : memref<64x16xf32, #tpu.memory_space<vmem>>) target(%dma_start3A_135 : memref<64x16xf32, #tpu.memory_space<vmem_shared>>) target_semaphore(%run_scoped3A : memref<!tpu.dma_semaphore, #tpu.memory_space<semaphore_mem>>)
      %dma_wait3A_136 = arith.constant 0 : i32
      %dma_wait3A_137 = tpu.memref_slice %arg25[%add3A_14, %dma_wait3A_136] : memref<10240x16xf32, #tpu.memory_space<vmem_shared>> -> memref<64x16xf32, #tpu.memory_space<vmem_shared>>
      %dma_wait3A_138 = arith.constant 0 : i32
      %dma_wait3A_139 = tpu.memref_slice %arg25[%add3A_14, %dma_wait3A_138] : memref<10240x16xf32, #tpu.memory_space<vmem_shared>> -> memref<64x16xf32, #tpu.memory_space<vmem_shared>>
      tpu.wait_dma2 semaphore(%run_scoped3A : memref<!tpu.dma_semaphore, #tpu.memory_space<semaphore_mem>>) src(%arg22 : memref<64x16xf32, #tpu.memory_space<vmem>>) dst(%dma_wait3A_139 : memref<64x16xf32, #tpu.memory_space<vmem_shared>>)
      tpu.yield
    }) : () -> ()
    %add3A_15 = arith.constant 64 : i32
    %add3A_16 = arith.addi %mul3A_10, %add3A_15 : i32
    "tpu.region"() ({
      %run_scoped3A = tpu.sem_alloc : memref<!tpu.dma_semaphore, #tpu.memory_space<semaphore_mem>>
      %dma_start3A_132 = arith.constant 0 : i32
      %dma_start3A_133 = tpu.memref_slice %arg24[%add3A_16, %dma_start3A_132] : memref<10240x128xf32, #tpu.memory_space<vmem_shared>> -> memref<64x128xf32, #tpu.memory_space<vmem_shared>>
      %dma_start3A_134 = arith.constant 0 : i32
      %dma_start3A_135 = tpu.memref_slice %arg24[%add3A_16, %dma_start3A_134] : memref<10240x128xf32, #tpu.memory_space<vmem_shared>> -> memref<64x128xf32, #tpu.memory_space<vmem_shared>>
      tpu.enqueue_dma source(%arg19 : memref<64x128xf32, #tpu.memory_space<vmem>>) target(%dma_start3A_135 : memref<64x128xf32, #tpu.memory_space<vmem_shared>>) target_semaphore(%run_scoped3A : memref<!tpu.dma_semaphore, #tpu.memory_space<semaphore_mem>>)
      %dma_wait3A_136 = arith.constant 0 : i32
      %dma_wait3A_137 = tpu.memref_slice %arg24[%add3A_16, %dma_wait3A_136] : memref<10240x128xf32, #tpu.memory_space<vmem_shared>> -> memref<64x128xf32, #tpu.memory_space<vmem_shared>>
      %dma_wait3A_138 = arith.constant 0 : i32
      %dma_wait3A_139 = tpu.memref_slice %arg24[%add3A_16, %dma_wait3A_138] : memref<10240x128xf32, #tpu.memory_space<vmem_shared>> -> memref<64x128xf32, #tpu.memory_space<vmem_shared>>
      tpu.wait_dma2 semaphore(%run_scoped3A : memref<!tpu.dma_semaphore, #tpu.memory_space<semaphore_mem>>) src(%arg19 : memref<64x128xf32, #tpu.memory_space<vmem>>) dst(%dma_wait3A_139 : memref<64x128xf32, #tpu.memory_space<vmem_shared>>)
      tpu.yield
    }) : () -> ()
    %add3A_17 = arith.constant 64 : i32
    %add3A_18 = arith.addi %mul3A_10, %add3A_17 : i32
    "tpu.region"() ({
      %run_scoped3A = tpu.sem_alloc : memref<!tpu.dma_semaphore, #tpu.memory_space<semaphore_mem>>
      %dma_start3A_132 = arith.constant 0 : i32
      %dma_start3A_133 = tpu.memref_slice %arg25[%add3A_18, %dma_start3A_132] : memref<10240x16xf32, #tpu.memory_space<vmem_shared>> -> memref<64x16xf32, #tpu.memory_space<vmem_shared>>
      %dma_start3A_134 = arith.constant 0 : i32
      %dma_start3A_135 = tpu.memref_slice %arg25[%add3A_18, %dma_start3A_134] : memref<10240x16xf32, #tpu.memory_space<vmem_shared>> -> memref<64x16xf32, #tpu.memory_space<vmem_shared>>
      tpu.enqueue_dma source(%arg22 : memref<64x16xf32, #tpu.memory_space<vmem>>) target(%dma_start3A_135 : memref<64x16xf32, #tpu.memory_space<vmem_shared>>) target_semaphore(%run_scoped3A : memref<!tpu.dma_semaphore, #tpu.memory_space<semaphore_mem>>)
      %dma_wait3A_136 = arith.constant 0 : i32
      %dma_wait3A_137 = tpu.memref_slice %arg25[%add3A_18, %dma_wait3A_136] : memref<10240x16xf32, #tpu.memory_space<vmem_shared>> -> memref<64x16xf32, #tpu.memory_space<vmem_shared>>
      %dma_wait3A_138 = arith.constant 0 : i32
      %dma_wait3A_139 = tpu.memref_slice %arg25[%add3A_18, %dma_wait3A_138] : memref<10240x16xf32, #tpu.memory_space<vmem_shared>> -> memref<64x16xf32, #tpu.memory_space<vmem_shared>>
      tpu.wait_dma2 semaphore(%run_scoped3A : memref<!tpu.dma_semaphore, #tpu.memory_space<semaphore_mem>>) src(%arg22 : memref<64x16xf32, #tpu.memory_space<vmem>>) dst(%dma_wait3A_139 : memref<64x16xf32, #tpu.memory_space<vmem_shared>>)
      tpu.yield
    }) : () -> ()
    %add3A_19 = arith.constant 128 : i32
    %add3A_20 = arith.addi %mul3A_10, %add3A_19 : i32
    "tpu.region"() ({
      %run_scoped3A = tpu.sem_alloc : memref<!tpu.dma_semaphore, #tpu.memory_space<semaphore_mem>>
      %dma_start3A_132 = arith.constant 0 : i32
      %dma_start3A_133 = tpu.memref_slice %arg24[%add3A_20, %dma_start3A_132] : memref<10240x128xf32, #tpu.memory_space<vmem_shared>> -> memref<64x128xf32, #tpu.memory_space<vmem_shared>>
      %dma_start3A_134 = arith.constant 0 : i32
      %dma_start3A_135 = tpu.memref_slice %arg24[%add3A_20, %dma_start3A_134] : memref<10240x128xf32, #tpu.memory_space<vmem_shared>> -> memref<64x128xf32, #tpu.memory_space<vmem_shared>>
      tpu.enqueue_dma source(%arg19 : memref<64x128xf32, #tpu.memory_space<vmem>>) target(%dma_start3A_135 : memref<64x128xf32, #tpu.memory_space<vmem_shared>>) target_semaphore(%run_scoped3A : memref<!tpu.dma_semaphore, #tpu.memory_space<semaphore_mem>>)
      %dma_wait3A_136 = arith.constant 0 : i32
      %dma_wait3A_137 = tpu.memref_slice %arg24[%add3A_20, %dma_wait3A_136] : memref<10240x128xf32, #tpu.memory_space<vmem_shared>> -> memref<64x128xf32, #tpu.memory_space<vmem_shared>>
      %dma_wait3A_138 = arith.constant 0 : i32
      %dma_wait3A_139 = tpu.memref_slice %arg24[%add3A_20, %dma_wait3A_138] : memref<10240x128xf32, #tpu.memory_space<vmem_shared>> -> memref<64x128xf32, #tpu.memory_space<vmem_shared>>
      tpu.wait_dma2 semaphore(%run_scoped3A : memref<!tpu.dma_semaphore, #tpu.memory_space<semaphore_mem>>) src(%arg19 : memref<64x128xf32, #tpu.memory_space<vmem>>) dst(%dma_wait3A_139 : memref<64x128xf32, #tpu.memory_space<vmem_shared>>)
      tpu.yield
    }) : () -> ()
    %add3A_21 = arith.constant 128 : i32
    %add3A_22 = arith.addi %mul3A_10, %add3A_21 : i32
    "tpu.region"() ({
      %run_scoped3A = tpu.sem_alloc : memref<!tpu.dma_semaphore, #tpu.memory_space<semaphore_mem>>
      %dma_start3A_132 = arith.constant 0 : i32
      %dma_start3A_133 = tpu.memref_slice %arg25[%add3A_22, %dma_start3A_132] : memref<10240x16xf32, #tpu.memory_space<vmem_shared>> -> memref<64x16xf32, #tpu.memory_space<vmem_shared>>
      %dma_start3A_134 = arith.constant 0 : i32
      %dma_start3A_135 = tpu.memref_slice %arg25[%add3A_22, %dma_start3A_134] : memref<10240x16xf32, #tpu.memory_space<vmem_shared>> -> memref<64x16xf32, #tpu.memory_space<vmem_shared>>
      tpu.enqueue_dma source(%arg22 : memref<64x16xf32, #tpu.memory_space<vmem>>) target(%dma_start3A_135 : memref<64x16xf32, #tpu.memory_space<vmem_shared>>) target_semaphore(%run_scoped3A : memref<!tpu.dma_semaphore, #tpu.memory_space<semaphore_mem>>)
      %dma_wait3A_136 = arith.constant 0 : i32
      %dma_wait3A_137 = tpu.memref_slice %arg25[%add3A_22, %dma_wait3A_136] : memref<10240x16xf32, #tpu.memory_space<vmem_shared>> -> memref<64x16xf32, #tpu.memory_space<vmem_shared>>
      %dma_wait3A_138 = arith.constant 0 : i32
      %dma_wait3A_139 = tpu.memref_slice %arg25[%add3A_22, %dma_wait3A_138] : memref<10240x16xf32, #tpu.memory_space<vmem_shared>> -> memref<64x16xf32, #tpu.memory_space<vmem_shared>>
      tpu.wait_dma2 semaphore(%run_scoped3A : memref<!tpu.dma_semaphore, #tpu.memory_space<semaphore_mem>>) src(%arg22 : memref<64x16xf32, #tpu.memory_space<vmem>>) dst(%dma_wait3A_139 : memref<64x16xf32, #tpu.memory_space<vmem_shared>>)
      tpu.yield
    }) : () -> ()
    %add3A_23 = arith.constant 192 : i32
    %add3A_24 = arith.addi %mul3A_10, %add3A_23 : i32
    "tpu.region"() ({
      %run_scoped3A = tpu.sem_alloc : memref<!tpu.dma_semaphore, #tpu.memory_space<semaphore_mem>>
      %dma_start3A_132 = arith.constant 0 : i32
      %dma_start3A_133 = tpu.memref_slice %arg24[%add3A_24, %dma_start3A_132] : memref<10240x128xf32, #tpu.memory_space<vmem_shared>> -> memref<64x128xf32, #tpu.memory_space<vmem_shared>>
      %dma_start3A_134 = arith.constant 0 : i32
      %dma_start3A_135 = tpu.memref_slice %arg24[%add3A_24, %dma_start3A_134] : memref<10240x128xf32, #tpu.memory_space<vmem_shared>> -> memref<64x128xf32, #tpu.memory_space<vmem_shared>>
      tpu.enqueue_dma source(%arg19 : memref<64x128xf32, #tpu.memory_space<vmem>>) target(%dma_start3A_135 : memref<64x128xf32, #tpu.memory_space<vmem_shared>>) target_semaphore(%run_scoped3A : memref<!tpu.dma_semaphore, #tpu.memory_space<semaphore_mem>>)
      %dma_wait3A_136 = arith.constant 0 : i32
      %dma_wait3A_137 = tpu.memref_slice %arg24[%add3A_24, %dma_wait3A_136] : memref<10240x128xf32, #tpu.memory_space<vmem_shared>> -> memref<64x128xf32, #tpu.memory_space<vmem_shared>>
      %dma_wait3A_138 = arith.constant 0 : i32
      %dma_wait3A_139 = tpu.memref_slice %arg24[%add3A_24, %dma_wait3A_138] : memref<10240x128xf32, #tpu.memory_space<vmem_shared>> -> memref<64x128xf32, #tpu.memory_space<vmem_shared>>
      tpu.wait_dma2 semaphore(%run_scoped3A : memref<!tpu.dma_semaphore, #tpu.memory_space<semaphore_mem>>) src(%arg19 : memref<64x128xf32, #tpu.memory_space<vmem>>) dst(%dma_wait3A_139 : memref<64x128xf32, #tpu.memory_space<vmem_shared>>)
      tpu.yield
    }) : () -> ()
    %add3A_25 = arith.constant 192 : i32
    %add3A_26 = arith.addi %mul3A_10, %add3A_25 : i32
    "tpu.region"() ({
      %run_scoped3A = tpu.sem_alloc : memref<!tpu.dma_semaphore, #tpu.memory_space<semaphore_mem>>
      %dma_start3A_132 = arith.constant 0 : i32
      %dma_start3A_133 = tpu.memref_slice %arg25[%add3A_26, %dma_start3A_132] : memref<10240x16xf32, #tpu.memory_space<vmem_shared>> -> memref<64x16xf32, #tpu.memory_space<vmem_shared>>
      %dma_start3A_134 = arith.constant 0 : i32
      %dma_start3A_135 = tpu.memref_slice %arg25[%add3A_26, %dma_start3A_134] : memref<10240x16xf32, #tpu.memory_space<vmem_shared>> -> memref<64x16xf32, #tpu.memory_space<vmem_shared>>
      tpu.enqueue_dma source(%arg22 : memref<64x16xf32, #tpu.memory_space<vmem>>) target(%dma_start3A_135 : memref<64x16xf32, #tpu.memory_space<vmem_shared>>) target_semaphore(%run_scoped3A : memref<!tpu.dma_semaphore, #tpu.memory_space<semaphore_mem>>)
      %dma_wait3A_136 = arith.constant 0 : i32
      %dma_wait3A_137 = tpu.memref_slice %arg25[%add3A_26, %dma_wait3A_136] : memref<10240x16xf32, #tpu.memory_space<vmem_shared>> -> memref<64x16xf32, #tpu.memory_space<vmem_shared>>
      %dma_wait3A_138 = arith.constant 0 : i32
      %dma_wait3A_139 = tpu.memref_slice %arg25[%add3A_26, %dma_wait3A_138] : memref<10240x16xf32, #tpu.memory_space<vmem_shared>> -> memref<64x16xf32, #tpu.memory_space<vmem_shared>>
      tpu.wait_dma2 semaphore(%run_scoped3A : memref<!tpu.dma_semaphore, #tpu.memory_space<semaphore_mem>>) src(%arg22 : memref<64x16xf32, #tpu.memory_space<vmem>>) dst(%dma_wait3A_139 : memref<64x16xf32, #tpu.memory_space<vmem_shared>>)
      tpu.yield
    }) : () -> ()
    %add3A_27 = arith.constant 256 : i32
    %add3A_28 = arith.addi %mul3A_10, %add3A_27 : i32
    "tpu.region"() ({
      %run_scoped3A = tpu.sem_alloc : memref<!tpu.dma_semaphore, #tpu.memory_space<semaphore_mem>>
      %dma_start3A_132 = arith.constant 0 : i32
      %dma_start3A_133 = tpu.memref_slice %arg24[%add3A_28, %dma_start3A_132] : memref<10240x128xf32, #tpu.memory_space<vmem_shared>> -> memref<64x128xf32, #tpu.memory_space<vmem_shared>>
      %dma_start3A_134 = arith.constant 0 : i32
      %dma_start3A_135 = tpu.memref_slice %arg24[%add3A_28, %dma_start3A_134] : memref<10240x128xf32, #tpu.memory_space<vmem_shared>> -> memref<64x128xf32, #tpu.memory_space<vmem_shared>>
      tpu.enqueue_dma source(%arg19 : memref<64x128xf32, #tpu.memory_space<vmem>>) target(%dma_start3A_135 : memref<64x128xf32, #tpu.memory_space<vmem_shared>>) target_semaphore(%run_scoped3A : memref<!tpu.dma_semaphore, #tpu.memory_space<semaphore_mem>>)
      %dma_wait3A_136 = arith.constant 0 : i32
      %dma_wait3A_137 = tpu.memref_slice %arg24[%add3A_28, %dma_wait3A_136] : memref<10240x128xf32, #tpu.memory_space<vmem_shared>> -> memref<64x128xf32, #tpu.memory_space<vmem_shared>>
      %dma_wait3A_138 = arith.constant 0 : i32
      %dma_wait3A_139 = tpu.memref_slice %arg24[%add3A_28, %dma_wait3A_138] : memref<10240x128xf32, #tpu.memory_space<vmem_shared>> -> memref<64x128xf32, #tpu.memory_space<vmem_shared>>
      tpu.wait_dma2 semaphore(%run_scoped3A : memref<!tpu.dma_semaphore, #tpu.memory_space<semaphore_mem>>) src(%arg19 : memref<64x128xf32, #tpu.memory_space<vmem>>) dst(%dma_wait3A_139 : memref<64x128xf32, #tpu.memory_space<vmem_shared>>)
      tpu.yield
    }) : () -> ()
    %add3A_29 = arith.constant 256 : i32
    %add3A_30 = arith.addi %mul3A_10, %add3A_29 : i32
    "tpu.region"() ({
      %run_scoped3A = tpu.sem_alloc : memref<!tpu.dma_semaphore, #tpu.memory_space<semaphore_mem>>
      %dma_start3A_132 = arith.constant 0 : i32
      %dma_start3A_133 = tpu.memref_slice %arg25[%add3A_30, %dma_start3A_132] : memref<10240x16xf32, #tpu.memory_space<vmem_shared>> -> memref<64x16xf32, #tpu.memory_space<vmem_shared>>
      %dma_start3A_134 = arith.constant 0 : i32
      %dma_start3A_135 = tpu.memref_slice %arg25[%add3A_30, %dma_start3A_134] : memref<10240x16xf32, #tpu.memory_space<vmem_shared>> -> memref<64x16xf32, #tpu.memory_space<vmem_shared>>
      tpu.enqueue_dma source(%arg22 : memref<64x16xf32, #tpu.memory_space<vmem>>) target(%dma_start3A_135 : memref<64x16xf32, #tpu.memory_space<vmem_shared>>) target_semaphore(%run_scoped3A : memref<!tpu.dma_semaphore, #tpu.memory_space<semaphore_mem>>)
      %dma_wait3A_136 = arith.constant 0 : i32
      %dma_wait3A_137 = tpu.memref_slice %arg25[%add3A_30, %dma_wait3A_136] : memref<10240x16xf32, #tpu.memory_space<vmem_shared>> -> memref<64x16xf32, #tpu.memory_space<vmem_shared>>
      %dma_wait3A_138 = arith.constant 0 : i32
      %dma_wait3A_139 = tpu.memref_slice %arg25[%add3A_30, %dma_wait3A_138] : memref<10240x16xf32, #tpu.memory_space<vmem_shared>> -> memref<64x16xf32, #tpu.memory_space<vmem_shared>>
      tpu.wait_dma2 semaphore(%run_scoped3A : memref<!tpu.dma_semaphore, #tpu.memory_space<semaphore_mem>>) src(%arg22 : memref<64x16xf32, #tpu.memory_space<vmem>>) dst(%dma_wait3A_139 : memref<64x16xf32, #tpu.memory_space<vmem_shared>>)
      tpu.yield
    }) : () -> ()
    %add3A_31 = arith.constant 320 : i32
    %add3A_32 = arith.addi %mul3A_10, %add3A_31 : i32
    "tpu.region"() ({
      %run_scoped3A = tpu.sem_alloc : memref<!tpu.dma_semaphore, #tpu.memory_space<semaphore_mem>>
      %dma_start3A_132 = arith.constant 0 : i32
      %dma_start3A_133 = tpu.memref_slice %arg24[%add3A_32, %dma_start3A_132] : memref<10240x128xf32, #tpu.memory_space<vmem_shared>> -> memref<64x128xf32, #tpu.memory_space<vmem_shared>>
      %dma_start3A_134 = arith.constant 0 : i32
      %dma_start3A_135 = tpu.memref_slice %arg24[%add3A_32, %dma_start3A_134] : memref<10240x128xf32, #tpu.memory_space<vmem_shared>> -> memref<64x128xf32, #tpu.memory_space<vmem_shared>>
      tpu.enqueue_dma source(%arg19 : memref<64x128xf32, #tpu.memory_space<vmem>>) target(%dma_start3A_135 : memref<64x128xf32, #tpu.memory_space<vmem_shared>>) target_semaphore(%run_scoped3A : memref<!tpu.dma_semaphore, #tpu.memory_space<semaphore_mem>>)
      %dma_wait3A_136 = arith.constant 0 : i32
      %dma_wait3A_137 = tpu.memref_slice %arg24[%add3A_32, %dma_wait3A_136] : memref<10240x128xf32, #tpu.memory_space<vmem_shared>> -> memref<64x128xf32, #tpu.memory_space<vmem_shared>>
      %dma_wait3A_138 = arith.constant 0 : i32
      %dma_wait3A_139 = tpu.memref_slice %arg24[%add3A_32, %dma_wait3A_138] : memref<10240x128xf32, #tpu.memory_space<vmem_shared>> -> memref<64x128xf32, #tpu.memory_space<vmem_shared>>
      tpu.wait_dma2 semaphore(%run_scoped3A : memref<!tpu.dma_semaphore, #tpu.memory_space<semaphore_mem>>) src(%arg19 : memref<64x128xf32, #tpu.memory_space<vmem>>) dst(%dma_wait3A_139 : memref<64x128xf32, #tpu.memory_space<vmem_shared>>)
      tpu.yield
    }) : () -> ()
    %add3A_33 = arith.constant 320 : i32
    %add3A_34 = arith.addi %mul3A_10, %add3A_33 : i32
    "tpu.region"() ({
      %run_scoped3A = tpu.sem_alloc : memref<!tpu.dma_semaphore, #tpu.memory_space<semaphore_mem>>
      %dma_start3A_132 = arith.constant 0 : i32
      %dma_start3A_133 = tpu.memref_slice %arg25[%add3A_34, %dma_start3A_132] : memref<10240x16xf32, #tpu.memory_space<vmem_shared>> -> memref<64x16xf32, #tpu.memory_space<vmem_shared>>
      %dma_start3A_134 = arith.constant 0 : i32
      %dma_start3A_135 = tpu.memref_slice %arg25[%add3A_34, %dma_start3A_134] : memref<10240x16xf32, #tpu.memory_space<vmem_shared>> -> memref<64x16xf32, #tpu.memory_space<vmem_shared>>
      tpu.enqueue_dma source(%arg22 : memref<64x16xf32, #tpu.memory_space<vmem>>) target(%dma_start3A_135 : memref<64x16xf32, #tpu.memory_space<vmem_shared>>) target_semaphore(%run_scoped3A : memref<!tpu.dma_semaphore, #tpu.memory_space<semaphore_mem>>)
      %dma_wait3A_136 = arith.constant 0 : i32
      %dma_wait3A_137 = tpu.memref_slice %arg25[%add3A_34, %dma_wait3A_136] : memref<10240x16xf32, #tpu.memory_space<vmem_shared>> -> memref<64x16xf32, #tpu.memory_space<vmem_shared>>
      %dma_wait3A_138 = arith.constant 0 : i32
      %dma_wait3A_139 = tpu.memref_slice %arg25[%add3A_34, %dma_wait3A_138] : memref<10240x16xf32, #tpu.memory_space<vmem_shared>> -> memref<64x16xf32, #tpu.memory_space<vmem_shared>>
      tpu.wait_dma2 semaphore(%run_scoped3A : memref<!tpu.dma_semaphore, #tpu.memory_space<semaphore_mem>>) src(%arg22 : memref<64x16xf32, #tpu.memory_space<vmem>>) dst(%dma_wait3A_139 : memref<64x16xf32, #tpu.memory_space<vmem_shared>>)
      tpu.yield
    }) : () -> ()
    %add3A_35 = arith.constant 384 : i32
    %add3A_36 = arith.addi %mul3A_10, %add3A_35 : i32
    "tpu.region"() ({
      %run_scoped3A = tpu.sem_alloc : memref<!tpu.dma_semaphore, #tpu.memory_space<semaphore_mem>>
      %dma_start3A_132 = arith.constant 0 : i32
      %dma_start3A_133 = tpu.memref_slice %arg24[%add3A_36, %dma_start3A_132] : memref<10240x128xf32, #tpu.memory_space<vmem_shared>> -> memref<64x128xf32, #tpu.memory_space<vmem_shared>>
      %dma_start3A_134 = arith.constant 0 : i32
      %dma_start3A_135 = tpu.memref_slice %arg24[%add3A_36, %dma_start3A_134] : memref<10240x128xf32, #tpu.memory_space<vmem_shared>> -> memref<64x128xf32, #tpu.memory_space<vmem_shared>>
      tpu.enqueue_dma source(%arg19 : memref<64x128xf32, #tpu.memory_space<vmem>>) target(%dma_start3A_135 : memref<64x128xf32, #tpu.memory_space<vmem_shared>>) target_semaphore(%run_scoped3A : memref<!tpu.dma_semaphore, #tpu.memory_space<semaphore_mem>>)
      %dma_wait3A_136 = arith.constant 0 : i32
      %dma_wait3A_137 = tpu.memref_slice %arg24[%add3A_36, %dma_wait3A_136] : memref<10240x128xf32, #tpu.memory_space<vmem_shared>> -> memref<64x128xf32, #tpu.memory_space<vmem_shared>>
      %dma_wait3A_138 = arith.constant 0 : i32
      %dma_wait3A_139 = tpu.memref_slice %arg24[%add3A_36, %dma_wait3A_138] : memref<10240x128xf32, #tpu.memory_space<vmem_shared>> -> memref<64x128xf32, #tpu.memory_space<vmem_shared>>
      tpu.wait_dma2 semaphore(%run_scoped3A : memref<!tpu.dma_semaphore, #tpu.memory_space<semaphore_mem>>) src(%arg19 : memref<64x128xf32, #tpu.memory_space<vmem>>) dst(%dma_wait3A_139 : memref<64x128xf32, #tpu.memory_space<vmem_shared>>)
      tpu.yield
    }) : () -> ()
    %add3A_37 = arith.constant 384 : i32
    %add3A_38 = arith.addi %mul3A_10, %add3A_37 : i32
    "tpu.region"() ({
      %run_scoped3A = tpu.sem_alloc : memref<!tpu.dma_semaphore, #tpu.memory_space<semaphore_mem>>
      %dma_start3A_132 = arith.constant 0 : i32
      %dma_start3A_133 = tpu.memref_slice %arg25[%add3A_38, %dma_start3A_132] : memref<10240x16xf32, #tpu.memory_space<vmem_shared>> -> memref<64x16xf32, #tpu.memory_space<vmem_shared>>
      %dma_start3A_134 = arith.constant 0 : i32
      %dma_start3A_135 = tpu.memref_slice %arg25[%add3A_38, %dma_start3A_134] : memref<10240x16xf32, #tpu.memory_space<vmem_shared>> -> memref<64x16xf32, #tpu.memory_space<vmem_shared>>
      tpu.enqueue_dma source(%arg22 : memref<64x16xf32, #tpu.memory_space<vmem>>) target(%dma_start3A_135 : memref<64x16xf32, #tpu.memory_space<vmem_shared>>) target_semaphore(%run_scoped3A : memref<!tpu.dma_semaphore, #tpu.memory_space<semaphore_mem>>)
      %dma_wait3A_136 = arith.constant 0 : i32
      %dma_wait3A_137 = tpu.memref_slice %arg25[%add3A_38, %dma_wait3A_136] : memref<10240x16xf32, #tpu.memory_space<vmem_shared>> -> memref<64x16xf32, #tpu.memory_space<vmem_shared>>
      %dma_wait3A_138 = arith.constant 0 : i32
      %dma_wait3A_139 = tpu.memref_slice %arg25[%add3A_38, %dma_wait3A_138] : memref<10240x16xf32, #tpu.memory_space<vmem_shared>> -> memref<64x16xf32, #tpu.memory_space<vmem_shared>>
      tpu.wait_dma2 semaphore(%run_scoped3A : memref<!tpu.dma_semaphore, #tpu.memory_space<semaphore_mem>>) src(%arg22 : memref<64x16xf32, #tpu.memory_space<vmem>>) dst(%dma_wait3A_139 : memref<64x16xf32, #tpu.memory_space<vmem_shared>>)
      tpu.yield
    }) : () -> ()
    %add3A_39 = arith.constant 448 : i32
    %add3A_40 = arith.addi %mul3A_10, %add3A_39 : i32
    "tpu.region"() ({
      %run_scoped3A = tpu.sem_alloc : memref<!tpu.dma_semaphore, #tpu.memory_space<semaphore_mem>>
      %dma_start3A_132 = arith.constant 0 : i32
      %dma_start3A_133 = tpu.memref_slice %arg24[%add3A_40, %dma_start3A_132] : memref<10240x128xf32, #tpu.memory_space<vmem_shared>> -> memref<64x128xf32, #tpu.memory_space<vmem_shared>>
      %dma_start3A_134 = arith.constant 0 : i32
      %dma_start3A_135 = tpu.memref_slice %arg24[%add3A_40, %dma_start3A_134] : memref<10240x128xf32, #tpu.memory_space<vmem_shared>> -> memref<64x128xf32, #tpu.memory_space<vmem_shared>>
      tpu.enqueue_dma source(%arg19 : memref<64x128xf32, #tpu.memory_space<vmem>>) target(%dma_start3A_135 : memref<64x128xf32, #tpu.memory_space<vmem_shared>>) target_semaphore(%run_scoped3A : memref<!tpu.dma_semaphore, #tpu.memory_space<semaphore_mem>>)
      %dma_wait3A_136 = arith.constant 0 : i32
      %dma_wait3A_137 = tpu.memref_slice %arg24[%add3A_40, %dma_wait3A_136] : memref<10240x128xf32, #tpu.memory_space<vmem_shared>> -> memref<64x128xf32, #tpu.memory_space<vmem_shared>>
      %dma_wait3A_138 = arith.constant 0 : i32
      %dma_wait3A_139 = tpu.memref_slice %arg24[%add3A_40, %dma_wait3A_138] : memref<10240x128xf32, #tpu.memory_space<vmem_shared>> -> memref<64x128xf32, #tpu.memory_space<vmem_shared>>
      tpu.wait_dma2 semaphore(%run_scoped3A : memref<!tpu.dma_semaphore, #tpu.memory_space<semaphore_mem>>) src(%arg19 : memref<64x128xf32, #tpu.memory_space<vmem>>) dst(%dma_wait3A_139 : memref<64x128xf32, #tpu.memory_space<vmem_shared>>)
      tpu.yield
    }) : () -> ()
    %add3A_41 = arith.constant 448 : i32
    %add3A_42 = arith.addi %mul3A_10, %add3A_41 : i32
    "tpu.region"() ({
      %run_scoped3A = tpu.sem_alloc : memref<!tpu.dma_semaphore, #tpu.memory_space<semaphore_mem>>
      %dma_start3A_132 = arith.constant 0 : i32
      %dma_start3A_133 = tpu.memref_slice %arg25[%add3A_42, %dma_start3A_132] : memref<10240x16xf32, #tpu.memory_space<vmem_shared>> -> memref<64x16xf32, #tpu.memory_space<vmem_shared>>
      %dma_start3A_134 = arith.constant 0 : i32
      %dma_start3A_135 = tpu.memref_slice %arg25[%add3A_42, %dma_start3A_134] : memref<10240x16xf32, #tpu.memory_space<vmem_shared>> -> memref<64x16xf32, #tpu.memory_space<vmem_shared>>
      tpu.enqueue_dma source(%arg22 : memref<64x16xf32, #tpu.memory_space<vmem>>) target(%dma_start3A_135 : memref<64x16xf32, #tpu.memory_space<vmem_shared>>) target_semaphore(%run_scoped3A : memref<!tpu.dma_semaphore, #tpu.memory_space<semaphore_mem>>)
      %dma_wait3A_136 = arith.constant 0 : i32
      %dma_wait3A_137 = tpu.memref_slice %arg25[%add3A_42, %dma_wait3A_136] : memref<10240x16xf32, #tpu.memory_space<vmem_shared>> -> memref<64x16xf32, #tpu.memory_space<vmem_shared>>
      %dma_wait3A_138 = arith.constant 0 : i32
      %dma_wait3A_139 = tpu.memref_slice %arg25[%add3A_42, %dma_wait3A_138] : memref<10240x16xf32, #tpu.memory_space<vmem_shared>> -> memref<64x16xf32, #tpu.memory_space<vmem_shared>>
      tpu.wait_dma2 semaphore(%run_scoped3A : memref<!tpu.dma_semaphore, #tpu.memory_space<semaphore_mem>>) src(%arg22 : memref<64x16xf32, #tpu.memory_space<vmem>>) dst(%dma_wait3A_139 : memref<64x16xf32, #tpu.memory_space<vmem_shared>>)
      tpu.yield
    }) : () -> ()
    %add3A_43 = arith.constant 512 : i32
    %add3A_44 = arith.addi %mul3A_10, %add3A_43 : i32
    "tpu.region"() ({
      %run_scoped3A = tpu.sem_alloc : memref<!tpu.dma_semaphore, #tpu.memory_space<semaphore_mem>>
      %dma_start3A_132 = arith.constant 0 : i32
      %dma_start3A_133 = tpu.memref_slice %arg24[%add3A_44, %dma_start3A_132] : memref<10240x128xf32, #tpu.memory_space<vmem_shared>> -> memref<64x128xf32, #tpu.memory_space<vmem_shared>>
      %dma_start3A_134 = arith.constant 0 : i32
      %dma_start3A_135 = tpu.memref_slice %arg24[%add3A_44, %dma_start3A_134] : memref<10240x128xf32, #tpu.memory_space<vmem_shared>> -> memref<64x128xf32, #tpu.memory_space<vmem_shared>>
      tpu.enqueue_dma source(%arg19 : memref<64x128xf32, #tpu.memory_space<vmem>>) target(%dma_start3A_135 : memref<64x128xf32, #tpu.memory_space<vmem_shared>>) target_semaphore(%run_scoped3A : memref<!tpu.dma_semaphore, #tpu.memory_space<semaphore_mem>>)
      %dma_wait3A_136 = arith.constant 0 : i32
      %dma_wait3A_137 = tpu.memref_slice %arg24[%add3A_44, %dma_wait3A_136] : memref<10240x128xf32, #tpu.memory_space<vmem_shared>> -> memref<64x128xf32, #tpu.memory_space<vmem_shared>>
      %dma_wait3A_138 = arith.constant 0 : i32
      %dma_wait3A_139 = tpu.memref_slice %arg24[%add3A_44, %dma_wait3A_138] : memref<10240x128xf32, #tpu.memory_space<vmem_shared>> -> memref<64x128xf32, #tpu.memory_space<vmem_shared>>
      tpu.wait_dma2 semaphore(%run_scoped3A : memref<!tpu.dma_semaphore, #tpu.memory_space<semaphore_mem>>) src(%arg19 : memref<64x128xf32, #tpu.memory_space<vmem>>) dst(%dma_wait3A_139 : memref<64x128xf32, #tpu.memory_space<vmem_shared>>)
      tpu.yield
    }) : () -> ()
    %add3A_45 = arith.constant 512 : i32
    %add3A_46 = arith.addi %mul3A_10, %add3A_45 : i32
    "tpu.region"() ({
      %run_scoped3A = tpu.sem_alloc : memref<!tpu.dma_semaphore, #tpu.memory_space<semaphore_mem>>
      %dma_start3A_132 = arith.constant 0 : i32
      %dma_start3A_133 = tpu.memref_slice %arg25[%add3A_46, %dma_start3A_132] : memref<10240x16xf32, #tpu.memory_space<vmem_shared>> -> memref<64x16xf32, #tpu.memory_space<vmem_shared>>
      %dma_start3A_134 = arith.constant 0 : i32
      %dma_start3A_135 = tpu.memref_slice %arg25[%add3A_46, %dma_start3A_134] : memref<10240x16xf32, #tpu.memory_space<vmem_shared>> -> memref<64x16xf32, #tpu.memory_space<vmem_shared>>
      tpu.enqueue_dma source(%arg22 : memref<64x16xf32, #tpu.memory_space<vmem>>) target(%dma_start3A_135 : memref<64x16xf32, #tpu.memory_space<vmem_shared>>) target_semaphore(%run_scoped3A : memref<!tpu.dma_semaphore, #tpu.memory_space<semaphore_mem>>)
      %dma_wait3A_136 = arith.constant 0 : i32
      %dma_wait3A_137 = tpu.memref_slice %arg25[%add3A_46, %dma_wait3A_136] : memref<10240x16xf32, #tpu.memory_space<vmem_shared>> -> memref<64x16xf32, #tpu.memory_space<vmem_shared>>
      %dma_wait3A_138 = arith.constant 0 : i32
      %dma_wait3A_139 = tpu.memref_slice %arg25[%add3A_46, %dma_wait3A_138] : memref<10240x16xf32, #tpu.memory_space<vmem_shared>> -> memref<64x16xf32, #tpu.memory_space<vmem_shared>>
      tpu.wait_dma2 semaphore(%run_scoped3A : memref<!tpu.dma_semaphore, #tpu.memory_space<semaphore_mem>>) src(%arg22 : memref<64x16xf32, #tpu.memory_space<vmem>>) dst(%dma_wait3A_139 : memref<64x16xf32, #tpu.memory_space<vmem_shared>>)
      tpu.yield
    }) : () -> ()
    %add3A_47 = arith.constant 576 : i32
    %add3A_48 = arith.addi %mul3A_10, %add3A_47 : i32
    "tpu.region"() ({
      %run_scoped3A = tpu.sem_alloc : memref<!tpu.dma_semaphore, #tpu.memory_space<semaphore_mem>>
      %dma_start3A_132 = arith.constant 0 : i32
      %dma_start3A_133 = tpu.memref_slice %arg24[%add3A_48, %dma_start3A_132] : memref<10240x128xf32, #tpu.memory_space<vmem_shared>> -> memref<64x128xf32, #tpu.memory_space<vmem_shared>>
      %dma_start3A_134 = arith.constant 0 : i32
      %dma_start3A_135 = tpu.memref_slice %arg24[%add3A_48, %dma_start3A_134] : memref<10240x128xf32, #tpu.memory_space<vmem_shared>> -> memref<64x128xf32, #tpu.memory_space<vmem_shared>>
      tpu.enqueue_dma source(%arg19 : memref<64x128xf32, #tpu.memory_space<vmem>>) target(%dma_start3A_135 : memref<64x128xf32, #tpu.memory_space<vmem_shared>>) target_semaphore(%run_scoped3A : memref<!tpu.dma_semaphore, #tpu.memory_space<semaphore_mem>>)
      %dma_wait3A_136 = arith.constant 0 : i32
      %dma_wait3A_137 = tpu.memref_slice %arg24[%add3A_48, %dma_wait3A_136] : memref<10240x128xf32, #tpu.memory_space<vmem_shared>> -> memref<64x128xf32, #tpu.memory_space<vmem_shared>>
      %dma_wait3A_138 = arith.constant 0 : i32
      %dma_wait3A_139 = tpu.memref_slice %arg24[%add3A_48, %dma_wait3A_138] : memref<10240x128xf32, #tpu.memory_space<vmem_shared>> -> memref<64x128xf32, #tpu.memory_space<vmem_shared>>
      tpu.wait_dma2 semaphore(%run_scoped3A : memref<!tpu.dma_semaphore, #tpu.memory_space<semaphore_mem>>) src(%arg19 : memref<64x128xf32, #tpu.memory_space<vmem>>) dst(%dma_wait3A_139 : memref<64x128xf32, #tpu.memory_space<vmem_shared>>)
      tpu.yield
    }) : () -> ()
    %add3A_49 = arith.constant 576 : i32
    %add3A_50 = arith.addi %mul3A_10, %add3A_49 : i32
    "tpu.region"() ({
      %run_scoped3A = tpu.sem_alloc : memref<!tpu.dma_semaphore, #tpu.memory_space<semaphore_mem>>
      %dma_start3A_132 = arith.constant 0 : i32
      %dma_start3A_133 = tpu.memref_slice %arg25[%add3A_50, %dma_start3A_132] : memref<10240x16xf32, #tpu.memory_space<vmem_shared>> -> memref<64x16xf32, #tpu.memory_space<vmem_shared>>
      %dma_start3A_134 = arith.constant 0 : i32
      %dma_start3A_135 = tpu.memref_slice %arg25[%add3A_50, %dma_start3A_134] : memref<10240x16xf32, #tpu.memory_space<vmem_shared>> -> memref<64x16xf32, #tpu.memory_space<vmem_shared>>
      tpu.enqueue_dma source(%arg22 : memref<64x16xf32, #tpu.memory_space<vmem>>) target(%dma_start3A_135 : memref<64x16xf32, #tpu.memory_space<vmem_shared>>) target_semaphore(%run_scoped3A : memref<!tpu.dma_semaphore, #tpu.memory_space<semaphore_mem>>)
      %dma_wait3A_136 = arith.constant 0 : i32
      %dma_wait3A_137 = tpu.memref_slice %arg25[%add3A_50, %dma_wait3A_136] : memref<10240x16xf32, #tpu.memory_space<vmem_shared>> -> memref<64x16xf32, #tpu.memory_space<vmem_shared>>
      %dma_wait3A_138 = arith.constant 0 : i32
      %dma_wait3A_139 = tpu.memref_slice %arg25[%add3A_50, %dma_wait3A_138] : memref<10240x16xf32, #tpu.memory_space<vmem_shared>> -> memref<64x16xf32, #tpu.memory_space<vmem_shared>>
      tpu.wait_dma2 semaphore(%run_scoped3A : memref<!tpu.dma_semaphore, #tpu.memory_space<semaphore_mem>>) src(%arg22 : memref<64x16xf32, #tpu.memory_space<vmem>>) dst(%dma_wait3A_139 : memref<64x16xf32, #tpu.memory_space<vmem_shared>>)
      tpu.yield
    }) : () -> ()
    "tpu.region"() ({
      %run_scoped3A = tpu.sem_alloc : memref<!tpu.dma_semaphore, #tpu.memory_space<semaphore_mem>>
      tpu.enqueue_dma source(%arg7 : memref<128xf32, #tpu.memory_space<hbm>>) target(%arg10 : memref<128xf32, #tpu.memory_space<vmem>>) target_semaphore(%run_scoped3A : memref<!tpu.dma_semaphore, #tpu.memory_space<semaphore_mem>>)
      tpu.wait_dma2 semaphore(%run_scoped3A : memref<!tpu.dma_semaphore, #tpu.memory_space<semaphore_mem>>) src(%arg7 : memref<128xf32, #tpu.memory_space<hbm>>) dst(%arg10 : memref<128xf32, #tpu.memory_space<vmem>>)
      tpu.yield
    }) : () -> ()
    %barrier3A = arith.constant 0 : index
    tpu.barrier barrier_id(%barrier3A)
    %iota3A = tpu.iota {dimensions = array<i32: 0>} : vector<16xi32>
    %broadcast_in_dim3A_51 = arith.constant 0 : i32
    %broadcast_in_dim3A_52 = vector.broadcast %broadcast_in_dim3A_51 : i32 to vector<16xi32>
    %broadcast_in_dim3A_53 = arith.constant 1 : i32
    %broadcast_in_dim3A_54 = vector.broadcast %broadcast_in_dim3A_53 : i32 to vector<16xi32>
    %iota3A_55 = tpu.iota {dimensions = array<i32: 0>} : vector<16xi32>
    %eq3A = arith.constant 0 : i32
    %eq3A_56 = vector.broadcast %eq3A : i32 to vector<16xi32>
    %eq3A_57 = arith.cmpi eq, %iota3A_55, %eq3A_56 : vector<16xi32>
    %convert_element_type3A = arith.extui %eq3A_57 : vector<16xi1> to vector<16xi32>
    %convert_element_type3A_58 = arith.sitofp %convert_element_type3A : vector<16xi32> to vector<16xf32>
    %iota3A_59 = tpu.iota {dimensions = array<i32: 0>} : vector<16xi32>
    %eq3A_60 = arith.constant 1 : i32
    %eq3A_61 = vector.broadcast %eq3A_60 : i32 to vector<16xi32>
    %eq3A_62 = arith.cmpi eq, %iota3A_59, %eq3A_61 : vector<16xi32>
    %convert_element_type3A_63 = arith.extui %eq3A_62 : vector<16xi1> to vector<16xi32>
    %convert_element_type3A_64 = arith.sitofp %convert_element_type3A_63 : vector<16xi32> to vector<16xf32>
    %add3A_65 = arith.constant 0 : i32
    %add3A_66 = arith.addi %mul3A_2, %add3A_65 : i32
    %dma_start3A = tpu.memref_slice %arg5[%add3A_66] : memref<335872xi32, #tpu.memory_space<hbm>> -> memref<64xi32, #tpu.memory_space<hbm>>
    %dma_start3A_67 = tpu.memref_slice %arg5[%add3A_66] : memref<335872xi32, #tpu.memory_space<hbm>> -> memref<64xi32, #tpu.memory_space<hbm>>
    tpu.enqueue_dma source(%dma_start3A_67 : memref<64xi32, #tpu.memory_space<hbm>>) target(%arg11 : memref<64xi32, #tpu.memory_space<vmem>>) target_semaphore(%arg28 : memref<!tpu.dma_semaphore, #tpu.memory_space<semaphore_mem>>)
    %dma_start3A_68 = tpu.memref_slice %arg6[%add3A_66] : memref<335872xi32, #tpu.memory_space<hbm>> -> memref<64xi32, #tpu.memory_space<hbm>>
    %dma_start3A_69 = tpu.memref_slice %arg6[%add3A_66] : memref<335872xi32, #tpu.memory_space<hbm>> -> memref<64xi32, #tpu.memory_space<hbm>>
    tpu.enqueue_dma source(%dma_start3A_69 : memref<64xi32, #tpu.memory_space<hbm>>) target(%arg13 : memref<64xi32, #tpu.memory_space<vmem>>) target_semaphore(%arg28 : memref<!tpu.dma_semaphore, #tpu.memory_space<semaphore_mem>>)
    %add3A_70 = arith.constant 0 : i32
    %add3A_71 = arith.addi %mul3A_2, %add3A_70 : i32
    %dma_wait3A = tpu.memref_slice %arg5[%add3A_71] : memref<335872xi32, #tpu.memory_space<hbm>> -> memref<64xi32, #tpu.memory_space<hbm>>
    %dma_wait3A_72 = tpu.memref_slice %arg5[%add3A_71] : memref<335872xi32, #tpu.memory_space<hbm>> -> memref<64xi32, #tpu.memory_space<hbm>>
    tpu.wait_dma2 semaphore(%arg28 : memref<!tpu.dma_semaphore, #tpu.memory_space<semaphore_mem>>) src(%dma_wait3A_72 : memref<64xi32, #tpu.memory_space<hbm>>) dst(%arg11 : memref<64xi32, #tpu.memory_space<vmem>>)
    %dma_wait3A_73 = tpu.memref_slice %arg6[%add3A_71] : memref<335872xi32, #tpu.memory_space<hbm>> -> memref<64xi32, #tpu.memory_space<hbm>>
    %dma_wait3A_74 = tpu.memref_slice %arg6[%add3A_71] : memref<335872xi32, #tpu.memory_space<hbm>> -> memref<64xi32, #tpu.memory_space<hbm>>
    tpu.wait_dma2 semaphore(%arg28 : memref<!tpu.dma_semaphore, #tpu.memory_space<semaphore_mem>>) src(%dma_wait3A_74 : memref<64xi32, #tpu.memory_space<hbm>>) dst(%arg13 : memref<64xi32, #tpu.memory_space<vmem>>)
    %add3A_75 = arith.constant 64 : i32
    %add3A_76 = arith.addi %mul3A_2, %add3A_75 : i32
    %dma_start3A_77 = tpu.memref_slice %arg5[%add3A_76] : memref<335872xi32, #tpu.memory_space<hbm>> -> memref<64xi32, #tpu.memory_space<hbm>>
    %dma_start3A_78 = tpu.memref_slice %arg5[%add3A_76] : memref<335872xi32, #tpu.memory_space<hbm>> -> memref<64xi32, #tpu.memory_space<hbm>>
    tpu.enqueue_dma source(%dma_start3A_78 : memref<64xi32, #tpu.memory_space<hbm>>) target(%arg12 : memref<64xi32, #tpu.memory_space<vmem>>) target_semaphore(%arg29 : memref<!tpu.dma_semaphore, #tpu.memory_space<semaphore_mem>>)
    %dma_start3A_79 = tpu.memref_slice %arg6[%add3A_76] : memref<335872xi32, #tpu.memory_space<hbm>> -> memref<64xi32, #tpu.memory_space<hbm>>
    %dma_start3A_80 = tpu.memref_slice %arg6[%add3A_76] : memref<335872xi32, #tpu.memory_space<hbm>> -> memref<64xi32, #tpu.memory_space<hbm>>
    tpu.enqueue_dma source(%dma_start3A_80 : memref<64xi32, #tpu.memory_space<hbm>>) target(%arg14 : memref<64xi32, #tpu.memory_space<vmem>>) target_semaphore(%arg29 : memref<!tpu.dma_semaphore, #tpu.memory_space<semaphore_mem>>)
    %dma_start3A_81 = arith.constant 0 : i32
    %dma_start3A_82 = arith.constant 0 : i32
    %dma_start3A_83 = tpu.memref_slice %arg2[%dma_start3A_81, %dma_start3A_82] : memref<10240x128xbf16, #tpu.memory_space<hbm>> -> memref<10240x128xbf16, #tpu.memory_space<hbm>>
    tpu.enqueue_indirect_dma source(%dma_start3A_83 : memref<10240x128xbf16, #tpu.memory_space<hbm>>) target(%arg15 : memref<64x128xbf16, #tpu.memory_space<vmem>>) offsets(%arg11 : memref<64xi32, #tpu.memory_space<vmem>>) semaphore(%arg26 : memref<!tpu.dma_semaphore, #tpu.memory_space<semaphore_mem>>)
    %dma_start3A_84 = arith.constant 0 : i32
    %dma_start3A_85 = arith.constant 0 : i32
    %dma_start3A_86 = tpu.memref_slice %arg3[%dma_start3A_84, %dma_start3A_85] : memref<10240x128xbf16, #tpu.memory_space<hbm>> -> memref<10240x128xbf16, #tpu.memory_space<hbm>>
    tpu.enqueue_indirect_dma source(%dma_start3A_86 : memref<10240x128xbf16, #tpu.memory_space<hbm>>) target(%arg17 : memref<64x128xbf16, #tpu.memory_space<vmem>>) offsets(%arg13 : memref<64xi32, #tpu.memory_space<vmem>>) semaphore(%arg26 : memref<!tpu.dma_semaphore, #tpu.memory_space<semaphore_mem>>)
    %dma_start3A_87 = arith.constant 0 : i32
    %dma_start3A_88 = arith.constant 0 : i32
    %dma_start3A_89 = tpu.memref_slice %arg4[%dma_start3A_87, %dma_start3A_88] : memref<10240x16xf32, #tpu.memory_space<hbm>> -> memref<10240x16xf32, #tpu.memory_space<hbm>>
    tpu.enqueue_indirect_dma source(%dma_start3A_89 : memref<10240x16xf32, #tpu.memory_space<hbm>>) target(%arg20 : memref<64x16xf32, #tpu.memory_space<vmem>>) offsets(%arg13 : memref<64xi32, #tpu.memory_space<vmem>>) semaphore(%arg26 : memref<!tpu.dma_semaphore, #tpu.memory_space<semaphore_mem>>)
    %scan3A_90 = arith.constant 0 : i32
    %scan3A_91 = arith.constant 0 : i32
    %scan3A_92 = arith.constant 82 : i32
    %scan3A_93 = arith.addi %scan3A_91, %scan3A_92 : i32
    %scan3A_94 = arith.constant 1 : i32
    scf.for %scan3A_132 = %scan3A_91 to %scan3A_93 step %scan3A_94  : i32 {
      %mul3A_133 = arith.constant 2 : i32
      %mul3A_134 = arith.muli %mul3A_133, %scan3A_132 : i32
      %dma_wait3A_135 = arith.constant 0 : i32
      %dma_wait3A_136 = arith.constant 0 : i32
      %dma_wait3A_137 = tpu.memref_slice %arg2[%dma_wait3A_135, %dma_wait3A_136] : memref<10240x128xbf16, #tpu.memory_space<hbm>> -> memref<10240x128xbf16, #tpu.memory_space<hbm>>
      tpu.wait_indirect_dma semaphore(%arg26 : memref<!tpu.dma_semaphore, #tpu.memory_space<semaphore_mem>>) src(%dma_wait3A_137 : memref<10240x128xbf16, #tpu.memory_space<hbm>>) dst(%arg15 : memref<64x128xbf16, #tpu.memory_space<vmem>>)
      %dma_wait3A_138 = arith.constant 0 : i32
      %dma_wait3A_139 = arith.constant 0 : i32
      %dma_wait3A_140 = tpu.memref_slice %arg3[%dma_wait3A_138, %dma_wait3A_139] : memref<10240x128xbf16, #tpu.memory_space<hbm>> -> memref<10240x128xbf16, #tpu.memory_space<hbm>>
      tpu.wait_indirect_dma semaphore(%arg26 : memref<!tpu.dma_semaphore, #tpu.memory_space<semaphore_mem>>) src(%dma_wait3A_140 : memref<10240x128xbf16, #tpu.memory_space<hbm>>) dst(%arg17 : memref<64x128xbf16, #tpu.memory_space<vmem>>)
      %dma_wait3A_141 = arith.constant 0 : i32
      %dma_wait3A_142 = arith.constant 0 : i32
      %dma_wait3A_143 = tpu.memref_slice %arg4[%dma_wait3A_141, %dma_wait3A_142] : memref<10240x16xf32, #tpu.memory_space<hbm>> -> memref<10240x16xf32, #tpu.memory_space<hbm>>
      tpu.wait_indirect_dma semaphore(%arg26 : memref<!tpu.dma_semaphore, #tpu.memory_space<semaphore_mem>>) src(%dma_wait3A_143 : memref<10240x16xf32, #tpu.memory_space<hbm>>) dst(%arg20 : memref<64x16xf32, #tpu.memory_space<vmem>>)
      %add3A_144 = arith.constant 1 : i32
      %add3A_145 = arith.addi %mul3A_134, %add3A_144 : i32
      %min3A = arith.constant 163 : i32
      %min3A_146 = arith.minsi %add3A_145, %min3A : i32
      %mul3A_147 = arith.constant 64 : i32
      %mul3A_148 = arith.muli %min3A_146, %mul3A_147 : i32
      %add3A_149 = arith.addi %mul3A_2, %mul3A_148 : i32
      %dma_wait3A_150 = tpu.memref_slice %arg5[%add3A_149] : memref<335872xi32, #tpu.memory_space<hbm>> -> memref<64xi32, #tpu.memory_space<hbm>>
      %dma_wait3A_151 = tpu.memref_slice %arg5[%add3A_149] : memref<335872xi32, #tpu.memory_space<hbm>> -> memref<64xi32, #tpu.memory_space<hbm>>
      tpu.wait_dma2 semaphore(%arg29 : memref<!tpu.dma_semaphore, #tpu.memory_space<semaphore_mem>>) src(%dma_wait3A_151 : memref<64xi32, #tpu.memory_space<hbm>>) dst(%arg12 : memref<64xi32, #tpu.memory_space<vmem>>)
      %dma_wait3A_152 = tpu.memref_slice %arg6[%add3A_149] : memref<335872xi32, #tpu.memory_space<hbm>> -> memref<64xi32, #tpu.memory_space<hbm>>
      %dma_wait3A_153 = tpu.memref_slice %arg6[%add3A_149] : memref<335872xi32, #tpu.memory_space<hbm>> -> memref<64xi32, #tpu.memory_space<hbm>>
      tpu.wait_dma2 semaphore(%arg29 : memref<!tpu.dma_semaphore, #tpu.memory_space<semaphore_mem>>) src(%dma_wait3A_153 : memref<64xi32, #tpu.memory_space<hbm>>) dst(%arg14 : memref<64xi32, #tpu.memory_space<vmem>>)
      %dma_start3A_154 = arith.constant 0 : i32
      %dma_start3A_155 = arith.constant 0 : i32
      %dma_start3A_156 = tpu.memref_slice %arg2[%dma_start3A_154, %dma_start3A_155] : memref<10240x128xbf16, #tpu.memory_space<hbm>> -> memref<10240x128xbf16, #tpu.memory_space<hbm>>
      tpu.enqueue_indirect_dma source(%dma_start3A_156 : memref<10240x128xbf16, #tpu.memory_space<hbm>>) target(%arg16 : memref<64x128xbf16, #tpu.memory_space<vmem>>) offsets(%arg12 : memref<64xi32, #tpu.memory_space<vmem>>) semaphore(%arg27 : memref<!tpu.dma_semaphore, #tpu.memory_space<semaphore_mem>>)
      %dma_start3A_157 = arith.constant 0 : i32
      %dma_start3A_158 = arith.constant 0 : i32
      %dma_start3A_159 = tpu.memref_slice %arg3[%dma_start3A_157, %dma_start3A_158] : memref<10240x128xbf16, #tpu.memory_space<hbm>> -> memref<10240x128xbf16, #tpu.memory_space<hbm>>
      tpu.enqueue_indirect_dma source(%dma_start3A_159 : memref<10240x128xbf16, #tpu.memory_space<hbm>>) target(%arg18 : memref<64x128xbf16, #tpu.memory_space<vmem>>) offsets(%arg14 : memref<64xi32, #tpu.memory_space<vmem>>) semaphore(%arg27 : memref<!tpu.dma_semaphore, #tpu.memory_space<semaphore_mem>>)
      %dma_start3A_160 = arith.constant 0 : i32
      %dma_start3A_161 = arith.constant 0 : i32
      %dma_start3A_162 = tpu.memref_slice %arg4[%dma_start3A_160, %dma_start3A_161] : memref<10240x16xf32, #tpu.memory_space<hbm>> -> memref<10240x16xf32, #tpu.memory_space<hbm>>
      tpu.enqueue_indirect_dma source(%dma_start3A_162 : memref<10240x16xf32, #tpu.memory_space<hbm>>) target(%arg21 : memref<64x16xf32, #tpu.memory_space<vmem>>) offsets(%arg14 : memref<64xi32, #tpu.memory_space<vmem>>) semaphore(%arg27 : memref<!tpu.dma_semaphore, #tpu.memory_space<semaphore_mem>>)
      %add3A_163 = arith.constant 2 : i32
      %add3A_164 = arith.addi %mul3A_134, %add3A_163 : i32
      %min3A_165 = arith.constant 163 : i32
      %min3A_166 = arith.minsi %add3A_164, %min3A_165 : i32
      %mul3A_167 = arith.constant 64 : i32
      %mul3A_168 = arith.muli %min3A_166, %mul3A_167 : i32
      %add3A_169 = arith.addi %mul3A_2, %mul3A_168 : i32
      %dma_start3A_170 = tpu.memref_slice %arg5[%add3A_169] : memref<335872xi32, #tpu.memory_space<hbm>> -> memref<64xi32, #tpu.memory_space<hbm>>
      %dma_start3A_171 = tpu.memref_slice %arg5[%add3A_169] : memref<335872xi32, #tpu.memory_space<hbm>> -> memref<64xi32, #tpu.memory_space<hbm>>
      tpu.enqueue_dma source(%dma_start3A_171 : memref<64xi32, #tpu.memory_space<hbm>>) target(%arg11 : memref<64xi32, #tpu.memory_space<vmem>>) target_semaphore(%arg28 : memref<!tpu.dma_semaphore, #tpu.memory_space<semaphore_mem>>)
      %dma_start3A_172 = tpu.memref_slice %arg6[%add3A_169] : memref<335872xi32, #tpu.memory_space<hbm>> -> memref<64xi32, #tpu.memory_space<hbm>>
      %dma_start3A_173 = tpu.memref_slice %arg6[%add3A_169] : memref<335872xi32, #tpu.memory_space<hbm>> -> memref<64xi32, #tpu.memory_space<hbm>>
      tpu.enqueue_dma source(%dma_start3A_173 : memref<64xi32, #tpu.memory_space<hbm>>) target(%arg13 : memref<64xi32, #tpu.memory_space<vmem>>) target_semaphore(%arg28 : memref<!tpu.dma_semaphore, #tpu.memory_space<semaphore_mem>>)
      %mul3A_174 = arith.constant 2 : i32
      %mul3A_175 = arith.muli %mul3A_174, %scan3A_132 : i32
      %add3A_176 = arith.constant 1 : i32
      %add3A_177 = arith.addi %mul3A_175, %add3A_176 : i32
      %dma_wait3A_178 = arith.constant 0 : i32
      %dma_wait3A_179 = arith.constant 0 : i32
      %dma_wait3A_180 = tpu.memref_slice %arg2[%dma_wait3A_178, %dma_wait3A_179] : memref<10240x128xbf16, #tpu.memory_space<hbm>> -> memref<10240x128xbf16, #tpu.memory_space<hbm>>
      tpu.wait_indirect_dma semaphore(%arg27 : memref<!tpu.dma_semaphore, #tpu.memory_space<semaphore_mem>>) src(%dma_wait3A_180 : memref<10240x128xbf16, #tpu.memory_space<hbm>>) dst(%arg16 : memref<64x128xbf16, #tpu.memory_space<vmem>>)
      %dma_wait3A_181 = arith.constant 0 : i32
      %dma_wait3A_182 = arith.constant 0 : i32
      %dma_wait3A_183 = tpu.memref_slice %arg3[%dma_wait3A_181, %dma_wait3A_182] : memref<10240x128xbf16, #tpu.memory_space<hbm>> -> memref<10240x128xbf16, #tpu.memory_space<hbm>>
      tpu.wait_indirect_dma semaphore(%arg27 : memref<!tpu.dma_semaphore, #tpu.memory_space<semaphore_mem>>) src(%dma_wait3A_183 : memref<10240x128xbf16, #tpu.memory_space<hbm>>) dst(%arg18 : memref<64x128xbf16, #tpu.memory_space<vmem>>)
      %dma_wait3A_184 = arith.constant 0 : i32
      %dma_wait3A_185 = arith.constant 0 : i32
      %dma_wait3A_186 = tpu.memref_slice %arg4[%dma_wait3A_184, %dma_wait3A_185] : memref<10240x16xf32, #tpu.memory_space<hbm>> -> memref<10240x16xf32, #tpu.memory_space<hbm>>
      tpu.wait_indirect_dma semaphore(%arg27 : memref<!tpu.dma_semaphore, #tpu.memory_space<semaphore_mem>>) src(%dma_wait3A_186 : memref<10240x16xf32, #tpu.memory_space<hbm>>) dst(%arg21 : memref<64x16xf32, #tpu.memory_space<vmem>>)
      %add3A_187 = arith.constant 1 : i32
      %add3A_188 = arith.addi %add3A_177, %add3A_187 : i32
      %min3A_189 = arith.constant 163 : i32
      %min3A_190 = arith.minsi %add3A_188, %min3A_189 : i32
      %mul3A_191 = arith.constant 64 : i32
      %mul3A_192 = arith.muli %min3A_190, %mul3A_191 : i32
      %add3A_193 = arith.addi %mul3A_2, %mul3A_192 : i32
      %dma_wait3A_194 = tpu.memref_slice %arg5[%add3A_193] : memref<335872xi32, #tpu.memory_space<hbm>> -> memref<64xi32, #tpu.memory_space<hbm>>
      %dma_wait3A_195 = tpu.memref_slice %arg5[%add3A_193] : memref<335872xi32, #tpu.memory_space<hbm>> -> memref<64xi32, #tpu.memory_space<hbm>>
      tpu.wait_dma2 semaphore(%arg28 : memref<!tpu.dma_semaphore, #tpu.memory_space<semaphore_mem>>) src(%dma_wait3A_195 : memref<64xi32, #tpu.memory_space<hbm>>) dst(%arg11 : memref<64xi32, #tpu.memory_space<vmem>>)
      %dma_wait3A_196 = tpu.memref_slice %arg6[%add3A_193] : memref<335872xi32, #tpu.memory_space<hbm>> -> memref<64xi32, #tpu.memory_space<hbm>>
      %dma_wait3A_197 = tpu.memref_slice %arg6[%add3A_193] : memref<335872xi32, #tpu.memory_space<hbm>> -> memref<64xi32, #tpu.memory_space<hbm>>
      tpu.wait_dma2 semaphore(%arg28 : memref<!tpu.dma_semaphore, #tpu.memory_space<semaphore_mem>>) src(%dma_wait3A_197 : memref<64xi32, #tpu.memory_space<hbm>>) dst(%arg13 : memref<64xi32, #tpu.memory_space<vmem>>)
      %dma_start3A_198 = arith.constant 0 : i32
      %dma_start3A_199 = arith.constant 0 : i32
      %dma_start3A_200 = tpu.memref_slice %arg2[%dma_start3A_198, %dma_start3A_199] : memref<10240x128xbf16, #tpu.memory_space<hbm>> -> memref<10240x128xbf16, #tpu.memory_space<hbm>>
      tpu.enqueue_indirect_dma source(%dma_start3A_200 : memref<10240x128xbf16, #tpu.memory_space<hbm>>) target(%arg15 : memref<64x128xbf16, #tpu.memory_space<vmem>>) offsets(%arg11 : memref<64xi32, #tpu.memory_space<vmem>>) semaphore(%arg26 : memref<!tpu.dma_semaphore, #tpu.memory_space<semaphore_mem>>)
      %dma_start3A_201 = arith.constant 0 : i32
      %dma_start3A_202 = arith.constant 0 : i32
      %dma_start3A_203 = tpu.memref_slice %arg3[%dma_start3A_201, %dma_start3A_202] : memref<10240x128xbf16, #tpu.memory_space<hbm>> -> memref<10240x128xbf16, #tpu.memory_space<hbm>>
      tpu.enqueue_indirect_dma source(%dma_start3A_203 : memref<10240x128xbf16, #tpu.memory_space<hbm>>) target(%arg17 : memref<64x128xbf16, #tpu.memory_space<vmem>>) offsets(%arg13 : memref<64xi32, #tpu.memory_space<vmem>>) semaphore(%arg26 : memref<!tpu.dma_semaphore, #tpu.memory_space<semaphore_mem>>)
      %dma_start3A_204 = arith.constant 0 : i32
      %dma_start3A_205 = arith.constant 0 : i32
      %dma_start3A_206 = tpu.memref_slice %arg4[%dma_start3A_204, %dma_start3A_205] : memref<10240x16xf32, #tpu.memory_space<hbm>> -> memref<10240x16xf32, #tpu.memory_space<hbm>>
      tpu.enqueue_indirect_dma source(%dma_start3A_206 : memref<10240x16xf32, #tpu.memory_space<hbm>>) target(%arg20 : memref<64x16xf32, #tpu.memory_space<vmem>>) offsets(%arg13 : memref<64xi32, #tpu.memory_space<vmem>>) semaphore(%arg26 : memref<!tpu.dma_semaphore, #tpu.memory_space<semaphore_mem>>)
      %add3A_207 = arith.constant 2 : i32
      %add3A_208 = arith.addi %add3A_177, %add3A_207 : i32
      %min3A_209 = arith.constant 163 : i32
      %min3A_210 = arith.minsi %add3A_208, %min3A_209 : i32
      %mul3A_211 = arith.constant 64 : i32
      %mul3A_212 = arith.muli %min3A_210, %mul3A_211 : i32
      %add3A_213 = arith.addi %mul3A_2, %mul3A_212 : i32
      %dma_start3A_214 = tpu.memref_slice %arg5[%add3A_213] : memref<335872xi32, #tpu.memory_space<hbm>> -> memref<64xi32, #tpu.memory_space<hbm>>
      %dma_start3A_215 = tpu.memref_slice %arg5[%add3A_213] : memref<335872xi32, #tpu.memory_space<hbm>> -> memref<64xi32, #tpu.memory_space<hbm>>
      tpu.enqueue_dma source(%dma_start3A_215 : memref<64xi32, #tpu.memory_space<hbm>>) target(%arg12 : memref<64xi32, #tpu.memory_space<vmem>>) target_semaphore(%arg29 : memref<!tpu.dma_semaphore, #tpu.memory_space<semaphore_mem>>)
      %dma_start3A_216 = tpu.memref_slice %arg6[%add3A_213] : memref<335872xi32, #tpu.memory_space<hbm>> -> memref<64xi32, #tpu.memory_space<hbm>>
      %dma_start3A_217 = tpu.memref_slice %arg6[%add3A_213] : memref<335872xi32, #tpu.memory_space<hbm>> -> memref<64xi32, #tpu.memory_space<hbm>>
      tpu.enqueue_dma source(%dma_start3A_217 : memref<64xi32, #tpu.memory_space<hbm>>) target(%arg14 : memref<64xi32, #tpu.memory_space<vmem>>) target_semaphore(%arg29 : memref<!tpu.dma_semaphore, #tpu.memory_space<semaphore_mem>>)
    }
    %scan3A_95 = arith.constant 82 : i32
    %dma_wait3A_96 = arith.constant 0 : i32
    %dma_wait3A_97 = arith.constant 0 : i32
    %dma_wait3A_98 = tpu.memref_slice %arg2[%dma_wait3A_96, %dma_wait3A_97] : memref<10240x128xbf16, #tpu.memory_space<hbm>> -> memref<10240x128xbf16, #tpu.memory_space<hbm>>
    tpu.wait_indirect_dma semaphore(%arg26 : memref<!tpu.dma_semaphore, #tpu.memory_space<semaphore_mem>>) src(%dma_wait3A_98 : memref<10240x128xbf16, #tpu.memory_space<hbm>>) dst(%arg15 : memref<64x128xbf16, #tpu.memory_space<vmem>>)
    %dma_wait3A_99 = arith.constant 0 : i32
    %dma_wait3A_100 = arith.constant 0 : i32
    %dma_wait3A_101 = tpu.memref_slice %arg3[%dma_wait3A_99, %dma_wait3A_100] : memref<10240x128xbf16, #tpu.memory_space<hbm>> -> memref<10240x128xbf16, #tpu.memory_space<hbm>>
    tpu.wait_indirect_dma semaphore(%arg26 : memref<!tpu.dma_semaphore, #tpu.memory_space<semaphore_mem>>) src(%dma_wait3A_101 : memref<10240x128xbf16, #tpu.memory_space<hbm>>) dst(%arg17 : memref<64x128xbf16, #tpu.memory_space<vmem>>)
    %dma_wait3A_102 = arith.constant 0 : i32
    %dma_wait3A_103 = arith.constant 0 : i32
    %dma_wait3A_104 = tpu.memref_slice %arg4[%dma_wait3A_102, %dma_wait3A_103] : memref<10240x16xf32, #tpu.memory_space<hbm>> -> memref<10240x16xf32, #tpu.memory_space<hbm>>
    tpu.wait_indirect_dma semaphore(%arg26 : memref<!tpu.dma_semaphore, #tpu.memory_space<semaphore_mem>>) src(%dma_wait3A_104 : memref<10240x16xf32, #tpu.memory_space<hbm>>) dst(%arg20 : memref<64x16xf32, #tpu.memory_space<vmem>>)
    %add3A_105 = arith.constant 10432 : i32
    %add3A_106 = arith.addi %mul3A_2, %add3A_105 : i32
    %dma_wait3A_107 = tpu.memref_slice %arg5[%add3A_106] : memref<335872xi32, #tpu.memory_space<hbm>> -> memref<64xi32, #tpu.memory_space<hbm>>
    %dma_wait3A_108 = tpu.memref_slice %arg5[%add3A_106] : memref<335872xi32, #tpu.memory_space<hbm>> -> memref<64xi32, #tpu.memory_space<hbm>>
    tpu.wait_dma2 semaphore(%arg29 : memref<!tpu.dma_semaphore, #tpu.memory_space<semaphore_mem>>) src(%dma_wait3A_108 : memref<64xi32, #tpu.memory_space<hbm>>) dst(%arg12 : memref<64xi32, #tpu.memory_space<vmem>>)
    %dma_wait3A_109 = tpu.memref_slice %arg6[%add3A_106] : memref<335872xi32, #tpu.memory_space<hbm>> -> memref<64xi32, #tpu.memory_space<hbm>>
    %dma_wait3A_110 = tpu.memref_slice %arg6[%add3A_106] : memref<335872xi32, #tpu.memory_space<hbm>> -> memref<64xi32, #tpu.memory_space<hbm>>
    tpu.wait_dma2 semaphore(%arg29 : memref<!tpu.dma_semaphore, #tpu.memory_space<semaphore_mem>>) src(%dma_wait3A_110 : memref<64xi32, #tpu.memory_space<hbm>>) dst(%arg14 : memref<64xi32, #tpu.memory_space<vmem>>)
    %barrier3A_111 = arith.constant 0 : index
    tpu.barrier barrier_id(%barrier3A_111)
    %add3A_112 = arith.constant 0 : i32
    %add3A_113 = arith.addi %mul3A_10, %add3A_112 : i32
    "tpu.region"() ({
      %run_scoped3A = tpu.sem_alloc : memref<!tpu.dma_semaphore, #tpu.memory_space<semaphore_mem>>
      %dma_start3A_132 = arith.constant 0 : i32
      %dma_start3A_133 = tpu.memref_slice %arg24[%add3A_113, %dma_start3A_132] : memref<10240x128xf32, #tpu.memory_space<vmem_shared>> -> memref<64x128xf32, #tpu.memory_space<vmem_shared>>
      %dma_start3A_134 = arith.constant 0 : i32
      %dma_start3A_135 = tpu.memref_slice %arg24[%add3A_113, %dma_start3A_134] : memref<10240x128xf32, #tpu.memory_space<vmem_shared>> -> memref<64x128xf32, #tpu.memory_space<vmem_shared>>
      tpu.enqueue_dma source(%dma_start3A_135 : memref<64x128xf32, #tpu.memory_space<vmem_shared>>) target(%arg19 : memref<64x128xf32, #tpu.memory_space<vmem>>) target_semaphore(%run_scoped3A : memref<!tpu.dma_semaphore, #tpu.memory_space<semaphore_mem>>)
      %dma_wait3A_136 = arith.constant 0 : i32
      %dma_wait3A_137 = tpu.memref_slice %arg24[%add3A_113, %dma_wait3A_136] : memref<10240x128xf32, #tpu.memory_space<vmem_shared>> -> memref<64x128xf32, #tpu.memory_space<vmem_shared>>
      %dma_wait3A_138 = arith.constant 0 : i32
      %dma_wait3A_139 = tpu.memref_slice %arg24[%add3A_113, %dma_wait3A_138] : memref<10240x128xf32, #tpu.memory_space<vmem_shared>> -> memref<64x128xf32, #tpu.memory_space<vmem_shared>>
      tpu.wait_dma2 semaphore(%run_scoped3A : memref<!tpu.dma_semaphore, #tpu.memory_space<semaphore_mem>>) src(%dma_wait3A_139 : memref<64x128xf32, #tpu.memory_space<vmem_shared>>) dst(%arg19 : memref<64x128xf32, #tpu.memory_space<vmem>>)
      tpu.yield
    }) : () -> ()
    "tpu.region"() ({
      %run_scoped3A = tpu.sem_alloc : memref<!tpu.dma_semaphore, #tpu.memory_space<semaphore_mem>>
      %dma_start3A_132 = arith.constant 0 : i32
      %dma_start3A_133 = tpu.memref_slice %arg8[%arg0, %add3A_113, %dma_start3A_132] : memref<2x10240x128xf32, #tpu.memory_space<hbm>> -> memref<1x64x128xf32, #tpu.memory_space<hbm>>
      %dma_start3A_134 = tpu.memref_squeeze %dma_start3A_133 : memref<1x64x128xf32, #tpu.memory_space<hbm>> -> memref<64x128xf32, #tpu.memory_space<hbm>>
      %dma_start3A_135 = arith.constant 0 : i32
      %dma_start3A_136 = tpu.memref_slice %arg8[%arg0, %add3A_113, %dma_start3A_135] : memref<2x10240x128xf32, #tpu.memory_space<hbm>> -> memref<1x64x128xf32, #tpu.memory_space<hbm>>
      %dma_start3A_137 = tpu.memref_squeeze %dma_start3A_136 : memref<1x64x128xf32, #tpu.memory_space<hbm>> -> memref<64x128xf32, #tpu.memory_space<hbm>>
      tpu.enqueue_dma source(%arg19 : memref<64x128xf32, #tpu.memory_space<vmem>>) target(%dma_start3A_137 : memref<64x128xf32, #tpu.memory_space<hbm>>) target_semaphore(%run_scoped3A : memref<!tpu.dma_semaphore, #tpu.memory_space<semaphore_mem>>)
      %dma_wait3A_138 = arith.constant 0 : i32
      %dma_wait3A_139 = tpu.memref_slice %arg8[%arg0, %add3A_113, %dma_wait3A_138] : memref<2x10240x128xf32, #tpu.memory_space<hbm>> -> memref<1x64x128xf32, #tpu.memory_space<hbm>>
      %dma_wait3A_140 = tpu.memref_squeeze %dma_wait3A_139 : memref<1x64x128xf32, #tpu.memory_space<hbm>> -> memref<64x128xf32, #tpu.memory_space<hbm>>
      %dma_wait3A_141 = arith.constant 0 : i32
      %dma_wait3A_142 = tpu.memref_slice %arg8[%arg0, %add3A_113, %dma_wait3A_141] : memref<2x10240x128xf32, #tpu.memory_space<hbm>> -> memref<1x64x128xf32, #tpu.memory_space<hbm>>
      %dma_wait3A_143 = tpu.memref_squeeze %dma_wait3A_142 : memref<1x64x128xf32, #tpu.memory_space<hbm>> -> memref<64x128xf32, #tpu.memory_space<hbm>>
      tpu.wait_dma2 semaphore(%run_scoped3A : memref<!tpu.dma_semaphore, #tpu.memory_space<semaphore_mem>>) src(%arg19 : memref<64x128xf32, #tpu.memory_space<vmem>>) dst(%dma_wait3A_143 : memref<64x128xf32, #tpu.memory_space<hbm>>)
      tpu.yield
    }) : () -> ()
    "tpu.region"() ({
      %run_scoped3A = tpu.sem_alloc : memref<!tpu.dma_semaphore, #tpu.memory_space<semaphore_mem>>
      %dma_start3A_132 = arith.constant 0 : i32
      %dma_start3A_133 = tpu.memref_slice %arg25[%add3A_113, %dma_start3A_132] : memref<10240x16xf32, #tpu.memory_space<vmem_shared>> -> memref<64x16xf32, #tpu.memory_space<vmem_shared>>
      %dma_start3A_134 = arith.constant 0 : i32
      %dma_start3A_135 = tpu.memref_slice %arg25[%add3A_113, %dma_start3A_134] : memref<10240x16xf32, #tpu.memory_space<vmem_shared>> -> memref<64x16xf32, #tpu.memory_space<vmem_shared>>
      tpu.enqueue_dma source(%dma_start3A_135 : memref<64x16xf32, #tpu.memory_space<vmem_shared>>) target(%arg22 : memref<64x16xf32, #tpu.memory_space<vmem>>) target_semaphore(%run_scoped3A : memref<!tpu.dma_semaphore, #tpu.memory_space<semaphore_mem>>)
      %dma_wait3A_136 = arith.constant 0 : i32
      %dma_wait3A_137 = tpu.memref_slice %arg25[%add3A_113, %dma_wait3A_136] : memref<10240x16xf32, #tpu.memory_space<vmem_shared>> -> memref<64x16xf32, #tpu.memory_space<vmem_shared>>
      %dma_wait3A_138 = arith.constant 0 : i32
      %dma_wait3A_139 = tpu.memref_slice %arg25[%add3A_113, %dma_wait3A_138] : memref<10240x16xf32, #tpu.memory_space<vmem_shared>> -> memref<64x16xf32, #tpu.memory_space<vmem_shared>>
      tpu.wait_dma2 semaphore(%run_scoped3A : memref<!tpu.dma_semaphore, #tpu.memory_space<semaphore_mem>>) src(%dma_wait3A_139 : memref<64x16xf32, #tpu.memory_space<vmem_shared>>) dst(%arg22 : memref<64x16xf32, #tpu.memory_space<vmem>>)
      tpu.yield
    }) : () -> ()
    "tpu.region"() ({
      %run_scoped3A = tpu.sem_alloc : memref<!tpu.dma_semaphore, #tpu.memory_space<semaphore_mem>>
      %dma_start3A_132 = arith.constant 0 : i32
      %dma_start3A_133 = tpu.memref_slice %arg9[%arg0, %add3A_113, %dma_start3A_132] : memref<2x10240x16xf32, #tpu.memory_space<hbm>> -> memref<1x64x16xf32, #tpu.memory_space<hbm>>
      %dma_start3A_134 = tpu.memref_squeeze %dma_start3A_133 : memref<1x64x16xf32, #tpu.memory_space<hbm>> -> memref<64x16xf32, #tpu.memory_space<hbm>>
      %dma_start3A_135 = arith.constant 0 : i32
      %dma_start3A_136 = tpu.memref_slice %arg9[%arg0, %add3A_113, %dma_start3A_135] : memref<2x10240x16xf32, #tpu.memory_space<hbm>> -> memref<1x64x16xf32, #tpu.memory_space<hbm>>
      %dma_start3A_137 = tpu.memref_squeeze %dma_start3A_136 : memref<1x64x16xf32, #tpu.memory_space<hbm>> -> memref<64x16xf32, #tpu.memory_space<hbm>>
      tpu.enqueue_dma source(%arg22 : memref<64x16xf32, #tpu.memory_space<vmem>>) target(%dma_start3A_137 : memref<64x16xf32, #tpu.memory_space<hbm>>) target_semaphore(%run_scoped3A : memref<!tpu.dma_semaphore, #tpu.memory_space<semaphore_mem>>)
      %dma_wait3A_138 = arith.constant 0 : i32
      %dma_wait3A_139 = tpu.memref_slice %arg9[%arg0, %add3A_113, %dma_wait3A_138] : memref<2x10240x16xf32, #tpu.memory_space<hbm>> -> memref<1x64x16xf32, #tpu.memory_space<hbm>>
      %dma_wait3A_140 = tpu.memref_squeeze %dma_wait3A_139 : memref<1x64x16xf32, #tpu.memory_space<hbm>> -> memref<64x16xf32, #tpu.memory_space<hbm>>
      %dma_wait3A_141 = arith.constant 0 : i32
      %dma_wait3A_142 = tpu.memref_slice %arg9[%arg0, %add3A_113, %dma_wait3A_141] : memref<2x10240x16xf32, #tpu.memory_space<hbm>> -> memref<1x64x16xf32, #tpu.memory_space<hbm>>
      %dma_wait3A_143 = tpu.memref_squeeze %dma_wait3A_142 : memref<1x64x16xf32, #tpu.memory_space<hbm>> -> memref<64x16xf32, #tpu.memory_space<hbm>>
      tpu.wait_dma2 semaphore(%run_scoped3A : memref<!tpu.dma_semaphore, #tpu.memory_space<semaphore_mem>>) src(%arg22 : memref<64x16xf32, #tpu.memory_space<vmem>>) dst(%dma_wait3A_143 : memref<64x16xf32, #tpu.memory_space<hbm>>)
      tpu.yield
    }) : () -> ()
    %add3A_114 = arith.constant 64 : i32
    %add3A_115 = arith.addi %mul3A_10, %add3A_114 : i32
    "tpu.region"() ({
      %run_scoped3A = tpu.sem_alloc : memref<!tpu.dma_semaphore, #tpu.memory_space<semaphore_mem>>
      %dma_start3A_132 = arith.constant 0 : i32
      %dma_start3A_133 = tpu.memref_slice %arg24[%add3A_115, %dma_start3A_132] : memref<10240x128xf32, #tpu.memory_space<vmem_shared>> -> memref<64x128xf32, #tpu.memory_space<vmem_shared>>
      %dma_start3A_134 = arith.constant 0 : i32
      %dma_start3A_135 = tpu.memref_slice %arg24[%add3A_115, %dma_start3A_134] : memref<10240x128xf32, #tpu.memory_space<vmem_shared>> -> memref<64x128xf32, #tpu.memory_space<vmem_shared>>
      tpu.enqueue_dma source(%dma_start3A_135 : memref<64x128xf32, #tpu.memory_space<vmem_shared>>) target(%arg19 : memref<64x128xf32, #tpu.memory_space<vmem>>) target_semaphore(%run_scoped3A : memref<!tpu.dma_semaphore, #tpu.memory_space<semaphore_mem>>)
      %dma_wait3A_136 = arith.constant 0 : i32
      %dma_wait3A_137 = tpu.memref_slice %arg24[%add3A_115, %dma_wait3A_136] : memref<10240x128xf32, #tpu.memory_space<vmem_shared>> -> memref<64x128xf32, #tpu.memory_space<vmem_shared>>
      %dma_wait3A_138 = arith.constant 0 : i32
      %dma_wait3A_139 = tpu.memref_slice %arg24[%add3A_115, %dma_wait3A_138] : memref<10240x128xf32, #tpu.memory_space<vmem_shared>> -> memref<64x128xf32, #tpu.memory_space<vmem_shared>>
      tpu.wait_dma2 semaphore(%run_scoped3A : memref<!tpu.dma_semaphore, #tpu.memory_space<semaphore_mem>>) src(%dma_wait3A_139 : memref<64x128xf32, #tpu.memory_space<vmem_shared>>) dst(%arg19 : memref<64x128xf32, #tpu.memory_space<vmem>>)
      tpu.yield
    }) : () -> ()
    "tpu.region"() ({
      %run_scoped3A = tpu.sem_alloc : memref<!tpu.dma_semaphore, #tpu.memory_space<semaphore_mem>>
      %dma_start3A_132 = arith.constant 0 : i32
      %dma_start3A_133 = tpu.memref_slice %arg8[%arg0, %add3A_115, %dma_start3A_132] : memref<2x10240x128xf32, #tpu.memory_space<hbm>> -> memref<1x64x128xf32, #tpu.memory_space<hbm>>
      %dma_start3A_134 = tpu.memref_squeeze %dma_start3A_133 : memref<1x64x128xf32, #tpu.memory_space<hbm>> -> memref<64x128xf32, #tpu.memory_space<hbm>>
      %dma_start3A_135 = arith.constant 0 : i32
      %dma_start3A_136 = tpu.memref_slice %arg8[%arg0, %add3A_115, %dma_start3A_135] : memref<2x10240x128xf32, #tpu.memory_space<hbm>> -> memref<1x64x128xf32, #tpu.memory_space<hbm>>
      %dma_start3A_137 = tpu.memref_squeeze %dma_start3A_136 : memref<1x64x128xf32, #tpu.memory_space<hbm>> -> memref<64x128xf32, #tpu.memory_space<hbm>>
      tpu.enqueue_dma source(%arg19 : memref<64x128xf32, #tpu.memory_space<vmem>>) target(%dma_start3A_137 : memref<64x128xf32, #tpu.memory_space<hbm>>) target_semaphore(%run_scoped3A : memref<!tpu.dma_semaphore, #tpu.memory_space<semaphore_mem>>)
      %dma_wait3A_138 = arith.constant 0 : i32
      %dma_wait3A_139 = tpu.memref_slice %arg8[%arg0, %add3A_115, %dma_wait3A_138] : memref<2x10240x128xf32, #tpu.memory_space<hbm>> -> memref<1x64x128xf32, #tpu.memory_space<hbm>>
      %dma_wait3A_140 = tpu.memref_squeeze %dma_wait3A_139 : memref<1x64x128xf32, #tpu.memory_space<hbm>> -> memref<64x128xf32, #tpu.memory_space<hbm>>
      %dma_wait3A_141 = arith.constant 0 : i32
      %dma_wait3A_142 = tpu.memref_slice %arg8[%arg0, %add3A_115, %dma_wait3A_141] : memref<2x10240x128xf32, #tpu.memory_space<hbm>> -> memref<1x64x128xf32, #tpu.memory_space<hbm>>
      %dma_wait3A_143 = tpu.memref_squeeze %dma_wait3A_142 : memref<1x64x128xf32, #tpu.memory_space<hbm>> -> memref<64x128xf32, #tpu.memory_space<hbm>>
      tpu.wait_dma2 semaphore(%run_scoped3A : memref<!tpu.dma_semaphore, #tpu.memory_space<semaphore_mem>>) src(%arg19 : memref<64x128xf32, #tpu.memory_space<vmem>>) dst(%dma_wait3A_143 : memref<64x128xf32, #tpu.memory_space<hbm>>)
      tpu.yield
    }) : () -> ()
    "tpu.region"() ({
      %run_scoped3A = tpu.sem_alloc : memref<!tpu.dma_semaphore, #tpu.memory_space<semaphore_mem>>
      %dma_start3A_132 = arith.constant 0 : i32
      %dma_start3A_133 = tpu.memref_slice %arg25[%add3A_115, %dma_start3A_132] : memref<10240x16xf32, #tpu.memory_space<vmem_shared>> -> memref<64x16xf32, #tpu.memory_space<vmem_shared>>
      %dma_start3A_134 = arith.constant 0 : i32
      %dma_start3A_135 = tpu.memref_slice %arg25[%add3A_115, %dma_start3A_134] : memref<10240x16xf32, #tpu.memory_space<vmem_shared>> -> memref<64x16xf32, #tpu.memory_space<vmem_shared>>
      tpu.enqueue_dma source(%dma_start3A_135 : memref<64x16xf32, #tpu.memory_space<vmem_shared>>) target(%arg22 : memref<64x16xf32, #tpu.memory_space<vmem>>) target_semaphore(%run_scoped3A : memref<!tpu.dma_semaphore, #tpu.memory_space<semaphore_mem>>)
      %dma_wait3A_136 = arith.constant 0 : i32
      %dma_wait3A_137 = tpu.memref_slice %arg25[%add3A_115, %dma_wait3A_136] : memref<10240x16xf32, #tpu.memory_space<vmem_shared>> -> memref<64x16xf32, #tpu.memory_space<vmem_shared>>
      %dma_wait3A_138 = arith.constant 0 : i32
      %dma_wait3A_139 = tpu.memref_slice %arg25[%add3A_115, %dma_wait3A_138] : memref<10240x16xf32, #tpu.memory_space<vmem_shared>> -> memref<64x16xf32, #tpu.memory_space<vmem_shared>>
      tpu.wait_dma2 semaphore(%run_scoped3A : memref<!tpu.dma_semaphore, #tpu.memory_space<semaphore_mem>>) src(%dma_wait3A_139 : memref<64x16xf32, #tpu.memory_space<vmem_shared>>) dst(%arg22 : memref<64x16xf32, #tpu.memory_space<vmem>>)
      tpu.yield
    }) : () -> ()
    "tpu.region"() ({
      %run_scoped3A = tpu.sem_alloc : memref<!tpu.dma_semaphore, #tpu.memory_space<semaphore_mem>>
      %dma_start3A_132 = arith.constant 0 : i32
      %dma_start3A_133 = tpu.memref_slice %arg9[%arg0, %add3A_115, %dma_start3A_132] : memref<2x10240x16xf32, #tpu.memory_space<hbm>> -> memref<1x64x16xf32, #tpu.memory_space<hbm>>
      %dma_start3A_134 = tpu.memref_squeeze %dma_start3A_133 : memref<1x64x16xf32, #tpu.memory_space<hbm>> -> memref<64x16xf32, #tpu.memory_space<hbm>>
      %dma_start3A_135 = arith.constant 0 : i32
      %dma_start3A_136 = tpu.memref_slice %arg9[%arg0, %add3A_115, %dma_start3A_135] : memref<2x10240x16xf32, #tpu.memory_space<hbm>> -> memref<1x64x16xf32, #tpu.memory_space<hbm>>
      %dma_start3A_137 = tpu.memref_squeeze %dma_start3A_136 : memref<1x64x16xf32, #tpu.memory_space<hbm>> -> memref<64x16xf32, #tpu.memory_space<hbm>>
      tpu.enqueue_dma source(%arg22 : memref<64x16xf32, #tpu.memory_space<vmem>>) target(%dma_start3A_137 : memref<64x16xf32, #tpu.memory_space<hbm>>) target_semaphore(%run_scoped3A : memref<!tpu.dma_semaphore, #tpu.memory_space<semaphore_mem>>)
      %dma_wait3A_138 = arith.constant 0 : i32
      %dma_wait3A_139 = tpu.memref_slice %arg9[%arg0, %add3A_115, %dma_wait3A_138] : memref<2x10240x16xf32, #tpu.memory_space<hbm>> -> memref<1x64x16xf32, #tpu.memory_space<hbm>>
      %dma_wait3A_140 = tpu.memref_squeeze %dma_wait3A_139 : memref<1x64x16xf32, #tpu.memory_space<hbm>> -> memref<64x16xf32, #tpu.memory_space<hbm>>
      %dma_wait3A_141 = arith.constant 0 : i32
      %dma_wait3A_142 = tpu.memref_slice %arg9[%arg0, %add3A_115, %dma_wait3A_141] : memref<2x10240x16xf32, #tpu.memory_space<hbm>> -> memref<1x64x16xf32, #tpu.memory_space<hbm>>
      %dma_wait3A_143 = tpu.memref_squeeze %dma_wait3A_142 : memref<1x64x16xf32, #tpu.memory_space<hbm>> -> memref<64x16xf32, #tpu.memory_space<hbm>>
      tpu.wait_dma2 semaphore(%run_scoped3A : memref<!tpu.dma_semaphore, #tpu.memory_space<semaphore_mem>>) src(%arg22 : memref<64x16xf32, #tpu.memory_space<vmem>>) dst(%dma_wait3A_143 : memref<64x16xf32, #tpu.memory_space<hbm>>)
      tpu.yield
    }) : () -> ()
    %add3A_116 = arith.constant 128 : i32
    %add3A_117 = arith.addi %mul3A_10, %add3A_116 : i32
    "tpu.region"() ({
      %run_scoped3A = tpu.sem_alloc : memref<!tpu.dma_semaphore, #tpu.memory_space<semaphore_mem>>
      %dma_start3A_132 = arith.constant 0 : i32
      %dma_start3A_133 = tpu.memref_slice %arg24[%add3A_117, %dma_start3A_132] : memref<10240x128xf32, #tpu.memory_space<vmem_shared>> -> memref<64x128xf32, #tpu.memory_space<vmem_shared>>
      %dma_start3A_134 = arith.constant 0 : i32
      %dma_start3A_135 = tpu.memref_slice %arg24[%add3A_117, %dma_start3A_134] : memref<10240x128xf32, #tpu.memory_space<vmem_shared>> -> memref<64x128xf32, #tpu.memory_space<vmem_shared>>
      tpu.enqueue_dma source(%dma_start3A_135 : memref<64x128xf32, #tpu.memory_space<vmem_shared>>) target(%arg19 : memref<64x128xf32, #tpu.memory_space<vmem>>) target_semaphore(%run_scoped3A : memref<!tpu.dma_semaphore, #tpu.memory_space<semaphore_mem>>)
      %dma_wait3A_136 = arith.constant 0 : i32
      %dma_wait3A_137 = tpu.memref_slice %arg24[%add3A_117, %dma_wait3A_136] : memref<10240x128xf32, #tpu.memory_space<vmem_shared>> -> memref<64x128xf32, #tpu.memory_space<vmem_shared>>
      %dma_wait3A_138 = arith.constant 0 : i32
      %dma_wait3A_139 = tpu.memref_slice %arg24[%add3A_117, %dma_wait3A_138] : memref<10240x128xf32, #tpu.memory_space<vmem_shared>> -> memref<64x128xf32, #tpu.memory_space<vmem_shared>>
      tpu.wait_dma2 semaphore(%run_scoped3A : memref<!tpu.dma_semaphore, #tpu.memory_space<semaphore_mem>>) src(%dma_wait3A_139 : memref<64x128xf32, #tpu.memory_space<vmem_shared>>) dst(%arg19 : memref<64x128xf32, #tpu.memory_space<vmem>>)
      tpu.yield
    }) : () -> ()
    "tpu.region"() ({
      %run_scoped3A = tpu.sem_alloc : memref<!tpu.dma_semaphore, #tpu.memory_space<semaphore_mem>>
      %dma_start3A_132 = arith.constant 0 : i32
      %dma_start3A_133 = tpu.memref_slice %arg8[%arg0, %add3A_117, %dma_start3A_132] : memref<2x10240x128xf32, #tpu.memory_space<hbm>> -> memref<1x64x128xf32, #tpu.memory_space<hbm>>
      %dma_start3A_134 = tpu.memref_squeeze %dma_start3A_133 : memref<1x64x128xf32, #tpu.memory_space<hbm>> -> memref<64x128xf32, #tpu.memory_space<hbm>>
      %dma_start3A_135 = arith.constant 0 : i32
      %dma_start3A_136 = tpu.memref_slice %arg8[%arg0, %add3A_117, %dma_start3A_135] : memref<2x10240x128xf32, #tpu.memory_space<hbm>> -> memref<1x64x128xf32, #tpu.memory_space<hbm>>
      %dma_start3A_137 = tpu.memref_squeeze %dma_start3A_136 : memref<1x64x128xf32, #tpu.memory_space<hbm>> -> memref<64x128xf32, #tpu.memory_space<hbm>>
      tpu.enqueue_dma source(%arg19 : memref<64x128xf32, #tpu.memory_space<vmem>>) target(%dma_start3A_137 : memref<64x128xf32, #tpu.memory_space<hbm>>) target_semaphore(%run_scoped3A : memref<!tpu.dma_semaphore, #tpu.memory_space<semaphore_mem>>)
      %dma_wait3A_138 = arith.constant 0 : i32
      %dma_wait3A_139 = tpu.memref_slice %arg8[%arg0, %add3A_117, %dma_wait3A_138] : memref<2x10240x128xf32, #tpu.memory_space<hbm>> -> memref<1x64x128xf32, #tpu.memory_space<hbm>>
      %dma_wait3A_140 = tpu.memref_squeeze %dma_wait3A_139 : memref<1x64x128xf32, #tpu.memory_space<hbm>> -> memref<64x128xf32, #tpu.memory_space<hbm>>
      %dma_wait3A_141 = arith.constant 0 : i32
      %dma_wait3A_142 = tpu.memref_slice %arg8[%arg0, %add3A_117, %dma_wait3A_141] : memref<2x10240x128xf32, #tpu.memory_space<hbm>> -> memref<1x64x128xf32, #tpu.memory_space<hbm>>
      %dma_wait3A_143 = tpu.memref_squeeze %dma_wait3A_142 : memref<1x64x128xf32, #tpu.memory_space<hbm>> -> memref<64x128xf32, #tpu.memory_space<hbm>>
      tpu.wait_dma2 semaphore(%run_scoped3A : memref<!tpu.dma_semaphore, #tpu.memory_space<semaphore_mem>>) src(%arg19 : memref<64x128xf32, #tpu.memory_space<vmem>>) dst(%dma_wait3A_143 : memref<64x128xf32, #tpu.memory_space<hbm>>)
      tpu.yield
    }) : () -> ()
    "tpu.region"() ({
      %run_scoped3A = tpu.sem_alloc : memref<!tpu.dma_semaphore, #tpu.memory_space<semaphore_mem>>
      %dma_start3A_132 = arith.constant 0 : i32
      %dma_start3A_133 = tpu.memref_slice %arg25[%add3A_117, %dma_start3A_132] : memref<10240x16xf32, #tpu.memory_space<vmem_shared>> -> memref<64x16xf32, #tpu.memory_space<vmem_shared>>
      %dma_start3A_134 = arith.constant 0 : i32
      %dma_start3A_135 = tpu.memref_slice %arg25[%add3A_117, %dma_start3A_134] : memref<10240x16xf32, #tpu.memory_space<vmem_shared>> -> memref<64x16xf32, #tpu.memory_space<vmem_shared>>
      tpu.enqueue_dma source(%dma_start3A_135 : memref<64x16xf32, #tpu.memory_space<vmem_shared>>) target(%arg22 : memref<64x16xf32, #tpu.memory_space<vmem>>) target_semaphore(%run_scoped3A : memref<!tpu.dma_semaphore, #tpu.memory_space<semaphore_mem>>)
      %dma_wait3A_136 = arith.constant 0 : i32
      %dma_wait3A_137 = tpu.memref_slice %arg25[%add3A_117, %dma_wait3A_136] : memref<10240x16xf32, #tpu.memory_space<vmem_shared>> -> memref<64x16xf32, #tpu.memory_space<vmem_shared>>
      %dma_wait3A_138 = arith.constant 0 : i32
      %dma_wait3A_139 = tpu.memref_slice %arg25[%add3A_117, %dma_wait3A_138] : memref<10240x16xf32, #tpu.memory_space<vmem_shared>> -> memref<64x16xf32, #tpu.memory_space<vmem_shared>>
      tpu.wait_dma2 semaphore(%run_scoped3A : memref<!tpu.dma_semaphore, #tpu.memory_space<semaphore_mem>>) src(%dma_wait3A_139 : memref<64x16xf32, #tpu.memory_space<vmem_shared>>) dst(%arg22 : memref<64x16xf32, #tpu.memory_space<vmem>>)
      tpu.yield
    }) : () -> ()
    "tpu.region"() ({
      %run_scoped3A = tpu.sem_alloc : memref<!tpu.dma_semaphore, #tpu.memory_space<semaphore_mem>>
      %dma_start3A_132 = arith.constant 0 : i32
      %dma_start3A_133 = tpu.memref_slice %arg9[%arg0, %add3A_117, %dma_start3A_132] : memref<2x10240x16xf32, #tpu.memory_space<hbm>> -> memref<1x64x16xf32, #tpu.memory_space<hbm>>
      %dma_start3A_134 = tpu.memref_squeeze %dma_start3A_133 : memref<1x64x16xf32, #tpu.memory_space<hbm>> -> memref<64x16xf32, #tpu.memory_space<hbm>>
      %dma_start3A_135 = arith.constant 0 : i32
      %dma_start3A_136 = tpu.memref_slice %arg9[%arg0, %add3A_117, %dma_start3A_135] : memref<2x10240x16xf32, #tpu.memory_space<hbm>> -> memref<1x64x16xf32, #tpu.memory_space<hbm>>
      %dma_start3A_137 = tpu.memref_squeeze %dma_start3A_136 : memref<1x64x16xf32, #tpu.memory_space<hbm>> -> memref<64x16xf32, #tpu.memory_space<hbm>>
      tpu.enqueue_dma source(%arg22 : memref<64x16xf32, #tpu.memory_space<vmem>>) target(%dma_start3A_137 : memref<64x16xf32, #tpu.memory_space<hbm>>) target_semaphore(%run_scoped3A : memref<!tpu.dma_semaphore, #tpu.memory_space<semaphore_mem>>)
      %dma_wait3A_138 = arith.constant 0 : i32
      %dma_wait3A_139 = tpu.memref_slice %arg9[%arg0, %add3A_117, %dma_wait3A_138] : memref<2x10240x16xf32, #tpu.memory_space<hbm>> -> memref<1x64x16xf32, #tpu.memory_space<hbm>>
      %dma_wait3A_140 = tpu.memref_squeeze %dma_wait3A_139 : memref<1x64x16xf32, #tpu.memory_space<hbm>> -> memref<64x16xf32, #tpu.memory_space<hbm>>
      %dma_wait3A_141 = arith.constant 0 : i32
      %dma_wait3A_142 = tpu.memref_slice %arg9[%arg0, %add3A_117, %dma_wait3A_141] : memref<2x10240x16xf32, #tpu.memory_space<hbm>> -> memref<1x64x16xf32, #tpu.memory_space<hbm>>
      %dma_wait3A_143 = tpu.memref_squeeze %dma_wait3A_142 : memref<1x64x16xf32, #tpu.memory_space<hbm>> -> memref<64x16xf32, #tpu.memory_space<hbm>>
      tpu.wait_dma2 semaphore(%run_scoped3A : memref<!tpu.dma_semaphore, #tpu.memory_space<semaphore_mem>>) src(%arg22 : memref<64x16xf32, #tpu.memory_space<vmem>>) dst(%dma_wait3A_143 : memref<64x16xf32, #tpu.memory_space<hbm>>)
      tpu.yield
    }) : () -> ()
    %add3A_118 = arith.constant 192 : i32
    %add3A_119 = arith.addi %mul3A_10, %add3A_118 : i32
    "tpu.region"() ({
      %run_scoped3A = tpu.sem_alloc : memref<!tpu.dma_semaphore, #tpu.memory_space<semaphore_mem>>
      %dma_start3A_132 = arith.constant 0 : i32
      %dma_start3A_133 = tpu.memref_slice %arg24[%add3A_119, %dma_start3A_132] : memref<10240x128xf32, #tpu.memory_space<vmem_shared>> -> memref<64x128xf32, #tpu.memory_space<vmem_shared>>
      %dma_start3A_134 = arith.constant 0 : i32
      %dma_start3A_135 = tpu.memref_slice %arg24[%add3A_119, %dma_start3A_134] : memref<10240x128xf32, #tpu.memory_space<vmem_shared>> -> memref<64x128xf32, #tpu.memory_space<vmem_shared>>
      tpu.enqueue_dma source(%dma_start3A_135 : memref<64x128xf32, #tpu.memory_space<vmem_shared>>) target(%arg19 : memref<64x128xf32, #tpu.memory_space<vmem>>) target_semaphore(%run_scoped3A : memref<!tpu.dma_semaphore, #tpu.memory_space<semaphore_mem>>)
      %dma_wait3A_136 = arith.constant 0 : i32
      %dma_wait3A_137 = tpu.memref_slice %arg24[%add3A_119, %dma_wait3A_136] : memref<10240x128xf32, #tpu.memory_space<vmem_shared>> -> memref<64x128xf32, #tpu.memory_space<vmem_shared>>
      %dma_wait3A_138 = arith.constant 0 : i32
      %dma_wait3A_139 = tpu.memref_slice %arg24[%add3A_119, %dma_wait3A_138] : memref<10240x128xf32, #tpu.memory_space<vmem_shared>> -> memref<64x128xf32, #tpu.memory_space<vmem_shared>>
      tpu.wait_dma2 semaphore(%run_scoped3A : memref<!tpu.dma_semaphore, #tpu.memory_space<semaphore_mem>>) src(%dma_wait3A_139 : memref<64x128xf32, #tpu.memory_space<vmem_shared>>) dst(%arg19 : memref<64x128xf32, #tpu.memory_space<vmem>>)
      tpu.yield
    }) : () -> ()
    "tpu.region"() ({
      %run_scoped3A = tpu.sem_alloc : memref<!tpu.dma_semaphore, #tpu.memory_space<semaphore_mem>>
      %dma_start3A_132 = arith.constant 0 : i32
      %dma_start3A_133 = tpu.memref_slice %arg8[%arg0, %add3A_119, %dma_start3A_132] : memref<2x10240x128xf32, #tpu.memory_space<hbm>> -> memref<1x64x128xf32, #tpu.memory_space<hbm>>
      %dma_start3A_134 = tpu.memref_squeeze %dma_start3A_133 : memref<1x64x128xf32, #tpu.memory_space<hbm>> -> memref<64x128xf32, #tpu.memory_space<hbm>>
      %dma_start3A_135 = arith.constant 0 : i32
      %dma_start3A_136 = tpu.memref_slice %arg8[%arg0, %add3A_119, %dma_start3A_135] : memref<2x10240x128xf32, #tpu.memory_space<hbm>> -> memref<1x64x128xf32, #tpu.memory_space<hbm>>
      %dma_start3A_137 = tpu.memref_squeeze %dma_start3A_136 : memref<1x64x128xf32, #tpu.memory_space<hbm>> -> memref<64x128xf32, #tpu.memory_space<hbm>>
      tpu.enqueue_dma source(%arg19 : memref<64x128xf32, #tpu.memory_space<vmem>>) target(%dma_start3A_137 : memref<64x128xf32, #tpu.memory_space<hbm>>) target_semaphore(%run_scoped3A : memref<!tpu.dma_semaphore, #tpu.memory_space<semaphore_mem>>)
      %dma_wait3A_138 = arith.constant 0 : i32
      %dma_wait3A_139 = tpu.memref_slice %arg8[%arg0, %add3A_119, %dma_wait3A_138] : memref<2x10240x128xf32, #tpu.memory_space<hbm>> -> memref<1x64x128xf32, #tpu.memory_space<hbm>>
      %dma_wait3A_140 = tpu.memref_squeeze %dma_wait3A_139 : memref<1x64x128xf32, #tpu.memory_space<hbm>> -> memref<64x128xf32, #tpu.memory_space<hbm>>
      %dma_wait3A_141 = arith.constant 0 : i32
      %dma_wait3A_142 = tpu.memref_slice %arg8[%arg0, %add3A_119, %dma_wait3A_141] : memref<2x10240x128xf32, #tpu.memory_space<hbm>> -> memref<1x64x128xf32, #tpu.memory_space<hbm>>
      %dma_wait3A_143 = tpu.memref_squeeze %dma_wait3A_142 : memref<1x64x128xf32, #tpu.memory_space<hbm>> -> memref<64x128xf32, #tpu.memory_space<hbm>>
      tpu.wait_dma2 semaphore(%run_scoped3A : memref<!tpu.dma_semaphore, #tpu.memory_space<semaphore_mem>>) src(%arg19 : memref<64x128xf32, #tpu.memory_space<vmem>>) dst(%dma_wait3A_143 : memref<64x128xf32, #tpu.memory_space<hbm>>)
      tpu.yield
    }) : () -> ()
    "tpu.region"() ({
      %run_scoped3A = tpu.sem_alloc : memref<!tpu.dma_semaphore, #tpu.memory_space<semaphore_mem>>
      %dma_start3A_132 = arith.constant 0 : i32
      %dma_start3A_133 = tpu.memref_slice %arg25[%add3A_119, %dma_start3A_132] : memref<10240x16xf32, #tpu.memory_space<vmem_shared>> -> memref<64x16xf32, #tpu.memory_space<vmem_shared>>
      %dma_start3A_134 = arith.constant 0 : i32
      %dma_start3A_135 = tpu.memref_slice %arg25[%add3A_119, %dma_start3A_134] : memref<10240x16xf32, #tpu.memory_space<vmem_shared>> -> memref<64x16xf32, #tpu.memory_space<vmem_shared>>
      tpu.enqueue_dma source(%dma_start3A_135 : memref<64x16xf32, #tpu.memory_space<vmem_shared>>) target(%arg22 : memref<64x16xf32, #tpu.memory_space<vmem>>) target_semaphore(%run_scoped3A : memref<!tpu.dma_semaphore, #tpu.memory_space<semaphore_mem>>)
      %dma_wait3A_136 = arith.constant 0 : i32
      %dma_wait3A_137 = tpu.memref_slice %arg25[%add3A_119, %dma_wait3A_136] : memref<10240x16xf32, #tpu.memory_space<vmem_shared>> -> memref<64x16xf32, #tpu.memory_space<vmem_shared>>
      %dma_wait3A_138 = arith.constant 0 : i32
      %dma_wait3A_139 = tpu.memref_slice %arg25[%add3A_119, %dma_wait3A_138] : memref<10240x16xf32, #tpu.memory_space<vmem_shared>> -> memref<64x16xf32, #tpu.memory_space<vmem_shared>>
      tpu.wait_dma2 semaphore(%run_scoped3A : memref<!tpu.dma_semaphore, #tpu.memory_space<semaphore_mem>>) src(%dma_wait3A_139 : memref<64x16xf32, #tpu.memory_space<vmem_shared>>) dst(%arg22 : memref<64x16xf32, #tpu.memory_space<vmem>>)
      tpu.yield
    }) : () -> ()
    "tpu.region"() ({
      %run_scoped3A = tpu.sem_alloc : memref<!tpu.dma_semaphore, #tpu.memory_space<semaphore_mem>>
      %dma_start3A_132 = arith.constant 0 : i32
      %dma_start3A_133 = tpu.memref_slice %arg9[%arg0, %add3A_119, %dma_start3A_132] : memref<2x10240x16xf32, #tpu.memory_space<hbm>> -> memref<1x64x16xf32, #tpu.memory_space<hbm>>
      %dma_start3A_134 = tpu.memref_squeeze %dma_start3A_133 : memref<1x64x16xf32, #tpu.memory_space<hbm>> -> memref<64x16xf32, #tpu.memory_space<hbm>>
      %dma_start3A_135 = arith.constant 0 : i32
      %dma_start3A_136 = tpu.memref_slice %arg9[%arg0, %add3A_119, %dma_start3A_135] : memref<2x10240x16xf32, #tpu.memory_space<hbm>> -> memref<1x64x16xf32, #tpu.memory_space<hbm>>
      %dma_start3A_137 = tpu.memref_squeeze %dma_start3A_136 : memref<1x64x16xf32, #tpu.memory_space<hbm>> -> memref<64x16xf32, #tpu.memory_space<hbm>>
      tpu.enqueue_dma source(%arg22 : memref<64x16xf32, #tpu.memory_space<vmem>>) target(%dma_start3A_137 : memref<64x16xf32, #tpu.memory_space<hbm>>) target_semaphore(%run_scoped3A : memref<!tpu.dma_semaphore, #tpu.memory_space<semaphore_mem>>)
      %dma_wait3A_138 = arith.constant 0 : i32
      %dma_wait3A_139 = tpu.memref_slice %arg9[%arg0, %add3A_119, %dma_wait3A_138] : memref<2x10240x16xf32, #tpu.memory_space<hbm>> -> memref<1x64x16xf32, #tpu.memory_space<hbm>>
      %dma_wait3A_140 = tpu.memref_squeeze %dma_wait3A_139 : memref<1x64x16xf32, #tpu.memory_space<hbm>> -> memref<64x16xf32, #tpu.memory_space<hbm>>
      %dma_wait3A_141 = arith.constant 0 : i32
      %dma_wait3A_142 = tpu.memref_slice %arg9[%arg0, %add3A_119, %dma_wait3A_141] : memref<2x10240x16xf32, #tpu.memory_space<hbm>> -> memref<1x64x16xf32, #tpu.memory_space<hbm>>
      %dma_wait3A_143 = tpu.memref_squeeze %dma_wait3A_142 : memref<1x64x16xf32, #tpu.memory_space<hbm>> -> memref<64x16xf32, #tpu.memory_space<hbm>>
      tpu.wait_dma2 semaphore(%run_scoped3A : memref<!tpu.dma_semaphore, #tpu.memory_space<semaphore_mem>>) src(%arg22 : memref<64x16xf32, #tpu.memory_space<vmem>>) dst(%dma_wait3A_143 : memref<64x16xf32, #tpu.memory_space<hbm>>)
      tpu.yield
    }) : () -> ()
    %add3A_120 = arith.constant 256 : i32
    %add3A_121 = arith.addi %mul3A_10, %add3A_120 : i32
    "tpu.region"() ({
      %run_scoped3A = tpu.sem_alloc : memref<!tpu.dma_semaphore, #tpu.memory_space<semaphore_mem>>
      %dma_start3A_132 = arith.constant 0 : i32
      %dma_start3A_133 = tpu.memref_slice %arg24[%add3A_121, %dma_start3A_132] : memref<10240x128xf32, #tpu.memory_space<vmem_shared>> -> memref<64x128xf32, #tpu.memory_space<vmem_shared>>
      %dma_start3A_134 = arith.constant 0 : i32
      %dma_start3A_135 = tpu.memref_slice %arg24[%add3A_121, %dma_start3A_134] : memref<10240x128xf32, #tpu.memory_space<vmem_shared>> -> memref<64x128xf32, #tpu.memory_space<vmem_shared>>
      tpu.enqueue_dma source(%dma_start3A_135 : memref<64x128xf32, #tpu.memory_space<vmem_shared>>) target(%arg19 : memref<64x128xf32, #tpu.memory_space<vmem>>) target_semaphore(%run_scoped3A : memref<!tpu.dma_semaphore, #tpu.memory_space<semaphore_mem>>)
      %dma_wait3A_136 = arith.constant 0 : i32
      %dma_wait3A_137 = tpu.memref_slice %arg24[%add3A_121, %dma_wait3A_136] : memref<10240x128xf32, #tpu.memory_space<vmem_shared>> -> memref<64x128xf32, #tpu.memory_space<vmem_shared>>
      %dma_wait3A_138 = arith.constant 0 : i32
      %dma_wait3A_139 = tpu.memref_slice %arg24[%add3A_121, %dma_wait3A_138] : memref<10240x128xf32, #tpu.memory_space<vmem_shared>> -> memref<64x128xf32, #tpu.memory_space<vmem_shared>>
      tpu.wait_dma2 semaphore(%run_scoped3A : memref<!tpu.dma_semaphore, #tpu.memory_space<semaphore_mem>>) src(%dma_wait3A_139 : memref<64x128xf32, #tpu.memory_space<vmem_shared>>) dst(%arg19 : memref<64x128xf32, #tpu.memory_space<vmem>>)
      tpu.yield
    }) : () -> ()
    "tpu.region"() ({
      %run_scoped3A = tpu.sem_alloc : memref<!tpu.dma_semaphore, #tpu.memory_space<semaphore_mem>>
      %dma_start3A_132 = arith.constant 0 : i32
      %dma_start3A_133 = tpu.memref_slice %arg8[%arg0, %add3A_121, %dma_start3A_132] : memref<2x10240x128xf32, #tpu.memory_space<hbm>> -> memref<1x64x128xf32, #tpu.memory_space<hbm>>
      %dma_start3A_134 = tpu.memref_squeeze %dma_start3A_133 : memref<1x64x128xf32, #tpu.memory_space<hbm>> -> memref<64x128xf32, #tpu.memory_space<hbm>>
      %dma_start3A_135 = arith.constant 0 : i32
      %dma_start3A_136 = tpu.memref_slice %arg8[%arg0, %add3A_121, %dma_start3A_135] : memref<2x10240x128xf32, #tpu.memory_space<hbm>> -> memref<1x64x128xf32, #tpu.memory_space<hbm>>
      %dma_start3A_137 = tpu.memref_squeeze %dma_start3A_136 : memref<1x64x128xf32, #tpu.memory_space<hbm>> -> memref<64x128xf32, #tpu.memory_space<hbm>>
      tpu.enqueue_dma source(%arg19 : memref<64x128xf32, #tpu.memory_space<vmem>>) target(%dma_start3A_137 : memref<64x128xf32, #tpu.memory_space<hbm>>) target_semaphore(%run_scoped3A : memref<!tpu.dma_semaphore, #tpu.memory_space<semaphore_mem>>)
      %dma_wait3A_138 = arith.constant 0 : i32
      %dma_wait3A_139 = tpu.memref_slice %arg8[%arg0, %add3A_121, %dma_wait3A_138] : memref<2x10240x128xf32, #tpu.memory_space<hbm>> -> memref<1x64x128xf32, #tpu.memory_space<hbm>>
      %dma_wait3A_140 = tpu.memref_squeeze %dma_wait3A_139 : memref<1x64x128xf32, #tpu.memory_space<hbm>> -> memref<64x128xf32, #tpu.memory_space<hbm>>
      %dma_wait3A_141 = arith.constant 0 : i32
      %dma_wait3A_142 = tpu.memref_slice %arg8[%arg0, %add3A_121, %dma_wait3A_141] : memref<2x10240x128xf32, #tpu.memory_space<hbm>> -> memref<1x64x128xf32, #tpu.memory_space<hbm>>
      %dma_wait3A_143 = tpu.memref_squeeze %dma_wait3A_142 : memref<1x64x128xf32, #tpu.memory_space<hbm>> -> memref<64x128xf32, #tpu.memory_space<hbm>>
      tpu.wait_dma2 semaphore(%run_scoped3A : memref<!tpu.dma_semaphore, #tpu.memory_space<semaphore_mem>>) src(%arg19 : memref<64x128xf32, #tpu.memory_space<vmem>>) dst(%dma_wait3A_143 : memref<64x128xf32, #tpu.memory_space<hbm>>)
      tpu.yield
    }) : () -> ()
    "tpu.region"() ({
      %run_scoped3A = tpu.sem_alloc : memref<!tpu.dma_semaphore, #tpu.memory_space<semaphore_mem>>
      %dma_start3A_132 = arith.constant 0 : i32
      %dma_start3A_133 = tpu.memref_slice %arg25[%add3A_121, %dma_start3A_132] : memref<10240x16xf32, #tpu.memory_space<vmem_shared>> -> memref<64x16xf32, #tpu.memory_space<vmem_shared>>
      %dma_start3A_134 = arith.constant 0 : i32
      %dma_start3A_135 = tpu.memref_slice %arg25[%add3A_121, %dma_start3A_134] : memref<10240x16xf32, #tpu.memory_space<vmem_shared>> -> memref<64x16xf32, #tpu.memory_space<vmem_shared>>
      tpu.enqueue_dma source(%dma_start3A_135 : memref<64x16xf32, #tpu.memory_space<vmem_shared>>) target(%arg22 : memref<64x16xf32, #tpu.memory_space<vmem>>) target_semaphore(%run_scoped3A : memref<!tpu.dma_semaphore, #tpu.memory_space<semaphore_mem>>)
      %dma_wait3A_136 = arith.constant 0 : i32
      %dma_wait3A_137 = tpu.memref_slice %arg25[%add3A_121, %dma_wait3A_136] : memref<10240x16xf32, #tpu.memory_space<vmem_shared>> -> memref<64x16xf32, #tpu.memory_space<vmem_shared>>
      %dma_wait3A_138 = arith.constant 0 : i32
      %dma_wait3A_139 = tpu.memref_slice %arg25[%add3A_121, %dma_wait3A_138] : memref<10240x16xf32, #tpu.memory_space<vmem_shared>> -> memref<64x16xf32, #tpu.memory_space<vmem_shared>>
      tpu.wait_dma2 semaphore(%run_scoped3A : memref<!tpu.dma_semaphore, #tpu.memory_space<semaphore_mem>>) src(%dma_wait3A_139 : memref<64x16xf32, #tpu.memory_space<vmem_shared>>) dst(%arg22 : memref<64x16xf32, #tpu.memory_space<vmem>>)
      tpu.yield
    }) : () -> ()
    "tpu.region"() ({
      %run_scoped3A = tpu.sem_alloc : memref<!tpu.dma_semaphore, #tpu.memory_space<semaphore_mem>>
      %dma_start3A_132 = arith.constant 0 : i32
      %dma_start3A_133 = tpu.memref_slice %arg9[%arg0, %add3A_121, %dma_start3A_132] : memref<2x10240x16xf32, #tpu.memory_space<hbm>> -> memref<1x64x16xf32, #tpu.memory_space<hbm>>
      %dma_start3A_134 = tpu.memref_squeeze %dma_start3A_133 : memref<1x64x16xf32, #tpu.memory_space<hbm>> -> memref<64x16xf32, #tpu.memory_space<hbm>>
      %dma_start3A_135 = arith.constant 0 : i32
      %dma_start3A_136 = tpu.memref_slice %arg9[%arg0, %add3A_121, %dma_start3A_135] : memref<2x10240x16xf32, #tpu.memory_space<hbm>> -> memref<1x64x16xf32, #tpu.memory_space<hbm>>
      %dma_start3A_137 = tpu.memref_squeeze %dma_start3A_136 : memref<1x64x16xf32, #tpu.memory_space<hbm>> -> memref<64x16xf32, #tpu.memory_space<hbm>>
      tpu.enqueue_dma source(%arg22 : memref<64x16xf32, #tpu.memory_space<vmem>>) target(%dma_start3A_137 : memref<64x16xf32, #tpu.memory_space<hbm>>) target_semaphore(%run_scoped3A : memref<!tpu.dma_semaphore, #tpu.memory_space<semaphore_mem>>)
      %dma_wait3A_138 = arith.constant 0 : i32
      %dma_wait3A_139 = tpu.memref_slice %arg9[%arg0, %add3A_121, %dma_wait3A_138] : memref<2x10240x16xf32, #tpu.memory_space<hbm>> -> memref<1x64x16xf32, #tpu.memory_space<hbm>>
      %dma_wait3A_140 = tpu.memref_squeeze %dma_wait3A_139 : memref<1x64x16xf32, #tpu.memory_space<hbm>> -> memref<64x16xf32, #tpu.memory_space<hbm>>
      %dma_wait3A_141 = arith.constant 0 : i32
      %dma_wait3A_142 = tpu.memref_slice %arg9[%arg0, %add3A_121, %dma_wait3A_141] : memref<2x10240x16xf32, #tpu.memory_space<hbm>> -> memref<1x64x16xf32, #tpu.memory_space<hbm>>
      %dma_wait3A_143 = tpu.memref_squeeze %dma_wait3A_142 : memref<1x64x16xf32, #tpu.memory_space<hbm>> -> memref<64x16xf32, #tpu.memory_space<hbm>>
      tpu.wait_dma2 semaphore(%run_scoped3A : memref<!tpu.dma_semaphore, #tpu.memory_space<semaphore_mem>>) src(%arg22 : memref<64x16xf32, #tpu.memory_space<vmem>>) dst(%dma_wait3A_143 : memref<64x16xf32, #tpu.memory_space<hbm>>)
      tpu.yield
    }) : () -> ()
    %add3A_122 = arith.constant 320 : i32
    %add3A_123 = arith.addi %mul3A_10, %add3A_122 : i32
    "tpu.region"() ({
      %run_scoped3A = tpu.sem_alloc : memref<!tpu.dma_semaphore, #tpu.memory_space<semaphore_mem>>
      %dma_start3A_132 = arith.constant 0 : i32
      %dma_start3A_133 = tpu.memref_slice %arg24[%add3A_123, %dma_start3A_132] : memref<10240x128xf32, #tpu.memory_space<vmem_shared>> -> memref<64x128xf32, #tpu.memory_space<vmem_shared>>
      %dma_start3A_134 = arith.constant 0 : i32
      %dma_start3A_135 = tpu.memref_slice %arg24[%add3A_123, %dma_start3A_134] : memref<10240x128xf32, #tpu.memory_space<vmem_shared>> -> memref<64x128xf32, #tpu.memory_space<vmem_shared>>
      tpu.enqueue_dma source(%dma_start3A_135 : memref<64x128xf32, #tpu.memory_space<vmem_shared>>) target(%arg19 : memref<64x128xf32, #tpu.memory_space<vmem>>) target_semaphore(%run_scoped3A : memref<!tpu.dma_semaphore, #tpu.memory_space<semaphore_mem>>)
      %dma_wait3A_136 = arith.constant 0 : i32
      %dma_wait3A_137 = tpu.memref_slice %arg24[%add3A_123, %dma_wait3A_136] : memref<10240x128xf32, #tpu.memory_space<vmem_shared>> -> memref<64x128xf32, #tpu.memory_space<vmem_shared>>
      %dma_wait3A_138 = arith.constant 0 : i32
      %dma_wait3A_139 = tpu.memref_slice %arg24[%add3A_123, %dma_wait3A_138] : memref<10240x128xf32, #tpu.memory_space<vmem_shared>> -> memref<64x128xf32, #tpu.memory_space<vmem_shared>>
      tpu.wait_dma2 semaphore(%run_scoped3A : memref<!tpu.dma_semaphore, #tpu.memory_space<semaphore_mem>>) src(%dma_wait3A_139 : memref<64x128xf32, #tpu.memory_space<vmem_shared>>) dst(%arg19 : memref<64x128xf32, #tpu.memory_space<vmem>>)
      tpu.yield
    }) : () -> ()
    "tpu.region"() ({
      %run_scoped3A = tpu.sem_alloc : memref<!tpu.dma_semaphore, #tpu.memory_space<semaphore_mem>>
      %dma_start3A_132 = arith.constant 0 : i32
      %dma_start3A_133 = tpu.memref_slice %arg8[%arg0, %add3A_123, %dma_start3A_132] : memref<2x10240x128xf32, #tpu.memory_space<hbm>> -> memref<1x64x128xf32, #tpu.memory_space<hbm>>
      %dma_start3A_134 = tpu.memref_squeeze %dma_start3A_133 : memref<1x64x128xf32, #tpu.memory_space<hbm>> -> memref<64x128xf32, #tpu.memory_space<hbm>>
      %dma_start3A_135 = arith.constant 0 : i32
      %dma_start3A_136 = tpu.memref_slice %arg8[%arg0, %add3A_123, %dma_start3A_135] : memref<2x10240x128xf32, #tpu.memory_space<hbm>> -> memref<1x64x128xf32, #tpu.memory_space<hbm>>
      %dma_start3A_137 = tpu.memref_squeeze %dma_start3A_136 : memref<1x64x128xf32, #tpu.memory_space<hbm>> -> memref<64x128xf32, #tpu.memory_space<hbm>>
      tpu.enqueue_dma source(%arg19 : memref<64x128xf32, #tpu.memory_space<vmem>>) target(%dma_start3A_137 : memref<64x128xf32, #tpu.memory_space<hbm>>) target_semaphore(%run_scoped3A : memref<!tpu.dma_semaphore, #tpu.memory_space<semaphore_mem>>)
      %dma_wait3A_138 = arith.constant 0 : i32
      %dma_wait3A_139 = tpu.memref_slice %arg8[%arg0, %add3A_123, %dma_wait3A_138] : memref<2x10240x128xf32, #tpu.memory_space<hbm>> -> memref<1x64x128xf32, #tpu.memory_space<hbm>>
      %dma_wait3A_140 = tpu.memref_squeeze %dma_wait3A_139 : memref<1x64x128xf32, #tpu.memory_space<hbm>> -> memref<64x128xf32, #tpu.memory_space<hbm>>
      %dma_wait3A_141 = arith.constant 0 : i32
      %dma_wait3A_142 = tpu.memref_slice %arg8[%arg0, %add3A_123, %dma_wait3A_141] : memref<2x10240x128xf32, #tpu.memory_space<hbm>> -> memref<1x64x128xf32, #tpu.memory_space<hbm>>
      %dma_wait3A_143 = tpu.memref_squeeze %dma_wait3A_142 : memref<1x64x128xf32, #tpu.memory_space<hbm>> -> memref<64x128xf32, #tpu.memory_space<hbm>>
      tpu.wait_dma2 semaphore(%run_scoped3A : memref<!tpu.dma_semaphore, #tpu.memory_space<semaphore_mem>>) src(%arg19 : memref<64x128xf32, #tpu.memory_space<vmem>>) dst(%dma_wait3A_143 : memref<64x128xf32, #tpu.memory_space<hbm>>)
      tpu.yield
    }) : () -> ()
    "tpu.region"() ({
      %run_scoped3A = tpu.sem_alloc : memref<!tpu.dma_semaphore, #tpu.memory_space<semaphore_mem>>
      %dma_start3A_132 = arith.constant 0 : i32
      %dma_start3A_133 = tpu.memref_slice %arg25[%add3A_123, %dma_start3A_132] : memref<10240x16xf32, #tpu.memory_space<vmem_shared>> -> memref<64x16xf32, #tpu.memory_space<vmem_shared>>
      %dma_start3A_134 = arith.constant 0 : i32
      %dma_start3A_135 = tpu.memref_slice %arg25[%add3A_123, %dma_start3A_134] : memref<10240x16xf32, #tpu.memory_space<vmem_shared>> -> memref<64x16xf32, #tpu.memory_space<vmem_shared>>
      tpu.enqueue_dma source(%dma_start3A_135 : memref<64x16xf32, #tpu.memory_space<vmem_shared>>) target(%arg22 : memref<64x16xf32, #tpu.memory_space<vmem>>) target_semaphore(%run_scoped3A : memref<!tpu.dma_semaphore, #tpu.memory_space<semaphore_mem>>)
      %dma_wait3A_136 = arith.constant 0 : i32
      %dma_wait3A_137 = tpu.memref_slice %arg25[%add3A_123, %dma_wait3A_136] : memref<10240x16xf32, #tpu.memory_space<vmem_shared>> -> memref<64x16xf32, #tpu.memory_space<vmem_shared>>
      %dma_wait3A_138 = arith.constant 0 : i32
      %dma_wait3A_139 = tpu.memref_slice %arg25[%add3A_123, %dma_wait3A_138] : memref<10240x16xf32, #tpu.memory_space<vmem_shared>> -> memref<64x16xf32, #tpu.memory_space<vmem_shared>>
      tpu.wait_dma2 semaphore(%run_scoped3A : memref<!tpu.dma_semaphore, #tpu.memory_space<semaphore_mem>>) src(%dma_wait3A_139 : memref<64x16xf32, #tpu.memory_space<vmem_shared>>) dst(%arg22 : memref<64x16xf32, #tpu.memory_space<vmem>>)
      tpu.yield
    }) : () -> ()
    "tpu.region"() ({
      %run_scoped3A = tpu.sem_alloc : memref<!tpu.dma_semaphore, #tpu.memory_space<semaphore_mem>>
      %dma_start3A_132 = arith.constant 0 : i32
      %dma_start3A_133 = tpu.memref_slice %arg9[%arg0, %add3A_123, %dma_start3A_132] : memref<2x10240x16xf32, #tpu.memory_space<hbm>> -> memref<1x64x16xf32, #tpu.memory_space<hbm>>
      %dma_start3A_134 = tpu.memref_squeeze %dma_start3A_133 : memref<1x64x16xf32, #tpu.memory_space<hbm>> -> memref<64x16xf32, #tpu.memory_space<hbm>>
      %dma_start3A_135 = arith.constant 0 : i32
      %dma_start3A_136 = tpu.memref_slice %arg9[%arg0, %add3A_123, %dma_start3A_135] : memref<2x10240x16xf32, #tpu.memory_space<hbm>> -> memref<1x64x16xf32, #tpu.memory_space<hbm>>
      %dma_start3A_137 = tpu.memref_squeeze %dma_start3A_136 : memref<1x64x16xf32, #tpu.memory_space<hbm>> -> memref<64x16xf32, #tpu.memory_space<hbm>>
      tpu.enqueue_dma source(%arg22 : memref<64x16xf32, #tpu.memory_space<vmem>>) target(%dma_start3A_137 : memref<64x16xf32, #tpu.memory_space<hbm>>) target_semaphore(%run_scoped3A : memref<!tpu.dma_semaphore, #tpu.memory_space<semaphore_mem>>)
      %dma_wait3A_138 = arith.constant 0 : i32
      %dma_wait3A_139 = tpu.memref_slice %arg9[%arg0, %add3A_123, %dma_wait3A_138] : memref<2x10240x16xf32, #tpu.memory_space<hbm>> -> memref<1x64x16xf32, #tpu.memory_space<hbm>>
      %dma_wait3A_140 = tpu.memref_squeeze %dma_wait3A_139 : memref<1x64x16xf32, #tpu.memory_space<hbm>> -> memref<64x16xf32, #tpu.memory_space<hbm>>
      %dma_wait3A_141 = arith.constant 0 : i32
      %dma_wait3A_142 = tpu.memref_slice %arg9[%arg0, %add3A_123, %dma_wait3A_141] : memref<2x10240x16xf32, #tpu.memory_space<hbm>> -> memref<1x64x16xf32, #tpu.memory_space<hbm>>
      %dma_wait3A_143 = tpu.memref_squeeze %dma_wait3A_142 : memref<1x64x16xf32, #tpu.memory_space<hbm>> -> memref<64x16xf32, #tpu.memory_space<hbm>>
      tpu.wait_dma2 semaphore(%run_scoped3A : memref<!tpu.dma_semaphore, #tpu.memory_space<semaphore_mem>>) src(%arg22 : memref<64x16xf32, #tpu.memory_space<vmem>>) dst(%dma_wait3A_143 : memref<64x16xf32, #tpu.memory_space<hbm>>)
      tpu.yield
    }) : () -> ()
    %add3A_124 = arith.constant 384 : i32
    %add3A_125 = arith.addi %mul3A_10, %add3A_124 : i32
    "tpu.region"() ({
      %run_scoped3A = tpu.sem_alloc : memref<!tpu.dma_semaphore, #tpu.memory_space<semaphore_mem>>
      %dma_start3A_132 = arith.constant 0 : i32
      %dma_start3A_133 = tpu.memref_slice %arg24[%add3A_125, %dma_start3A_132] : memref<10240x128xf32, #tpu.memory_space<vmem_shared>> -> memref<64x128xf32, #tpu.memory_space<vmem_shared>>
      %dma_start3A_134 = arith.constant 0 : i32
      %dma_start3A_135 = tpu.memref_slice %arg24[%add3A_125, %dma_start3A_134] : memref<10240x128xf32, #tpu.memory_space<vmem_shared>> -> memref<64x128xf32, #tpu.memory_space<vmem_shared>>
      tpu.enqueue_dma source(%dma_start3A_135 : memref<64x128xf32, #tpu.memory_space<vmem_shared>>) target(%arg19 : memref<64x128xf32, #tpu.memory_space<vmem>>) target_semaphore(%run_scoped3A : memref<!tpu.dma_semaphore, #tpu.memory_space<semaphore_mem>>)
      %dma_wait3A_136 = arith.constant 0 : i32
      %dma_wait3A_137 = tpu.memref_slice %arg24[%add3A_125, %dma_wait3A_136] : memref<10240x128xf32, #tpu.memory_space<vmem_shared>> -> memref<64x128xf32, #tpu.memory_space<vmem_shared>>
      %dma_wait3A_138 = arith.constant 0 : i32
      %dma_wait3A_139 = tpu.memref_slice %arg24[%add3A_125, %dma_wait3A_138] : memref<10240x128xf32, #tpu.memory_space<vmem_shared>> -> memref<64x128xf32, #tpu.memory_space<vmem_shared>>
      tpu.wait_dma2 semaphore(%run_scoped3A : memref<!tpu.dma_semaphore, #tpu.memory_space<semaphore_mem>>) src(%dma_wait3A_139 : memref<64x128xf32, #tpu.memory_space<vmem_shared>>) dst(%arg19 : memref<64x128xf32, #tpu.memory_space<vmem>>)
      tpu.yield
    }) : () -> ()
    "tpu.region"() ({
      %run_scoped3A = tpu.sem_alloc : memref<!tpu.dma_semaphore, #tpu.memory_space<semaphore_mem>>
      %dma_start3A_132 = arith.constant 0 : i32
      %dma_start3A_133 = tpu.memref_slice %arg8[%arg0, %add3A_125, %dma_start3A_132] : memref<2x10240x128xf32, #tpu.memory_space<hbm>> -> memref<1x64x128xf32, #tpu.memory_space<hbm>>
      %dma_start3A_134 = tpu.memref_squeeze %dma_start3A_133 : memref<1x64x128xf32, #tpu.memory_space<hbm>> -> memref<64x128xf32, #tpu.memory_space<hbm>>
      %dma_start3A_135 = arith.constant 0 : i32
      %dma_start3A_136 = tpu.memref_slice %arg8[%arg0, %add3A_125, %dma_start3A_135] : memref<2x10240x128xf32, #tpu.memory_space<hbm>> -> memref<1x64x128xf32, #tpu.memory_space<hbm>>
      %dma_start3A_137 = tpu.memref_squeeze %dma_start3A_136 : memref<1x64x128xf32, #tpu.memory_space<hbm>> -> memref<64x128xf32, #tpu.memory_space<hbm>>
      tpu.enqueue_dma source(%arg19 : memref<64x128xf32, #tpu.memory_space<vmem>>) target(%dma_start3A_137 : memref<64x128xf32, #tpu.memory_space<hbm>>) target_semaphore(%run_scoped3A : memref<!tpu.dma_semaphore, #tpu.memory_space<semaphore_mem>>)
      %dma_wait3A_138 = arith.constant 0 : i32
      %dma_wait3A_139 = tpu.memref_slice %arg8[%arg0, %add3A_125, %dma_wait3A_138] : memref<2x10240x128xf32, #tpu.memory_space<hbm>> -> memref<1x64x128xf32, #tpu.memory_space<hbm>>
      %dma_wait3A_140 = tpu.memref_squeeze %dma_wait3A_139 : memref<1x64x128xf32, #tpu.memory_space<hbm>> -> memref<64x128xf32, #tpu.memory_space<hbm>>
      %dma_wait3A_141 = arith.constant 0 : i32
      %dma_wait3A_142 = tpu.memref_slice %arg8[%arg0, %add3A_125, %dma_wait3A_141] : memref<2x10240x128xf32, #tpu.memory_space<hbm>> -> memref<1x64x128xf32, #tpu.memory_space<hbm>>
      %dma_wait3A_143 = tpu.memref_squeeze %dma_wait3A_142 : memref<1x64x128xf32, #tpu.memory_space<hbm>> -> memref<64x128xf32, #tpu.memory_space<hbm>>
      tpu.wait_dma2 semaphore(%run_scoped3A : memref<!tpu.dma_semaphore, #tpu.memory_space<semaphore_mem>>) src(%arg19 : memref<64x128xf32, #tpu.memory_space<vmem>>) dst(%dma_wait3A_143 : memref<64x128xf32, #tpu.memory_space<hbm>>)
      tpu.yield
    }) : () -> ()
    "tpu.region"() ({
      %run_scoped3A = tpu.sem_alloc : memref<!tpu.dma_semaphore, #tpu.memory_space<semaphore_mem>>
      %dma_start3A_132 = arith.constant 0 : i32
      %dma_start3A_133 = tpu.memref_slice %arg25[%add3A_125, %dma_start3A_132] : memref<10240x16xf32, #tpu.memory_space<vmem_shared>> -> memref<64x16xf32, #tpu.memory_space<vmem_shared>>
      %dma_start3A_134 = arith.constant 0 : i32
      %dma_start3A_135 = tpu.memref_slice %arg25[%add3A_125, %dma_start3A_134] : memref<10240x16xf32, #tpu.memory_space<vmem_shared>> -> memref<64x16xf32, #tpu.memory_space<vmem_shared>>
      tpu.enqueue_dma source(%dma_start3A_135 : memref<64x16xf32, #tpu.memory_space<vmem_shared>>) target(%arg22 : memref<64x16xf32, #tpu.memory_space<vmem>>) target_semaphore(%run_scoped3A : memref<!tpu.dma_semaphore, #tpu.memory_space<semaphore_mem>>)
      %dma_wait3A_136 = arith.constant 0 : i32
      %dma_wait3A_137 = tpu.memref_slice %arg25[%add3A_125, %dma_wait3A_136] : memref<10240x16xf32, #tpu.memory_space<vmem_shared>> -> memref<64x16xf32, #tpu.memory_space<vmem_shared>>
      %dma_wait3A_138 = arith.constant 0 : i32
      %dma_wait3A_139 = tpu.memref_slice %arg25[%add3A_125, %dma_wait3A_138] : memref<10240x16xf32, #tpu.memory_space<vmem_shared>> -> memref<64x16xf32, #tpu.memory_space<vmem_shared>>
      tpu.wait_dma2 semaphore(%run_scoped3A : memref<!tpu.dma_semaphore, #tpu.memory_space<semaphore_mem>>) src(%dma_wait3A_139 : memref<64x16xf32, #tpu.memory_space<vmem_shared>>) dst(%arg22 : memref<64x16xf32, #tpu.memory_space<vmem>>)
      tpu.yield
    }) : () -> ()
    "tpu.region"() ({
      %run_scoped3A = tpu.sem_alloc : memref<!tpu.dma_semaphore, #tpu.memory_space<semaphore_mem>>
      %dma_start3A_132 = arith.constant 0 : i32
      %dma_start3A_133 = tpu.memref_slice %arg9[%arg0, %add3A_125, %dma_start3A_132] : memref<2x10240x16xf32, #tpu.memory_space<hbm>> -> memref<1x64x16xf32, #tpu.memory_space<hbm>>
      %dma_start3A_134 = tpu.memref_squeeze %dma_start3A_133 : memref<1x64x16xf32, #tpu.memory_space<hbm>> -> memref<64x16xf32, #tpu.memory_space<hbm>>
      %dma_start3A_135 = arith.constant 0 : i32
      %dma_start3A_136 = tpu.memref_slice %arg9[%arg0, %add3A_125, %dma_start3A_135] : memref<2x10240x16xf32, #tpu.memory_space<hbm>> -> memref<1x64x16xf32, #tpu.memory_space<hbm>>
      %dma_start3A_137 = tpu.memref_squeeze %dma_start3A_136 : memref<1x64x16xf32, #tpu.memory_space<hbm>> -> memref<64x16xf32, #tpu.memory_space<hbm>>
      tpu.enqueue_dma source(%arg22 : memref<64x16xf32, #tpu.memory_space<vmem>>) target(%dma_start3A_137 : memref<64x16xf32, #tpu.memory_space<hbm>>) target_semaphore(%run_scoped3A : memref<!tpu.dma_semaphore, #tpu.memory_space<semaphore_mem>>)
      %dma_wait3A_138 = arith.constant 0 : i32
      %dma_wait3A_139 = tpu.memref_slice %arg9[%arg0, %add3A_125, %dma_wait3A_138] : memref<2x10240x16xf32, #tpu.memory_space<hbm>> -> memref<1x64x16xf32, #tpu.memory_space<hbm>>
      %dma_wait3A_140 = tpu.memref_squeeze %dma_wait3A_139 : memref<1x64x16xf32, #tpu.memory_space<hbm>> -> memref<64x16xf32, #tpu.memory_space<hbm>>
      %dma_wait3A_141 = arith.constant 0 : i32
      %dma_wait3A_142 = tpu.memref_slice %arg9[%arg0, %add3A_125, %dma_wait3A_141] : memref<2x10240x16xf32, #tpu.memory_space<hbm>> -> memref<1x64x16xf32, #tpu.memory_space<hbm>>
      %dma_wait3A_143 = tpu.memref_squeeze %dma_wait3A_142 : memref<1x64x16xf32, #tpu.memory_space<hbm>> -> memref<64x16xf32, #tpu.memory_space<hbm>>
      tpu.wait_dma2 semaphore(%run_scoped3A : memref<!tpu.dma_semaphore, #tpu.memory_space<semaphore_mem>>) src(%arg22 : memref<64x16xf32, #tpu.memory_space<vmem>>) dst(%dma_wait3A_143 : memref<64x16xf32, #tpu.memory_space<hbm>>)
      tpu.yield
    }) : () -> ()
    %add3A_126 = arith.constant 448 : i32
    %add3A_127 = arith.addi %mul3A_10, %add3A_126 : i32
    "tpu.region"() ({
      %run_scoped3A = tpu.sem_alloc : memref<!tpu.dma_semaphore, #tpu.memory_space<semaphore_mem>>
      %dma_start3A_132 = arith.constant 0 : i32
      %dma_start3A_133 = tpu.memref_slice %arg24[%add3A_127, %dma_start3A_132] : memref<10240x128xf32, #tpu.memory_space<vmem_shared>> -> memref<64x128xf32, #tpu.memory_space<vmem_shared>>
      %dma_start3A_134 = arith.constant 0 : i32
      %dma_start3A_135 = tpu.memref_slice %arg24[%add3A_127, %dma_start3A_134] : memref<10240x128xf32, #tpu.memory_space<vmem_shared>> -> memref<64x128xf32, #tpu.memory_space<vmem_shared>>
      tpu.enqueue_dma source(%dma_start3A_135 : memref<64x128xf32, #tpu.memory_space<vmem_shared>>) target(%arg19 : memref<64x128xf32, #tpu.memory_space<vmem>>) target_semaphore(%run_scoped3A : memref<!tpu.dma_semaphore, #tpu.memory_space<semaphore_mem>>)
      %dma_wait3A_136 = arith.constant 0 : i32
      %dma_wait3A_137 = tpu.memref_slice %arg24[%add3A_127, %dma_wait3A_136] : memref<10240x128xf32, #tpu.memory_space<vmem_shared>> -> memref<64x128xf32, #tpu.memory_space<vmem_shared>>
      %dma_wait3A_138 = arith.constant 0 : i32
      %dma_wait3A_139 = tpu.memref_slice %arg24[%add3A_127, %dma_wait3A_138] : memref<10240x128xf32, #tpu.memory_space<vmem_shared>> -> memref<64x128xf32, #tpu.memory_space<vmem_shared>>
      tpu.wait_dma2 semaphore(%run_scoped3A : memref<!tpu.dma_semaphore, #tpu.memory_space<semaphore_mem>>) src(%dma_wait3A_139 : memref<64x128xf32, #tpu.memory_space<vmem_shared>>) dst(%arg19 : memref<64x128xf32, #tpu.memory_space<vmem>>)
      tpu.yield
    }) : () -> ()
    "tpu.region"() ({
      %run_scoped3A = tpu.sem_alloc : memref<!tpu.dma_semaphore, #tpu.memory_space<semaphore_mem>>
      %dma_start3A_132 = arith.constant 0 : i32
      %dma_start3A_133 = tpu.memref_slice %arg8[%arg0, %add3A_127, %dma_start3A_132] : memref<2x10240x128xf32, #tpu.memory_space<hbm>> -> memref<1x64x128xf32, #tpu.memory_space<hbm>>
      %dma_start3A_134 = tpu.memref_squeeze %dma_start3A_133 : memref<1x64x128xf32, #tpu.memory_space<hbm>> -> memref<64x128xf32, #tpu.memory_space<hbm>>
      %dma_start3A_135 = arith.constant 0 : i32
      %dma_start3A_136 = tpu.memref_slice %arg8[%arg0, %add3A_127, %dma_start3A_135] : memref<2x10240x128xf32, #tpu.memory_space<hbm>> -> memref<1x64x128xf32, #tpu.memory_space<hbm>>
      %dma_start3A_137 = tpu.memref_squeeze %dma_start3A_136 : memref<1x64x128xf32, #tpu.memory_space<hbm>> -> memref<64x128xf32, #tpu.memory_space<hbm>>
      tpu.enqueue_dma source(%arg19 : memref<64x128xf32, #tpu.memory_space<vmem>>) target(%dma_start3A_137 : memref<64x128xf32, #tpu.memory_space<hbm>>) target_semaphore(%run_scoped3A : memref<!tpu.dma_semaphore, #tpu.memory_space<semaphore_mem>>)
      %dma_wait3A_138 = arith.constant 0 : i32
      %dma_wait3A_139 = tpu.memref_slice %arg8[%arg0, %add3A_127, %dma_wait3A_138] : memref<2x10240x128xf32, #tpu.memory_space<hbm>> -> memref<1x64x128xf32, #tpu.memory_space<hbm>>
      %dma_wait3A_140 = tpu.memref_squeeze %dma_wait3A_139 : memref<1x64x128xf32, #tpu.memory_space<hbm>> -> memref<64x128xf32, #tpu.memory_space<hbm>>
      %dma_wait3A_141 = arith.constant 0 : i32
      %dma_wait3A_142 = tpu.memref_slice %arg8[%arg0, %add3A_127, %dma_wait3A_141] : memref<2x10240x128xf32, #tpu.memory_space<hbm>> -> memref<1x64x128xf32, #tpu.memory_space<hbm>>
      %dma_wait3A_143 = tpu.memref_squeeze %dma_wait3A_142 : memref<1x64x128xf32, #tpu.memory_space<hbm>> -> memref<64x128xf32, #tpu.memory_space<hbm>>
      tpu.wait_dma2 semaphore(%run_scoped3A : memref<!tpu.dma_semaphore, #tpu.memory_space<semaphore_mem>>) src(%arg19 : memref<64x128xf32, #tpu.memory_space<vmem>>) dst(%dma_wait3A_143 : memref<64x128xf32, #tpu.memory_space<hbm>>)
      tpu.yield
    }) : () -> ()
    "tpu.region"() ({
      %run_scoped3A = tpu.sem_alloc : memref<!tpu.dma_semaphore, #tpu.memory_space<semaphore_mem>>
      %dma_start3A_132 = arith.constant 0 : i32
      %dma_start3A_133 = tpu.memref_slice %arg25[%add3A_127, %dma_start3A_132] : memref<10240x16xf32, #tpu.memory_space<vmem_shared>> -> memref<64x16xf32, #tpu.memory_space<vmem_shared>>
      %dma_start3A_134 = arith.constant 0 : i32
      %dma_start3A_135 = tpu.memref_slice %arg25[%add3A_127, %dma_start3A_134] : memref<10240x16xf32, #tpu.memory_space<vmem_shared>> -> memref<64x16xf32, #tpu.memory_space<vmem_shared>>
      tpu.enqueue_dma source(%dma_start3A_135 : memref<64x16xf32, #tpu.memory_space<vmem_shared>>) target(%arg22 : memref<64x16xf32, #tpu.memory_space<vmem>>) target_semaphore(%run_scoped3A : memref<!tpu.dma_semaphore, #tpu.memory_space<semaphore_mem>>)
      %dma_wait3A_136 = arith.constant 0 : i32
      %dma_wait3A_137 = tpu.memref_slice %arg25[%add3A_127, %dma_wait3A_136] : memref<10240x16xf32, #tpu.memory_space<vmem_shared>> -> memref<64x16xf32, #tpu.memory_space<vmem_shared>>
      %dma_wait3A_138 = arith.constant 0 : i32
      %dma_wait3A_139 = tpu.memref_slice %arg25[%add3A_127, %dma_wait3A_138] : memref<10240x16xf32, #tpu.memory_space<vmem_shared>> -> memref<64x16xf32, #tpu.memory_space<vmem_shared>>
      tpu.wait_dma2 semaphore(%run_scoped3A : memref<!tpu.dma_semaphore, #tpu.memory_space<semaphore_mem>>) src(%dma_wait3A_139 : memref<64x16xf32, #tpu.memory_space<vmem_shared>>) dst(%arg22 : memref<64x16xf32, #tpu.memory_space<vmem>>)
      tpu.yield
    }) : () -> ()
    "tpu.region"() ({
      %run_scoped3A = tpu.sem_alloc : memref<!tpu.dma_semaphore, #tpu.memory_space<semaphore_mem>>
      %dma_start3A_132 = arith.constant 0 : i32
      %dma_start3A_133 = tpu.memref_slice %arg9[%arg0, %add3A_127, %dma_start3A_132] : memref<2x10240x16xf32, #tpu.memory_space<hbm>> -> memref<1x64x16xf32, #tpu.memory_space<hbm>>
      %dma_start3A_134 = tpu.memref_squeeze %dma_start3A_133 : memref<1x64x16xf32, #tpu.memory_space<hbm>> -> memref<64x16xf32, #tpu.memory_space<hbm>>
      %dma_start3A_135 = arith.constant 0 : i32
      %dma_start3A_136 = tpu.memref_slice %arg9[%arg0, %add3A_127, %dma_start3A_135] : memref<2x10240x16xf32, #tpu.memory_space<hbm>> -> memref<1x64x16xf32, #tpu.memory_space<hbm>>
      %dma_start3A_137 = tpu.memref_squeeze %dma_start3A_136 : memref<1x64x16xf32, #tpu.memory_space<hbm>> -> memref<64x16xf32, #tpu.memory_space<hbm>>
      tpu.enqueue_dma source(%arg22 : memref<64x16xf32, #tpu.memory_space<vmem>>) target(%dma_start3A_137 : memref<64x16xf32, #tpu.memory_space<hbm>>) target_semaphore(%run_scoped3A : memref<!tpu.dma_semaphore, #tpu.memory_space<semaphore_mem>>)
      %dma_wait3A_138 = arith.constant 0 : i32
      %dma_wait3A_139 = tpu.memref_slice %arg9[%arg0, %add3A_127, %dma_wait3A_138] : memref<2x10240x16xf32, #tpu.memory_space<hbm>> -> memref<1x64x16xf32, #tpu.memory_space<hbm>>
      %dma_wait3A_140 = tpu.memref_squeeze %dma_wait3A_139 : memref<1x64x16xf32, #tpu.memory_space<hbm>> -> memref<64x16xf32, #tpu.memory_space<hbm>>
      %dma_wait3A_141 = arith.constant 0 : i32
      %dma_wait3A_142 = tpu.memref_slice %arg9[%arg0, %add3A_127, %dma_wait3A_141] : memref<2x10240x16xf32, #tpu.memory_space<hbm>> -> memref<1x64x16xf32, #tpu.memory_space<hbm>>
      %dma_wait3A_143 = tpu.memref_squeeze %dma_wait3A_142 : memref<1x64x16xf32, #tpu.memory_space<hbm>> -> memref<64x16xf32, #tpu.memory_space<hbm>>
      tpu.wait_dma2 semaphore(%run_scoped3A : memref<!tpu.dma_semaphore, #tpu.memory_space<semaphore_mem>>) src(%arg22 : memref<64x16xf32, #tpu.memory_space<vmem>>) dst(%dma_wait3A_143 : memref<64x16xf32, #tpu.memory_space<hbm>>)
      tpu.yield
    }) : () -> ()
    %add3A_128 = arith.constant 512 : i32
    %add3A_129 = arith.addi %mul3A_10, %add3A_128 : i32
    "tpu.region"() ({
      %run_scoped3A = tpu.sem_alloc : memref<!tpu.dma_semaphore, #tpu.memory_space<semaphore_mem>>
      %dma_start3A_132 = arith.constant 0 : i32
      %dma_start3A_133 = tpu.memref_slice %arg24[%add3A_129, %dma_start3A_132] : memref<10240x128xf32, #tpu.memory_space<vmem_shared>> -> memref<64x128xf32, #tpu.memory_space<vmem_shared>>
      %dma_start3A_134 = arith.constant 0 : i32
      %dma_start3A_135 = tpu.memref_slice %arg24[%add3A_129, %dma_start3A_134] : memref<10240x128xf32, #tpu.memory_space<vmem_shared>> -> memref<64x128xf32, #tpu.memory_space<vmem_shared>>
      tpu.enqueue_dma source(%dma_start3A_135 : memref<64x128xf32, #tpu.memory_space<vmem_shared>>) target(%arg19 : memref<64x128xf32, #tpu.memory_space<vmem>>) target_semaphore(%run_scoped3A : memref<!tpu.dma_semaphore, #tpu.memory_space<semaphore_mem>>)
      %dma_wait3A_136 = arith.constant 0 : i32
      %dma_wait3A_137 = tpu.memref_slice %arg24[%add3A_129, %dma_wait3A_136] : memref<10240x128xf32, #tpu.memory_space<vmem_shared>> -> memref<64x128xf32, #tpu.memory_space<vmem_shared>>
      %dma_wait3A_138 = arith.constant 0 : i32
      %dma_wait3A_139 = tpu.memref_slice %arg24[%add3A_129, %dma_wait3A_138] : memref<10240x128xf32, #tpu.memory_space<vmem_shared>> -> memref<64x128xf32, #tpu.memory_space<vmem_shared>>
      tpu.wait_dma2 semaphore(%run_scoped3A : memref<!tpu.dma_semaphore, #tpu.memory_space<semaphore_mem>>) src(%dma_wait3A_139 : memref<64x128xf32, #tpu.memory_space<vmem_shared>>) dst(%arg19 : memref<64x128xf32, #tpu.memory_space<vmem>>)
      tpu.yield
    }) : () -> ()
    "tpu.region"() ({
      %run_scoped3A = tpu.sem_alloc : memref<!tpu.dma_semaphore, #tpu.memory_space<semaphore_mem>>
      %dma_start3A_132 = arith.constant 0 : i32
      %dma_start3A_133 = tpu.memref_slice %arg8[%arg0, %add3A_129, %dma_start3A_132] : memref<2x10240x128xf32, #tpu.memory_space<hbm>> -> memref<1x64x128xf32, #tpu.memory_space<hbm>>
      %dma_start3A_134 = tpu.memref_squeeze %dma_start3A_133 : memref<1x64x128xf32, #tpu.memory_space<hbm>> -> memref<64x128xf32, #tpu.memory_space<hbm>>
      %dma_start3A_135 = arith.constant 0 : i32
      %dma_start3A_136 = tpu.memref_slice %arg8[%arg0, %add3A_129, %dma_start3A_135] : memref<2x10240x128xf32, #tpu.memory_space<hbm>> -> memref<1x64x128xf32, #tpu.memory_space<hbm>>
      %dma_start3A_137 = tpu.memref_squeeze %dma_start3A_136 : memref<1x64x128xf32, #tpu.memory_space<hbm>> -> memref<64x128xf32, #tpu.memory_space<hbm>>
      tpu.enqueue_dma source(%arg19 : memref<64x128xf32, #tpu.memory_space<vmem>>) target(%dma_start3A_137 : memref<64x128xf32, #tpu.memory_space<hbm>>) target_semaphore(%run_scoped3A : memref<!tpu.dma_semaphore, #tpu.memory_space<semaphore_mem>>)
      %dma_wait3A_138 = arith.constant 0 : i32
      %dma_wait3A_139 = tpu.memref_slice %arg8[%arg0, %add3A_129, %dma_wait3A_138] : memref<2x10240x128xf32, #tpu.memory_space<hbm>> -> memref<1x64x128xf32, #tpu.memory_space<hbm>>
      %dma_wait3A_140 = tpu.memref_squeeze %dma_wait3A_139 : memref<1x64x128xf32, #tpu.memory_space<hbm>> -> memref<64x128xf32, #tpu.memory_space<hbm>>
      %dma_wait3A_141 = arith.constant 0 : i32
      %dma_wait3A_142 = tpu.memref_slice %arg8[%arg0, %add3A_129, %dma_wait3A_141] : memref<2x10240x128xf32, #tpu.memory_space<hbm>> -> memref<1x64x128xf32, #tpu.memory_space<hbm>>
      %dma_wait3A_143 = tpu.memref_squeeze %dma_wait3A_142 : memref<1x64x128xf32, #tpu.memory_space<hbm>> -> memref<64x128xf32, #tpu.memory_space<hbm>>
      tpu.wait_dma2 semaphore(%run_scoped3A : memref<!tpu.dma_semaphore, #tpu.memory_space<semaphore_mem>>) src(%arg19 : memref<64x128xf32, #tpu.memory_space<vmem>>) dst(%dma_wait3A_143 : memref<64x128xf32, #tpu.memory_space<hbm>>)
      tpu.yield
    }) : () -> ()
    "tpu.region"() ({
      %run_scoped3A = tpu.sem_alloc : memref<!tpu.dma_semaphore, #tpu.memory_space<semaphore_mem>>
      %dma_start3A_132 = arith.constant 0 : i32
      %dma_start3A_133 = tpu.memref_slice %arg25[%add3A_129, %dma_start3A_132] : memref<10240x16xf32, #tpu.memory_space<vmem_shared>> -> memref<64x16xf32, #tpu.memory_space<vmem_shared>>
      %dma_start3A_134 = arith.constant 0 : i32
      %dma_start3A_135 = tpu.memref_slice %arg25[%add3A_129, %dma_start3A_134] : memref<10240x16xf32, #tpu.memory_space<vmem_shared>> -> memref<64x16xf32, #tpu.memory_space<vmem_shared>>
      tpu.enqueue_dma source(%dma_start3A_135 : memref<64x16xf32, #tpu.memory_space<vmem_shared>>) target(%arg22 : memref<64x16xf32, #tpu.memory_space<vmem>>) target_semaphore(%run_scoped3A : memref<!tpu.dma_semaphore, #tpu.memory_space<semaphore_mem>>)
      %dma_wait3A_136 = arith.constant 0 : i32
      %dma_wait3A_137 = tpu.memref_slice %arg25[%add3A_129, %dma_wait3A_136] : memref<10240x16xf32, #tpu.memory_space<vmem_shared>> -> memref<64x16xf32, #tpu.memory_space<vmem_shared>>
      %dma_wait3A_138 = arith.constant 0 : i32
      %dma_wait3A_139 = tpu.memref_slice %arg25[%add3A_129, %dma_wait3A_138] : memref<10240x16xf32, #tpu.memory_space<vmem_shared>> -> memref<64x16xf32, #tpu.memory_space<vmem_shared>>
      tpu.wait_dma2 semaphore(%run_scoped3A : memref<!tpu.dma_semaphore, #tpu.memory_space<semaphore_mem>>) src(%dma_wait3A_139 : memref<64x16xf32, #tpu.memory_space<vmem_shared>>) dst(%arg22 : memref<64x16xf32, #tpu.memory_space<vmem>>)
      tpu.yield
    }) : () -> ()
    "tpu.region"() ({
      %run_scoped3A = tpu.sem_alloc : memref<!tpu.dma_semaphore, #tpu.memory_space<semaphore_mem>>
      %dma_start3A_132 = arith.constant 0 : i32
      %dma_start3A_133 = tpu.memref_slice %arg9[%arg0, %add3A_129, %dma_start3A_132] : memref<2x10240x16xf32, #tpu.memory_space<hbm>> -> memref<1x64x16xf32, #tpu.memory_space<hbm>>
      %dma_start3A_134 = tpu.memref_squeeze %dma_start3A_133 : memref<1x64x16xf32, #tpu.memory_space<hbm>> -> memref<64x16xf32, #tpu.memory_space<hbm>>
      %dma_start3A_135 = arith.constant 0 : i32
      %dma_start3A_136 = tpu.memref_slice %arg9[%arg0, %add3A_129, %dma_start3A_135] : memref<2x10240x16xf32, #tpu.memory_space<hbm>> -> memref<1x64x16xf32, #tpu.memory_space<hbm>>
      %dma_start3A_137 = tpu.memref_squeeze %dma_start3A_136 : memref<1x64x16xf32, #tpu.memory_space<hbm>> -> memref<64x16xf32, #tpu.memory_space<hbm>>
      tpu.enqueue_dma source(%arg22 : memref<64x16xf32, #tpu.memory_space<vmem>>) target(%dma_start3A_137 : memref<64x16xf32, #tpu.memory_space<hbm>>) target_semaphore(%run_scoped3A : memref<!tpu.dma_semaphore, #tpu.memory_space<semaphore_mem>>)
      %dma_wait3A_138 = arith.constant 0 : i32
      %dma_wait3A_139 = tpu.memref_slice %arg9[%arg0, %add3A_129, %dma_wait3A_138] : memref<2x10240x16xf32, #tpu.memory_space<hbm>> -> memref<1x64x16xf32, #tpu.memory_space<hbm>>
      %dma_wait3A_140 = tpu.memref_squeeze %dma_wait3A_139 : memref<1x64x16xf32, #tpu.memory_space<hbm>> -> memref<64x16xf32, #tpu.memory_space<hbm>>
      %dma_wait3A_141 = arith.constant 0 : i32
      %dma_wait3A_142 = tpu.memref_slice %arg9[%arg0, %add3A_129, %dma_wait3A_141] : memref<2x10240x16xf32, #tpu.memory_space<hbm>> -> memref<1x64x16xf32, #tpu.memory_space<hbm>>
      %dma_wait3A_143 = tpu.memref_squeeze %dma_wait3A_142 : memref<1x64x16xf32, #tpu.memory_space<hbm>> -> memref<64x16xf32, #tpu.memory_space<hbm>>
      tpu.wait_dma2 semaphore(%run_scoped3A : memref<!tpu.dma_semaphore, #tpu.memory_space<semaphore_mem>>) src(%arg22 : memref<64x16xf32, #tpu.memory_space<vmem>>) dst(%dma_wait3A_143 : memref<64x16xf32, #tpu.memory_space<hbm>>)
      tpu.yield
    }) : () -> ()
    %add3A_130 = arith.constant 576 : i32
    %add3A_131 = arith.addi %mul3A_10, %add3A_130 : i32
    "tpu.region"() ({
      %run_scoped3A = tpu.sem_alloc : memref<!tpu.dma_semaphore, #tpu.memory_space<semaphore_mem>>
      %dma_start3A_132 = arith.constant 0 : i32
      %dma_start3A_133 = tpu.memref_slice %arg24[%add3A_131, %dma_start3A_132] : memref<10240x128xf32, #tpu.memory_space<vmem_shared>> -> memref<64x128xf32, #tpu.memory_space<vmem_shared>>
      %dma_start3A_134 = arith.constant 0 : i32
      %dma_start3A_135 = tpu.memref_slice %arg24[%add3A_131, %dma_start3A_134] : memref<10240x128xf32, #tpu.memory_space<vmem_shared>> -> memref<64x128xf32, #tpu.memory_space<vmem_shared>>
      tpu.enqueue_dma source(%dma_start3A_135 : memref<64x128xf32, #tpu.memory_space<vmem_shared>>) target(%arg19 : memref<64x128xf32, #tpu.memory_space<vmem>>) target_semaphore(%run_scoped3A : memref<!tpu.dma_semaphore, #tpu.memory_space<semaphore_mem>>)
      %dma_wait3A_136 = arith.constant 0 : i32
      %dma_wait3A_137 = tpu.memref_slice %arg24[%add3A_131, %dma_wait3A_136] : memref<10240x128xf32, #tpu.memory_space<vmem_shared>> -> memref<64x128xf32, #tpu.memory_space<vmem_shared>>
      %dma_wait3A_138 = arith.constant 0 : i32
      %dma_wait3A_139 = tpu.memref_slice %arg24[%add3A_131, %dma_wait3A_138] : memref<10240x128xf32, #tpu.memory_space<vmem_shared>> -> memref<64x128xf32, #tpu.memory_space<vmem_shared>>
      tpu.wait_dma2 semaphore(%run_scoped3A : memref<!tpu.dma_semaphore, #tpu.memory_space<semaphore_mem>>) src(%dma_wait3A_139 : memref<64x128xf32, #tpu.memory_space<vmem_shared>>) dst(%arg19 : memref<64x128xf32, #tpu.memory_space<vmem>>)
      tpu.yield
    }) : () -> ()
    "tpu.region"() ({
      %run_scoped3A = tpu.sem_alloc : memref<!tpu.dma_semaphore, #tpu.memory_space<semaphore_mem>>
      %dma_start3A_132 = arith.constant 0 : i32
      %dma_start3A_133 = tpu.memref_slice %arg8[%arg0, %add3A_131, %dma_start3A_132] : memref<2x10240x128xf32, #tpu.memory_space<hbm>> -> memref<1x64x128xf32, #tpu.memory_space<hbm>>
      %dma_start3A_134 = tpu.memref_squeeze %dma_start3A_133 : memref<1x64x128xf32, #tpu.memory_space<hbm>> -> memref<64x128xf32, #tpu.memory_space<hbm>>
      %dma_start3A_135 = arith.constant 0 : i32
      %dma_start3A_136 = tpu.memref_slice %arg8[%arg0, %add3A_131, %dma_start3A_135] : memref<2x10240x128xf32, #tpu.memory_space<hbm>> -> memref<1x64x128xf32, #tpu.memory_space<hbm>>
      %dma_start3A_137 = tpu.memref_squeeze %dma_start3A_136 : memref<1x64x128xf32, #tpu.memory_space<hbm>> -> memref<64x128xf32, #tpu.memory_space<hbm>>
      tpu.enqueue_dma source(%arg19 : memref<64x128xf32, #tpu.memory_space<vmem>>) target(%dma_start3A_137 : memref<64x128xf32, #tpu.memory_space<hbm>>) target_semaphore(%run_scoped3A : memref<!tpu.dma_semaphore, #tpu.memory_space<semaphore_mem>>)
      %dma_wait3A_138 = arith.constant 0 : i32
      %dma_wait3A_139 = tpu.memref_slice %arg8[%arg0, %add3A_131, %dma_wait3A_138] : memref<2x10240x128xf32, #tpu.memory_space<hbm>> -> memref<1x64x128xf32, #tpu.memory_space<hbm>>
      %dma_wait3A_140 = tpu.memref_squeeze %dma_wait3A_139 : memref<1x64x128xf32, #tpu.memory_space<hbm>> -> memref<64x128xf32, #tpu.memory_space<hbm>>
      %dma_wait3A_141 = arith.constant 0 : i32
      %dma_wait3A_142 = tpu.memref_slice %arg8[%arg0, %add3A_131, %dma_wait3A_141] : memref<2x10240x128xf32, #tpu.memory_space<hbm>> -> memref<1x64x128xf32, #tpu.memory_space<hbm>>
      %dma_wait3A_143 = tpu.memref_squeeze %dma_wait3A_142 : memref<1x64x128xf32, #tpu.memory_space<hbm>> -> memref<64x128xf32, #tpu.memory_space<hbm>>
      tpu.wait_dma2 semaphore(%run_scoped3A : memref<!tpu.dma_semaphore, #tpu.memory_space<semaphore_mem>>) src(%arg19 : memref<64x128xf32, #tpu.memory_space<vmem>>) dst(%dma_wait3A_143 : memref<64x128xf32, #tpu.memory_space<hbm>>)
      tpu.yield
    }) : () -> ()
    "tpu.region"() ({
      %run_scoped3A = tpu.sem_alloc : memref<!tpu.dma_semaphore, #tpu.memory_space<semaphore_mem>>
      %dma_start3A_132 = arith.constant 0 : i32
      %dma_start3A_133 = tpu.memref_slice %arg25[%add3A_131, %dma_start3A_132] : memref<10240x16xf32, #tpu.memory_space<vmem_shared>> -> memref<64x16xf32, #tpu.memory_space<vmem_shared>>
      %dma_start3A_134 = arith.constant 0 : i32
      %dma_start3A_135 = tpu.memref_slice %arg25[%add3A_131, %dma_start3A_134] : memref<10240x16xf32, #tpu.memory_space<vmem_shared>> -> memref<64x16xf32, #tpu.memory_space<vmem_shared>>
      tpu.enqueue_dma source(%dma_start3A_135 : memref<64x16xf32, #tpu.memory_space<vmem_shared>>) target(%arg22 : memref<64x16xf32, #tpu.memory_space<vmem>>) target_semaphore(%run_scoped3A : memref<!tpu.dma_semaphore, #tpu.memory_space<semaphore_mem>>)
      %dma_wait3A_136 = arith.constant 0 : i32
      %dma_wait3A_137 = tpu.memref_slice %arg25[%add3A_131, %dma_wait3A_136] : memref<10240x16xf32, #tpu.memory_space<vmem_shared>> -> memref<64x16xf32, #tpu.memory_space<vmem_shared>>
      %dma_wait3A_138 = arith.constant 0 : i32
      %dma_wait3A_139 = tpu.memref_slice %arg25[%add3A_131, %dma_wait3A_138] : memref<10240x16xf32, #tpu.memory_space<vmem_shared>> -> memref<64x16xf32, #tpu.memory_space<vmem_shared>>
      tpu.wait_dma2 semaphore(%run_scoped3A : memref<!tpu.dma_semaphore, #tpu.memory_space<semaphore_mem>>) src(%dma_wait3A_139 : memref<64x16xf32, #tpu.memory_space<vmem_shared>>) dst(%arg22 : memref<64x16xf32, #tpu.memory_space<vmem>>)
      tpu.yield
    }) : () -> ()
    "tpu.region"() ({
      %run_scoped3A = tpu.sem_alloc : memref<!tpu.dma_semaphore, #tpu.memory_space<semaphore_mem>>
      %dma_start3A_132 = arith.constant 0 : i32
      %dma_start3A_133 = tpu.memref_slice %arg9[%arg0, %add3A_131, %dma_start3A_132] : memref<2x10240x16xf32, #tpu.memory_space<hbm>> -> memref<1x64x16xf32, #tpu.memory_space<hbm>>
      %dma_start3A_134 = tpu.memref_squeeze %dma_start3A_133 : memref<1x64x16xf32, #tpu.memory_space<hbm>> -> memref<64x16xf32, #tpu.memory_space<hbm>>
      %dma_start3A_135 = arith.constant 0 : i32
      %dma_start3A_136 = tpu.memref_slice %arg9[%arg0, %add3A_131, %dma_start3A_135] : memref<2x10240x16xf32, #tpu.memory_space<hbm>> -> memref<1x64x16xf32, #tpu.memory_space<hbm>>
      %dma_start3A_137 = tpu.memref_squeeze %dma_start3A_136 : memref<1x64x16xf32, #tpu.memory_space<hbm>> -> memref<64x16xf32, #tpu.memory_space<hbm>>
      tpu.enqueue_dma source(%arg22 : memref<64x16xf32, #tpu.memory_space<vmem>>) target(%dma_start3A_137 : memref<64x16xf32, #tpu.memory_space<hbm>>) target_semaphore(%run_scoped3A : memref<!tpu.dma_semaphore, #tpu.memory_space<semaphore_mem>>)
      %dma_wait3A_138 = arith.constant 0 : i32
      %dma_wait3A_139 = tpu.memref_slice %arg9[%arg0, %add3A_131, %dma_wait3A_138] : memref<2x10240x16xf32, #tpu.memory_space<hbm>> -> memref<1x64x16xf32, #tpu.memory_space<hbm>>
      %dma_wait3A_140 = tpu.memref_squeeze %dma_wait3A_139 : memref<1x64x16xf32, #tpu.memory_space<hbm>> -> memref<64x16xf32, #tpu.memory_space<hbm>>
      %dma_wait3A_141 = arith.constant 0 : i32
      %dma_wait3A_142 = tpu.memref_slice %arg9[%arg0, %add3A_131, %dma_wait3A_141] : memref<2x10240x16xf32, #tpu.memory_space<hbm>> -> memref<1x64x16xf32, #tpu.memory_space<hbm>>
      %dma_wait3A_143 = tpu.memref_squeeze %dma_wait3A_142 : memref<1x64x16xf32, #tpu.memory_space<hbm>> -> memref<64x16xf32, #tpu.memory_space<hbm>>
      tpu.wait_dma2 semaphore(%run_scoped3A : memref<!tpu.dma_semaphore, #tpu.memory_space<semaphore_mem>>) src(%arg22 : memref<64x16xf32, #tpu.memory_space<vmem>>) dst(%dma_wait3A_143 : memref<64x16xf32, #tpu.memory_space<hbm>>)
      tpu.yield
    }) : () -> ()
    return
  }
}

module attributes {stable_mosaic.version = 14 : i64} {
  func.func @_tc_pre_body(%arg0: i32, %arg1: memref<2048x128xf32, #tpu.memory_space<vmem>>, %arg2: memref<2048x128xf32, #tpu.memory_space<vmem>>, %arg3: memref<128x64xf32, #tpu.memory_space<vmem>>, %arg4: memref<1x64xf32, #tpu.memory_space<vmem>>, %arg5: memref<128x64xf32, #tpu.memory_space<vmem>>, %arg6: memref<1x64xf32, #tpu.memory_space<vmem>>, %arg7: memref<64x128xf32, #tpu.memory_space<vmem>>, %arg8: memref<1x128xf32, #tpu.memory_space<vmem>>, %arg9: memref<64x128xf32, #tpu.memory_space<vmem>>, %arg10: memref<1x128xf32, #tpu.memory_space<vmem>>, %arg11: memref<1x128xf32, #tpu.memory_space<vmem>>, %arg12: memref<128x16xf32, #tpu.memory_space<vmem>>, %arg13: memref<2048x128xbf16, #tpu.memory_space<vmem>>, %arg14: memref<2048x128xbf16, #tpu.memory_space<vmem>>, %arg15: memref<2048x16xf32, #tpu.memory_space<vmem>>) attributes {dimension_semantics = [#tpu.dimension_semantics<arbitrary>], iteration_bounds = array<i64: 5>, scalar_prefetch = 0 : i64, scratch_operands = 0 : i64, tpu.core_type = #tpu.core_type<tc>, window_params = [{transform_indices = @transform_0, window_bounds = array<i64: 2048, 128>}, {transform_indices = @transform_1, window_bounds = array<i64: 2048, 128>}, {pipeline_mode = #tpu.pipeline_mode<synchronous>, transform_indices = @transform_2, window_bounds = array<i64: 128, 64>}, {pipeline_mode = #tpu.pipeline_mode<synchronous>, transform_indices = @transform_3, window_bounds = array<i64: 1, 64>}, {pipeline_mode = #tpu.pipeline_mode<synchronous>, transform_indices = @transform_4, window_bounds = array<i64: 128, 64>}, {pipeline_mode = #tpu.pipeline_mode<synchronous>, transform_indices = @transform_5, window_bounds = array<i64: 1, 64>}, {pipeline_mode = #tpu.pipeline_mode<synchronous>, transform_indices = @transform_6, window_bounds = array<i64: 64, 128>}, {pipeline_mode = #tpu.pipeline_mode<synchronous>, transform_indices = @transform_7, window_bounds = array<i64: 1, 128>}, {pipeline_mode = #tpu.pipeline_mode<synchronous>, transform_indices = @transform_8, window_bounds = array<i64: 64, 128>}, {pipeline_mode = #tpu.pipeline_mode<synchronous>, transform_indices = @transform_9, window_bounds = array<i64: 1, 128>}, {pipeline_mode = #tpu.pipeline_mode<synchronous>, transform_indices = @transform_10, window_bounds = array<i64: 1, 128>}, {pipeline_mode = #tpu.pipeline_mode<synchronous>, transform_indices = @transform_11, window_bounds = array<i64: 128, 16>}, {transform_indices = @transform_12, window_bounds = array<i64: 2048, 128>}, {transform_indices = @transform_13, window_bounds = array<i64: 2048, 128>}, {transform_indices = @transform_14, window_bounds = array<i64: 2048, 16>}]} {
    %get3A = arith.constant 0 : index
    %get3A_0 = arith.constant 0 : index
    %get3A_1 = vector.load %arg1[%get3A, %get3A_0] : memref<2048x128xf32, #tpu.memory_space<vmem>>, vector<2048x128xf32>
    %get3A_2 = arith.constant 0 : index
    %get3A_3 = arith.constant 0 : index
    %get3A_4 = vector.load %arg3[%get3A_2, %get3A_3] : memref<128x64xf32, #tpu.memory_space<vmem>>, vector<128x64xf32>
    %dot_general3A = arith.constant dense<0.000000e+00> : vector<2048x64xf32>
    %dot_general3A_5 = tpu.matmul %get3A_1, %get3A_4, %dot_general3A {dimension_numbers = #tpu.dot_dimension_numbers<[1], [0], [0], [1], [0, 0, 1, 1], [], []>, transpose_lhs_hint = false} : vector<2048x128xf32>, vector<128x64xf32>, vector<2048x64xf32> -> vector<2048x64xf32>
    %get3A_6 = arith.constant 0 : index
    %get3A_7 = arith.constant 0 : index
    %get3A_8 = vector.load %arg4[%get3A_6, %get3A_7] : memref<1x64xf32, #tpu.memory_space<vmem>>, vector<1x64xf32>
    %add3A = vector.broadcast %get3A_8 : vector<1x64xf32> to vector<2048x64xf32>
    %add3A_9 = arith.addf %dot_general3A_5, %add3A : vector<2048x64xf32>
    %gt3A = arith.constant 0.000000e+00 : f32
    %gt3A_10 = vector.broadcast %gt3A : f32 to vector<2048x64xf32>
    %gt3A_11 = arith.cmpf ogt, %add3A_9, %gt3A_10 : vector<2048x64xf32>
    %min3A = arith.constant 0.000000e+00 : f32
    %min3A_12 = vector.broadcast %min3A : f32 to vector<2048x64xf32>
    %min3A_13 = arith.minimumf %add3A_9, %min3A_12 : vector<2048x64xf32>
    %exp3A = math.exp %min3A_13 : vector<2048x64xf32>
    %sub3A = arith.constant 1.000000e+00 : f32
    %sub3A_14 = vector.broadcast %sub3A : f32 to vector<2048x64xf32>
    %sub3A_15 = arith.subf %exp3A, %sub3A_14 : vector<2048x64xf32>
    %select_n3A = arith.select %gt3A_11, %add3A_9, %sub3A_15 : vector<2048x64xi1>, vector<2048x64xf32>
    %get3A_16 = arith.constant 0 : index
    %get3A_17 = arith.constant 0 : index
    %get3A_18 = vector.load %arg2[%get3A_16, %get3A_17] : memref<2048x128xf32, #tpu.memory_space<vmem>>, vector<2048x128xf32>
    %get3A_19 = arith.constant 0 : index
    %get3A_20 = arith.constant 0 : index
    %get3A_21 = vector.load %arg5[%get3A_19, %get3A_20] : memref<128x64xf32, #tpu.memory_space<vmem>>, vector<128x64xf32>
    %dot_general3A_22 = arith.constant dense<0.000000e+00> : vector<2048x64xf32>
    %dot_general3A_23 = tpu.matmul %get3A_18, %get3A_21, %dot_general3A_22 {dimension_numbers = #tpu.dot_dimension_numbers<[1], [0], [0], [1], [0, 0, 1, 1], [], []>, transpose_lhs_hint = false} : vector<2048x128xf32>, vector<128x64xf32>, vector<2048x64xf32> -> vector<2048x64xf32>
    %get3A_24 = arith.constant 0 : index
    %get3A_25 = arith.constant 0 : index
    %get3A_26 = vector.load %arg6[%get3A_24, %get3A_25] : memref<1x64xf32, #tpu.memory_space<vmem>>, vector<1x64xf32>
    %add3A_27 = vector.broadcast %get3A_26 : vector<1x64xf32> to vector<2048x64xf32>
    %add3A_28 = arith.addf %dot_general3A_23, %add3A_27 : vector<2048x64xf32>
    %gt3A_29 = arith.constant 0.000000e+00 : f32
    %gt3A_30 = vector.broadcast %gt3A_29 : f32 to vector<2048x64xf32>
    %gt3A_31 = arith.cmpf ogt, %add3A_28, %gt3A_30 : vector<2048x64xf32>
    %min3A_32 = arith.constant 0.000000e+00 : f32
    %min3A_33 = vector.broadcast %min3A_32 : f32 to vector<2048x64xf32>
    %min3A_34 = arith.minimumf %add3A_28, %min3A_33 : vector<2048x64xf32>
    %exp3A_35 = math.exp %min3A_34 : vector<2048x64xf32>
    %sub3A_36 = arith.constant 1.000000e+00 : f32
    %sub3A_37 = vector.broadcast %sub3A_36 : f32 to vector<2048x64xf32>
    %sub3A_38 = arith.subf %exp3A_35, %sub3A_37 : vector<2048x64xf32>
    %select_n3A_39 = arith.select %gt3A_31, %add3A_28, %sub3A_38 : vector<2048x64xi1>, vector<2048x64xf32>
    %get3A_40 = arith.constant 0 : index
    %get3A_41 = arith.constant 0 : index
    %get3A_42 = vector.load %arg7[%get3A_40, %get3A_41] : memref<64x128xf32, #tpu.memory_space<vmem>>, vector<64x128xf32>
    %dot_general3A_43 = arith.constant dense<0.000000e+00> : vector<2048x128xf32>
    %dot_general3A_44 = tpu.matmul %select_n3A, %get3A_42, %dot_general3A_43 {dimension_numbers = #tpu.dot_dimension_numbers<[1], [0], [0], [1], [0, 0, 1, 1], [], []>, transpose_lhs_hint = false} : vector<2048x64xf32>, vector<64x128xf32>, vector<2048x128xf32> -> vector<2048x128xf32>
    %get3A_45 = arith.constant 0 : index
    %get3A_46 = arith.constant 0 : index
    %get3A_47 = vector.load %arg8[%get3A_45, %get3A_46] : memref<1x128xf32, #tpu.memory_space<vmem>>, vector<1x128xf32>
    %add3A_48 = vector.broadcast %get3A_47 : vector<1x128xf32> to vector<2048x128xf32>
    %add3A_49 = arith.addf %dot_general3A_44, %add3A_48 : vector<2048x128xf32>
    %get3A_50 = arith.constant 0 : index
    %get3A_51 = arith.constant 0 : index
    %get3A_52 = vector.load %arg9[%get3A_50, %get3A_51] : memref<64x128xf32, #tpu.memory_space<vmem>>, vector<64x128xf32>
    %dot_general3A_53 = arith.constant dense<0.000000e+00> : vector<2048x128xf32>
    %dot_general3A_54 = tpu.matmul %select_n3A_39, %get3A_52, %dot_general3A_53 {dimension_numbers = #tpu.dot_dimension_numbers<[1], [0], [0], [1], [0, 0, 1, 1], [], []>, transpose_lhs_hint = false} : vector<2048x64xf32>, vector<64x128xf32>, vector<2048x128xf32> -> vector<2048x128xf32>
    %get3A_55 = arith.constant 0 : index
    %get3A_56 = arith.constant 0 : index
    %get3A_57 = vector.load %arg10[%get3A_55, %get3A_56] : memref<1x128xf32, #tpu.memory_space<vmem>>, vector<1x128xf32>
    %add3A_58 = vector.broadcast %get3A_57 : vector<1x128xf32> to vector<2048x128xf32>
    %add3A_59 = arith.addf %dot_general3A_54, %add3A_58 : vector<2048x128xf32>
    %add3A_60 = arith.addf %add3A_49, %add3A_59 : vector<2048x128xf32>
    %mul3A = arith.constant 2.000000e-01 : f32
    %mul3A_61 = vector.broadcast %mul3A : f32 to vector<2048x128xf32>
    %mul3A_62 = arith.mulf %mul3A_61, %add3A_60 : vector<2048x128xf32>
    %max3A = arith.maximumf %add3A_60, %mul3A_62 : vector<2048x128xf32>
    %get3A_63 = arith.constant 0 : index
    %get3A_64 = arith.constant 0 : index
    %get3A_65 = vector.load %arg11[%get3A_63, %get3A_64] : memref<1x128xf32, #tpu.memory_space<vmem>>, vector<1x128xf32>
    %mul3A_66 = vector.broadcast %get3A_65 : vector<1x128xf32> to vector<2048x128xf32>
    %mul3A_67 = arith.mulf %max3A, %mul3A_66 : vector<2048x128xf32>
    %convert_element_type3A = arith.truncf %add3A_49 : vector<2048x128xf32> to vector<2048x128xbf16>
    %swap3A = arith.constant 0 : index
    %swap3A_68 = arith.constant 0 : index
    %swap3A_69 = vector.load %arg13[%swap3A, %swap3A_68] : memref<2048x128xbf16, #tpu.memory_space<vmem>>, vector<2048x128xbf16>
    tpu.vector_store %arg13[%swap3A, %swap3A_68], %convert_element_type3A {strides = array<i32>} : memref<2048x128xbf16, #tpu.memory_space<vmem>>, vector<2048x128xbf16>,
    %convert_element_type3A_70 = arith.truncf %add3A_59 : vector<2048x128xf32> to vector<2048x128xbf16>
    %swap3A_71 = arith.constant 0 : index
    %swap3A_72 = arith.constant 0 : index
    %swap3A_73 = vector.load %arg14[%swap3A_71, %swap3A_72] : memref<2048x128xbf16, #tpu.memory_space<vmem>>, vector<2048x128xbf16>
    tpu.vector_store %arg14[%swap3A_71, %swap3A_72], %convert_element_type3A_70 {strides = array<i32>} : memref<2048x128xbf16, #tpu.memory_space<vmem>>, vector<2048x128xbf16>,
    %get3A_74 = arith.constant 0 : index
    %get3A_75 = arith.constant 0 : index
    %get3A_76 = vector.load %arg12[%get3A_74, %get3A_75] : memref<128x16xf32, #tpu.memory_space<vmem>>, vector<128x16xf32>
    %dot_general3A_77 = arith.constant dense<0.000000e+00> : vector<2048x16xf32>
    %dot_general3A_78 = tpu.matmul %mul3A_67, %get3A_76, %dot_general3A_77 {dimension_numbers = #tpu.dot_dimension_numbers<[1], [0], [0], [1], [0, 0, 1, 1], [], []>, transpose_lhs_hint = false} : vector<2048x128xf32>, vector<128x16xf32>, vector<2048x16xf32> -> vector<2048x16xf32>
    %swap3A_79 = arith.constant 0 : index
    %swap3A_80 = arith.constant 0 : index
    %swap3A_81 = vector.load %arg15[%swap3A_79, %swap3A_80] : memref<2048x16xf32, #tpu.memory_space<vmem>>, vector<2048x16xf32>
    tpu.vector_store %arg15[%swap3A_79, %swap3A_80], %dot_general3A_78 {strides = array<i32>} : memref<2048x16xf32, #tpu.memory_space<vmem>>, vector<2048x16xf32>,
    return
  }
  func.func @transform_0(%arg0: i32) -> (i32, i32) {
    %c0_i32 = arith.constant 0 : i32
    %c0_i32_0 = arith.constant 0 : i32
    return %arg0, %c0_i32 : i32, i32
  }
  func.func @transform_1(%arg0: i32) -> (i32, i32) {
    %c0_i32 = arith.constant 0 : i32
    %c0_i32_0 = arith.constant 0 : i32
    return %arg0, %c0_i32 : i32, i32
  }
  func.func @transform_2(%arg0: i32) -> (i32, i32) {
    %c0_i32 = arith.constant 0 : i32
    %c0_i32_0 = arith.constant 0 : i32
    %c0_i32_1 = arith.constant 0 : i32
    return %c0_i32, %c0_i32_0 : i32, i32
  }
  func.func @transform_3(%arg0: i32) -> (i32, i32) {
    %c0_i32 = arith.constant 0 : i32
    %c0_i32_0 = arith.constant 0 : i32
    %c0_i32_1 = arith.constant 0 : i32
    return %c0_i32, %c0_i32_0 : i32, i32
  }
  func.func @transform_4(%arg0: i32) -> (i32, i32) {
    %c0_i32 = arith.constant 0 : i32
    %c0_i32_0 = arith.constant 0 : i32
    %c0_i32_1 = arith.constant 0 : i32
    return %c0_i32, %c0_i32_0 : i32, i32
  }
  func.func @transform_5(%arg0: i32) -> (i32, i32) {
    %c0_i32 = arith.constant 0 : i32
    %c0_i32_0 = arith.constant 0 : i32
    %c0_i32_1 = arith.constant 0 : i32
    return %c0_i32, %c0_i32_0 : i32, i32
  }
  func.func @transform_6(%arg0: i32) -> (i32, i32) {
    %c0_i32 = arith.constant 0 : i32
    %c0_i32_0 = arith.constant 0 : i32
    %c0_i32_1 = arith.constant 0 : i32
    return %c0_i32, %c0_i32_0 : i32, i32
  }
  func.func @transform_7(%arg0: i32) -> (i32, i32) {
    %c0_i32 = arith.constant 0 : i32
    %c0_i32_0 = arith.constant 0 : i32
    %c0_i32_1 = arith.constant 0 : i32
    return %c0_i32, %c0_i32_0 : i32, i32
  }
  func.func @transform_8(%arg0: i32) -> (i32, i32) {
    %c0_i32 = arith.constant 0 : i32
    %c0_i32_0 = arith.constant 0 : i32
    %c0_i32_1 = arith.constant 0 : i32
    return %c0_i32, %c0_i32_0 : i32, i32
  }
  func.func @transform_9(%arg0: i32) -> (i32, i32) {
    %c0_i32 = arith.constant 0 : i32
    %c0_i32_0 = arith.constant 0 : i32
    %c0_i32_1 = arith.constant 0 : i32
    return %c0_i32, %c0_i32_0 : i32, i32
  }
  func.func @transform_10(%arg0: i32) -> (i32, i32) {
    %c0_i32 = arith.constant 0 : i32
    %c0_i32_0 = arith.constant 0 : i32
    %c0_i32_1 = arith.constant 0 : i32
    return %c0_i32, %c0_i32_0 : i32, i32
  }
  func.func @transform_11(%arg0: i32) -> (i32, i32) {
    %c0_i32 = arith.constant 0 : i32
    %c0_i32_0 = arith.constant 0 : i32
    %c0_i32_1 = arith.constant 0 : i32
    return %c0_i32, %c0_i32_0 : i32, i32
  }
  func.func @transform_12(%arg0: i32) -> (i32, i32) {
    %c0_i32 = arith.constant 0 : i32
    %c0_i32_0 = arith.constant 0 : i32
    return %arg0, %c0_i32 : i32, i32
  }
  func.func @transform_13(%arg0: i32) -> (i32, i32) {
    %c0_i32 = arith.constant 0 : i32
    %c0_i32_0 = arith.constant 0 : i32
    return %arg0, %c0_i32 : i32, i32
  }
  func.func @transform_14(%arg0: i32) -> (i32, i32) {
    %c0_i32 = arith.constant 0 : i32
    %c0_i32_0 = arith.constant 0 : i32
    return %arg0, %c0_i32 : i32, i32
  }
}

module attributes {stable_mosaic.version = 14 : i64} {
  func.func @_tc_post_body(%arg0: i32, %arg1: memref<2x2048x128xf32, #tpu.memory_space<vmem>>, %arg2: memref<2x2048x16xf32, #tpu.memory_space<vmem>>, %arg3: memref<1x128xf32, #tpu.memory_space<vmem>>, %arg4: memref<128x32xf32, #tpu.memory_space<vmem>>, %arg5: memref<1x32xf32, #tpu.memory_space<vmem>>, %arg6: memref<2048x32xf32, #tpu.memory_space<vmem>>) attributes {dimension_semantics = [#tpu.dimension_semantics<arbitrary>], iteration_bounds = array<i64: 5>, scalar_prefetch = 0 : i64, scratch_operands = 0 : i64, tpu.core_type = #tpu.core_type<tc>, window_params = [{transform_indices = @transform_0, window_bounds = array<i64: 2, 2048, 128>}, {transform_indices = @transform_1, window_bounds = array<i64: 2, 2048, 16>}, {pipeline_mode = #tpu.pipeline_mode<synchronous>, transform_indices = @transform_2, window_bounds = array<i64: 1, 128>}, {pipeline_mode = #tpu.pipeline_mode<synchronous>, transform_indices = @transform_3, window_bounds = array<i64: 128, 32>}, {pipeline_mode = #tpu.pipeline_mode<synchronous>, transform_indices = @transform_4, window_bounds = array<i64: 1, 32>}, {transform_indices = @transform_5, window_bounds = array<i64: 2048, 32>}]} {
    %get3A = arith.constant 0 : index
    %get3A_0 = arith.constant 0 : index
    %get3A_1 = arith.constant 0 : index
    %get3A_2 = vector.load %arg1[%get3A, %get3A_0, %get3A_1] : memref<2x2048x128xf32, #tpu.memory_space<vmem>>, vector<1x2048x128xf32>
    %get3A_3 = vector.shape_cast %get3A_2 : vector<1x2048x128xf32> to vector<2048x128xf32>
    %get3A_4 = arith.constant 1 : index
    %get3A_5 = arith.constant 0 : index
    %get3A_6 = arith.constant 0 : index
    %get3A_7 = vector.load %arg1[%get3A_4, %get3A_5, %get3A_6] : memref<2x2048x128xf32, #tpu.memory_space<vmem>>, vector<1x2048x128xf32>
    %get3A_8 = vector.shape_cast %get3A_7 : vector<1x2048x128xf32> to vector<2048x128xf32>
    %add3A = arith.addf %get3A_3, %get3A_8 : vector<2048x128xf32>
    %get3A_9 = arith.constant 0 : index
    %get3A_10 = arith.constant 0 : index
    %get3A_11 = arith.constant 0 : index
    %get3A_12 = vector.load %arg2[%get3A_9, %get3A_10, %get3A_11] : memref<2x2048x16xf32, #tpu.memory_space<vmem>>, vector<1x2048x16xf32>
    %get3A_13 = vector.shape_cast %get3A_12 : vector<1x2048x16xf32> to vector<2048x16xf32>
    %get3A_14 = arith.constant 1 : index
    %get3A_15 = arith.constant 0 : index
    %get3A_16 = arith.constant 0 : index
    %get3A_17 = vector.load %arg2[%get3A_14, %get3A_15, %get3A_16] : memref<2x2048x16xf32, #tpu.memory_space<vmem>>, vector<1x2048x16xf32>
    %get3A_18 = vector.shape_cast %get3A_17 : vector<1x2048x16xf32> to vector<2048x16xf32>
    %add3A_19 = arith.addf %get3A_13, %get3A_18 : vector<2048x16xf32>
    %add3A_20 = arith.constant 1.000000e-16 : f32
    %add3A_21 = vector.broadcast %add3A_20 : f32 to vector<2048x16xf32>
    %add3A_22 = arith.addf %add3A_19, %add3A_21 : vector<2048x16xf32>
    %slice3A = vector.extract_strided_slice %add3A {offsets = [0, 0], sizes = [2048, 64], strides = [1, 1]} : vector<2048x128xf32> to vector<2048x64xf32>
    %slice3A_23 = vector.extract_strided_slice %add3A_22 {offsets = [0, 0], sizes = [2048, 1], strides = [1, 1]} : vector<2048x16xf32> to vector<2048x1xf32>
    %div3A = vector.broadcast %slice3A_23 : vector<2048x1xf32> to vector<2048x64xf32>
    %div3A_24 = arith.divf %slice3A, %div3A : vector<2048x64xf32>
    %get3A_25 = arith.constant 0 : index
    %get3A_26 = arith.constant 0 : index
    %get3A_27 = vector.load %arg3[%get3A_25, %get3A_26] : memref<1x128xf32, #tpu.memory_space<vmem>>, vector<1x64xf32>
    %add3A_28 = vector.broadcast %get3A_27 : vector<1x64xf32> to vector<2048x64xf32>
    %add3A_29 = arith.addf %div3A_24, %add3A_28 : vector<2048x64xf32>
    %gt3A = arith.constant 0.000000e+00 : f32
    %gt3A_30 = vector.broadcast %gt3A : f32 to vector<2048x64xf32>
    %gt3A_31 = arith.cmpf ogt, %add3A_29, %gt3A_30 : vector<2048x64xf32>
    %min3A = arith.constant 0.000000e+00 : f32
    %min3A_32 = vector.broadcast %min3A : f32 to vector<2048x64xf32>
    %min3A_33 = arith.minimumf %add3A_29, %min3A_32 : vector<2048x64xf32>
    %exp3A = math.exp %min3A_33 : vector<2048x64xf32>
    %sub3A = arith.constant 1.000000e+00 : f32
    %sub3A_34 = vector.broadcast %sub3A : f32 to vector<2048x64xf32>
    %sub3A_35 = arith.subf %exp3A, %sub3A_34 : vector<2048x64xf32>
    %select_n3A = arith.select %gt3A_31, %add3A_29, %sub3A_35 : vector<2048x64xi1>, vector<2048x64xf32>
    %slice3A_36 = vector.extract_strided_slice %add3A {offsets = [0, 64], sizes = [2048, 64], strides = [1, 1]} : vector<2048x128xf32> to vector<2048x64xf32>
    %slice3A_37 = vector.extract_strided_slice %add3A_22 {offsets = [0, 1], sizes = [2048, 1], strides = [1, 1]} : vector<2048x16xf32> to vector<2048x1xf32>
    %div3A_38 = vector.broadcast %slice3A_37 : vector<2048x1xf32> to vector<2048x64xf32>
    %div3A_39 = arith.divf %slice3A_36, %div3A_38 : vector<2048x64xf32>
    %get3A_40 = arith.constant 0 : index
    %get3A_41 = arith.constant 64 : index
    %get3A_42 = vector.load %arg3[%get3A_40, %get3A_41] : memref<1x128xf32, #tpu.memory_space<vmem>>, vector<1x64xf32>
    %add3A_43 = vector.broadcast %get3A_42 : vector<1x64xf32> to vector<2048x64xf32>
    %add3A_44 = arith.addf %div3A_39, %add3A_43 : vector<2048x64xf32>
    %gt3A_45 = arith.constant 0.000000e+00 : f32
    %gt3A_46 = vector.broadcast %gt3A_45 : f32 to vector<2048x64xf32>
    %gt3A_47 = arith.cmpf ogt, %add3A_44, %gt3A_46 : vector<2048x64xf32>
    %min3A_48 = arith.constant 0.000000e+00 : f32
    %min3A_49 = vector.broadcast %min3A_48 : f32 to vector<2048x64xf32>
    %min3A_50 = arith.minimumf %add3A_44, %min3A_49 : vector<2048x64xf32>
    %exp3A_51 = math.exp %min3A_50 : vector<2048x64xf32>
    %sub3A_52 = arith.constant 1.000000e+00 : f32
    %sub3A_53 = vector.broadcast %sub3A_52 : f32 to vector<2048x64xf32>
    %sub3A_54 = arith.subf %exp3A_51, %sub3A_53 : vector<2048x64xf32>
    %select_n3A_55 = arith.select %gt3A_47, %add3A_44, %sub3A_54 : vector<2048x64xi1>, vector<2048x64xf32>
    %get3A_56 = arith.constant 0 : index
    %get3A_57 = arith.constant 0 : index
    %get3A_58 = vector.load %arg4[%get3A_56, %get3A_57] : memref<128x32xf32, #tpu.memory_space<vmem>>, vector<64x32xf32>
    %dot_general3A = arith.constant dense<0.000000e+00> : vector<2048x32xf32>
    %dot_general3A_59 = tpu.matmul %select_n3A, %get3A_58, %dot_general3A {dimension_numbers = #tpu.dot_dimension_numbers<[1], [0], [0], [1], [0, 0, 1, 1], [], []>, transpose_lhs_hint = false} : vector<2048x64xf32>, vector<64x32xf32>, vector<2048x32xf32> -> vector<2048x32xf32>
    %get3A_60 = arith.constant 64 : index
    %get3A_61 = arith.constant 0 : index
    %get3A_62 = vector.load %arg4[%get3A_60, %get3A_61] : memref<128x32xf32, #tpu.memory_space<vmem>>, vector<64x32xf32>
    %dot_general3A_63 = arith.constant dense<0.000000e+00> : vector<2048x32xf32>
    %dot_general3A_64 = tpu.matmul %select_n3A_55, %get3A_62, %dot_general3A_63 {dimension_numbers = #tpu.dot_dimension_numbers<[1], [0], [0], [1], [0, 0, 1, 1], [], []>, transpose_lhs_hint = false} : vector<2048x64xf32>, vector<64x32xf32>, vector<2048x32xf32> -> vector<2048x32xf32>
    %add3A_65 = arith.addf %dot_general3A_59, %dot_general3A_64 : vector<2048x32xf32>
    %get3A_66 = arith.constant 0 : index
    %get3A_67 = arith.constant 0 : index
    %get3A_68 = vector.load %arg5[%get3A_66, %get3A_67] : memref<1x32xf32, #tpu.memory_space<vmem>>, vector<1x32xf32>
    %add3A_69 = vector.broadcast %get3A_68 : vector<1x32xf32> to vector<2048x32xf32>
    %add3A_70 = arith.addf %add3A_65, %add3A_69 : vector<2048x32xf32>
    %swap3A = arith.constant 0 : index
    %swap3A_71 = arith.constant 0 : index
    %swap3A_72 = vector.load %arg6[%swap3A, %swap3A_71] : memref<2048x32xf32, #tpu.memory_space<vmem>>, vector<2048x32xf32>
    tpu.vector_store %arg6[%swap3A, %swap3A_71], %add3A_70 {strides = array<i32>} : memref<2048x32xf32, #tpu.memory_space<vmem>>, vector<2048x32xf32>,
    return
  }
  func.func @transform_0(%arg0: i32) -> (i32, i32, i32) {
    %c0_i32 = arith.constant 0 : i32
    %c0_i32_0 = arith.constant 0 : i32
    %c0_i32_1 = arith.constant 0 : i32
    return %c0_i32, %arg0, %c0_i32_0 : i32, i32, i32
  }
  func.func @transform_1(%arg0: i32) -> (i32, i32, i32) {
    %c0_i32 = arith.constant 0 : i32
    %c0_i32_0 = arith.constant 0 : i32
    %c0_i32_1 = arith.constant 0 : i32
    return %c0_i32, %arg0, %c0_i32_0 : i32, i32, i32
  }
  func.func @transform_2(%arg0: i32) -> (i32, i32) {
    %c0_i32 = arith.constant 0 : i32
    %c0_i32_0 = arith.constant 0 : i32
    %c0_i32_1 = arith.constant 0 : i32
    return %c0_i32, %c0_i32_0 : i32, i32
  }
  func.func @transform_3(%arg0: i32) -> (i32, i32) {
    %c0_i32 = arith.constant 0 : i32
    %c0_i32_0 = arith.constant 0 : i32
    %c0_i32_1 = arith.constant 0 : i32
    return %c0_i32, %c0_i32_0 : i32, i32
  }
  func.func @transform_4(%arg0: i32) -> (i32, i32) {
    %c0_i32 = arith.constant 0 : i32
    %c0_i32_0 = arith.constant 0 : i32
    %c0_i32_1 = arith.constant 0 : i32
    return %c0_i32, %c0_i32_0 : i32, i32
  }
  func.func @transform_5(%arg0: i32) -> (i32, i32) {
    %c0_i32 = arith.constant 0 : i32
    %c0_i32_0 = arith.constant 0 : i32
    return %arg0, %c0_i32 : i32, i32
  }
}

</mosaic_0001>

<sc_bundles>
// kernel: kernel.5.cloned.1.call-start
scs
__scs_entry_jumppad:
0x0: {  	(pc) =	sbr.rel $0x88, $3  }
0x1: {  	(tag) =	ssettag $0x0;
	lr =	simm.s32 $0x1  }
0x2: {  	[smem:$0x3F92] =	sst lr;
	_ =	strace $0xD0000000  }
0x3: {  	_ = 	snop  }
0x4: {  	_ = 	snop  }
0x5: {  	_ = 	snop  }
0x6: {  	_ = 	snop  }
0x7: {  	_ = 	snop  }
__scs_overlays_trampoline_lowered:
0x8: {  	[smem:$0x3FA1] =	sst s0  }
0x9: {  	[smem:$0x3FA2] =	sst s1  }
0xa: {  	[smem:$0x3FA3] =	sst s2  }
0xb: {  	[smem:$0x3FA4] =	sst s3  }
0xc: {  	[smem:$0x3FA5] =	sst s4  }
0xd: {  	[smem:$0x3FA6] =	sst s5  }
0xe: {  	[smem:$0x3FA7] =	sst s6  }
0xf: {  	[smem:$0x3FA8] =	sst s7  }
0x10: {  	[smem:$0x3FA9] =	sst s8  }
0x11: {  	[smem:$0x3FAA] =	sst s9;
	s0 =	simm.s32 @!p0 $0x0  }
0x12: {  	s1 =	sld [smem:$0x3F90];
	s0 =	simm.s32 @p0 $0x1  }
0x13: {  	[smem:$0x3FAB] =	sst s0;
	s0 =	simm.s32 @!p1 $0x0  }
0x14: {  	s2 =	sld [smem:$0x3F8F];
	s0 =	simm.s32 @p1 $0x1  }
0x15: {  	[smem:$0x3FAC] =	sst s0;
	s0 =	simm.s32 @!p2 $0x0  }
0x16: {  	s3 =	sld [smem:$0x3FDB];
	s0 =	simm.s32 @p2 $0x1  }
0x17: {  	s4 =	simm.s32 $0x1BF5;
	[smem:$0x3FAE] =	sst s0  }
0x18: {  	s0 =	sld [smem:$0x3F91];
	_ =	swait.ge [sflag:s4], $0x0  }
0x19: {  	s7 =	sld [smem:$0x3F92]  }
0x1a: {  	s8 =	sadd.s32 $0xFFFFE003, lr  }
0x1b: {  	s9 =	sadd.s32 $0xFFFFFEF7, lr;
	s5 =	simm.s32 $0xFFFFFFFF;
	p2 =	slt.u32 s8, $0xFFFFF086  }
0x1c: {  	p1 =	slt.u32 s9, $0xF7A;
	s5 =	simm.s32 @!p2 $0x0  }
0x1d: {  	s5 =	simm.s32 @p1 $0x1;
	p0 =	seq.s32 s7, s2  }
0x1e: {  	s7 =	smul.u32 @!p0 $0xF7A, s2;
	p2 =	seq.s32 @!p0 s5, $0x0  }
0x1f: {  	s9 =	smul.u32 $0xF7A, s1;
	s8 =	simm.s32 @!p0 $0x1BF5;
	p2 =	por !p2, p0  }
0x20: {  	[sflag:s8] =	ssyncset.s32 @!p0 $0xFFFFF086;
	s6 =	sadd.s32 @!p0 s3, s7;
	s7 =	simm.s32 @!p0 $0x108  }
0x21: {  	s3 =	sadd.s32 s3, s9;
	s6 =	sadd.s32 @!p0 $0x88, s6;
	s7 =	simm.s32 @p2 $0x1082  }
0x22: {  	[simem:s7], [sflag:s8] =	dma.local @!p0 [hbm:s6], $0xF7A  }
0x23: {  	s9 =	sor.u32 $0xD0000000, s2;
	s6 =	simm.s32 $0x108;
	_ =	swait.ge @!p0 [sflag:s8], $0x0  }
0x24: {  	s3 =	sadd.s32 $0x88, s3;
	s6 =	simm.s32 @!p1 $0x1082;
	[sflag:s4] =	ssyncset.s32 $0xFFFFF086  }
0x25: {  	[simem:s6], [sflag:s4] =	dma.local [hbm:s3], $0xF7A  }
0x26: {  	[smem:$0x3F92] =	sst s1;
	(tag) =	ssettag s2;
	_ =	strace s9  }
0x27: {  	s1 =	sld [smem:$0x3FA2]  }
0x28: {  	s2 =	sld [smem:$0x3FA3]  }
0x29: {  	s4 =	sld [smem:$0x3FA5]  }
0x2a: {  	p0 =	seq.s32 s5, $0x0;
	s5 =	sld [smem:$0x3FA6]  }
0x2b: {  	s6 =	sld [smem:$0x3FA7]  }
0x2c: {  	s7 =	sld [smem:$0x3FA8]  }
0x2d: {  	s3 =	simm.s32 $0x108;
	s8 =	sld [smem:$0x3FA9]  }
0x2e: {  	s3 =	simm.s32 @!p0 $0x1082;
	s9 =	sld [smem:$0x3FAA]  }
0x2f: {  	lr =	sadd.s32 s0, s3;
	s0 =	sld [smem:$0x3FA1]  }
0x30: {  	s3 =	sld [smem:$0x3FA4]  }
0x31: {  	[smem:$0x3FAD] =	sst s10  }
0x32: {  	s10 =	sld [smem:$0x3FAB];
	_ =	sdelay $0x3  }
0x33: {  	p0 =	seq.s32 s10, $0x1;
	s10 =	sld [smem:$0x3FAD];
	_ =	sdelay $0x3  }
0x34: {  	[smem:$0x3FAD] =	sst s10  }
0x35: {  	s10 =	sld [smem:$0x3FAC];
	_ =	sdelay $0x3  }
0x36: {  	p1 =	seq.s32 s10, $0x1;
	s10 =	sld [smem:$0x3FAD];
	_ =	sdelay $0x3  }
0x37: {  	[smem:$0x3FAD] =	sst s10  }
0x38: {  	s10 =	sld [smem:$0x3FAE]  }
0x39: {  	_ = 	snop;
	(pc) =	sbr.ind lr, $3  }
0x3a: {  	_ = 	snop  }
0x3b: {  	_ = 	snop  }
0x3c: {  	p2 =	seq.s32 s10, $0x1;
	s10 =	sld [smem:$0x3FAD]  }
0x3d: {  	_ =	shalt  }
0x3e: {  	_ =	shalt  }
0x3f: {  	_ =	shalt  }
0x40: {  	_ =	shalt  }
0x41: {  	_ =	shalt  }
0x42: {  	_ =	shalt  }
0x43: {  	_ =	shalt  }
0x44: {  	_ =	shalt  }
0x45: {  	_ =	shalt  }
0x46: {  	_ =	shalt  }
0x47: {  	_ =	shalt  }
0x48: {  	_ =	shalt  }
0x49: {  	_ =	shalt  }
0x4a: {  	_ =	shalt  }
0x4b: {  	_ =	shalt  }
0x4c: {  	_ =	shalt  }
0x4d: {  	_ =	shalt  }
0x4e: {  	_ =	shalt  }
0x4f: {  	_ =	shalt  }
0x50: {  	_ =	shalt  }
0x51: {  	_ =	shalt  }
0x52: {  	_ =	shalt  }
0x53: {  	_ =	shalt  }
0x54: {  	_ =	shalt  }
0x55: {  	_ =	shalt  }
0x56: {  	_ =	shalt  }
0x57: {  	_ =	shalt  }
0x58: {  	_ =	shalt  }
0x59: {  	_ =	shalt  }
0x5a: {  	_ =	shalt  }
0x5b: {  	_ =	shalt  }
0x5c: {  	_ =	shalt  }
0x5d: {  	_ =	shalt  }
0x5e: {  	_ =	shalt  }
0x5f: {  	_ =	shalt  }
0x60: {  	_ =	shalt  }
0x61: {  	_ =	shalt  }
0x62: {  	_ =	shalt  }
0x63: {  	_ =	shalt  }
0x64: {  	_ =	shalt  }
0x65: {  	_ =	shalt  }
0x66: {  	_ =	shalt  }
0x67: {  	_ =	shalt  }
0x68: {  	_ =	shalt  }
0x69: {  	_ =	shalt  }
0x6a: {  	_ =	shalt  }
0x6b: {  	_ =	shalt  }
0x6c: {  	_ =	shalt  }
0x6d: {  	_ =	shalt  }
0x6e: {  	_ =	shalt  }
0x6f: {  	_ =	shalt  }
0x70: {  	_ =	shalt  }
0x71: {  	_ =	shalt  }
0x72: {  	_ =	shalt  }
0x73: {  	_ =	shalt  }
0x74: {  	_ =	shalt  }
0x75: {  	_ =	shalt  }
0x76: {  	_ =	shalt  }
0x77: {  	_ =	shalt  }
0x78: {  	_ =	shalt  }
0x79: {  	_ =	shalt  }
0x7a: {  	_ =	shalt  }
0x7b: {  	_ =	shalt  }
0x7c: {  	_ =	shalt  }
0x7d: {  	_ =	shalt  }
0x7e: {  	_ =	shalt  }
0x7f: {  	_ =	shalt  }
0x80: {  	_ =	shalt  }
0x81: {  	_ =	shalt  }
0x82: {  	_ =	shalt  }
0x83: {  	_ =	shalt  }
0x84: {  	_ =	shalt  }
0x85: {  	_ =	shalt  }
0x86: {  	_ =	shalt  }
0x87: {  	_ =	shalt  }
.Lfunc_end0:
.L_simem_size_0:
called_computation_lowered:
.L_overlay_start_0:
0x88: {  	s2 =	sld [smem:$0x3FD9]  }
0x89: {  	s3 =	sld [smem:$0x3FFE];
	_ =	sdelay $0x1  }
0x8a: {  	s1 =	srdreg.scid  }
0x8b: {  	s0 =	sand.u32 $0x1, s1  }
0x8c: {  	s17 =	sshll.u32 s0, $0xA;
	s2 =	sadd.s32 s3, s2  }
0x8d: {  	s2 =	sadd.s32 s2, s17  }
0x8e: {  	[smem:$0x3FB9] =	sst s2  }
0x8f: {  	_ = 	snop  }
0x90: {  	s2 =	sld [smem:$0x3FD0];
	(tm) =	ssettm $0x1  }
0x91: {  	s18 =	sld [smem:$0x3FFB];
	_ =	sdelay $0x3  }
0x92: {  	_ =	strace s18  }
0x93: {  	s3 =	sld [smem:$0x3FFC];
	_ =	sdelay $0x3  }
0x94: {  	_ =	strace s3  }
0x95: {  	s3 =	sld [smem:$0x3FFD];
	_ =	sdelay $0x3  }
0x96: {  	_ =	strace s3  }
0x97: {  	_ =	strace $0x8FFFFFFF  }
0x98: {  	s19 =	sld [smem:$0x3FDB];
	_ =	sdelay $0x1  }
0x99: {  	s4 =	simm.s32 $_scs_section_size  }
0x9a: {  	s5 =	simm.s32 $_size__tile_overlayer_lowered;
	s6 =	simm.s32 $_tile_overlayer_lowered  }
0x9b: {  	s22 =	simm.s32 $0x1BFF;
	s21 =	sshll.u32 s6, $0x1;
	s3 =	sadd.s32 s4, s19  }
0x9c: {  	s7 =	simm.s32 $0x0;
	s20 =	sshll.u32 s5, $0x1;
	s5 =	sadd.s32 s21, s3  }
0x9d: {  	[timem:s7], [sflag:s22] =	dma.local [hbm:s5], s20  }
0x9e: {  	_ =	swait.ge [sflag:s22], s20  }
0x9f: {  	s4 =	ssub.s32 $0x0, s20;
	[sflag:s22] =	ssyncset.done $0x0  }
0xa0: {  	[sflag:s22] =	ssyncadd.s32 s4;
	_ =	sdelay $0x1  }
0xa1: {  	s23 =	simm.s32 $0x1B8B  }
0xa2: {  	_ =	swait.ge [sflag:s23], $0x1  }
0xa3: {  	[sflag:s23] =	ssyncset.done $0x0  }
0xa4: {  	s25 =	simm.s32 $0x1B8E;
	s24 =	sld [smem:$0x3FFE];
	[sflag:s23] =	ssyncadd.s32 $0xFFFFFFFF  }
0xa5: {  	s26 =	simm.s32 $execute0_lowered;
	[smem:$0x3FD2] =	sst s25  }
0xa6: {  	s5 =	sshll.u32 s26, $0x1;
	_ =	strace $0x80000046;
	[dreg:$0x1] =	wrdreg $0xFFFFFFFF  }
0xa7: {  	s28 =	simm.s32 $_size_execute0_lowered;
	s3 =	sadd.s32 s3, s5;
	[dreg:$0x0] =	wrdreg $0x0  }
0xa8: {  	s5 =	sshll.u32 s28, $0x1;
	[dreg:$0x2] =	wrdreg s3  }
0xa9: {  	[dreg:$0x3] =	wrdreg s5  }
0xaa: {  	[dreg:$0x4] =	wrdreg $0xC0  }
0xab: {  	_ =	task [dreg:s7], $0x5FFFF  }
0xac: {  	[dreg:$0x1] =	wrdreg $0xFFFFFFFF  }
0xad: {  	[dreg:$0x0] =	wrdreg $0x60  }
0xae: {  	[dreg:$0x2] =	wrdreg s24  }
0xaf: {  	[dreg:$0x3] =	wrdreg s2  }
0xb0: {  	[dreg:$0x4] =	wrdreg $0x71800  }
0xb1: {  	[dreg:$0x5] =	wrdreg $0x1B1800  }
0xb2: {  	[dreg:$0x6] =	wrdreg $0x9  }
0xb3: {  	_ =	task.clear_ibuf [dreg:s7], $0x7FFFF;
	_ =	strace $0x90000046  }
0xb4: {  	s29 =	simm.s32 $0x9;
	_ =	strace $0x80000048  }
0xb5: {  	_ =	swait.ge [sflag:s29], $0x1  }
0xb6: {  	[sflag:s29] =	ssyncadd.s32 $0xFFFFFFFF  }
0xb7: {  	_ =	strace $0x90000048  }
0xb8: {  	_ =	sfence  }
0xb9: {  	s30 =	sld [smem:$0x0];
	_ =	sdelay $0x2  }
0xba: {  	s31 =	sshll.u32 s1, $0xD;
	s1 =	sshrl.u32 s1, $0x2  }
0xbb: {  	s3 =	sand.u32 $0x4000, s31;
	s1 =	sadd.s32 s1, s30  }
0xbc: {  	s0 =	sor.u32 s3, s0;
	s1 =	sshll.u32 s1, $0x11  }
0xbd: {  	s0 =	sor.u32 s1, s0  }
0xbe: {  	s0 =	sadd.s32 $0x8F2B, s0  }
0xbf: {  	[sflag:s0] =	ssyncadd.remote.s32 $0x1  }
0xc0: {  	_ =	sfence.sel $0xFFFF  }
0xc1: {  	[dreg:$0x0] =	wrdreg $0xFFFFFFFF;
	(pc) =	sbr.abs _section_cstart, $3  }
0xc2: {  	[dreg:$0x1] =	wrdreg $0xFFFFFFFF  }
0xc3: {  	_ =	task.clear_ibuf [dreg:s7], $0x2FFFF;
	_ =	strace $0x9FFFFFFF  }
0xc4: {  	(tm) =	ssettm $0x7FFFFFFF  }
0xc5: {  	_ =	shalt  }
tec
execute0_lowered:
.L_overlay_start_1:
0x0: {  	(tag) =	ssettag $0x1  }
0x1: {  	s0 =	srdreg.scid;
	s24 =	stileid.u32  }
0x2: {  	s3 =	rddreg [dreg:$0x2];
	s0 =	sand.u32 $0x1, s0;
	s2 =	smul.u32 $0x280, s24  }
0x3: {  	s28 =	simm.s32 $0x2;
	s5 =	smul.u32 $0x14000, s24;
	s1 =	ssub.s32 $0x2, s0  }
0x4: {  	s29 =	simm.s32 $0x0;
	s4 =	sshrl.u32 s1, $0x1;
	s6 =	sadd.s32 $0x80, s2  }
0x5: {  	s7 =	sadd.s32 s5, s3;
	s12 =	sadd.s32 $0x140, s2;
	s16 =	sadd.s32 $0x180, s2  }
0x6: {  	s17 =	sadd.s32 $0x1C0, s2;
	s18 =	sadd.s32 $0x200, s2;
	s1 =	ssub.s32 s1, s4  }
0x7: {  	s4 =	sor.u32 $0x40, s2;
	[dreg:$0x5] =	wrdreg s7;
	s8 =	sshll.u32 s6, $0x7  }
0x8: {  	s14 =	sshll.u32 s12, $0x7;
	s31 =	sshll.u32 s16, $0x7;
	s25 =	sadd.s32 s8, s3  }
0x9: {  	s23 =	sshll.u32 s17, $0x7;
	s26 =	sadd.s32 s14, s3;
	[dreg:$0x7] =	wrdreg s25  }
0xa: {  	s7 =	sshll.u32 s4, $0x7;
	s20 =	sadd.s32 s31, s3;
	[dreg:$0xa] =	wrdreg s26  }
0xb: {  	s21 =	sshll.u32 s18, $0x7;
	s9 =	sadd.s32 s7, s3;
	[dreg:$0xb] =	wrdreg s20  }
0xc: {  	s22 =	sadd.s32 s23, s3;
	[dreg:$0x6] =	wrdreg s9;
	s9 =	sadd.s32 $0xC0, s2  }
0xd: {  	[dreg:$0xc] =	wrdreg s22;
	s25 =	sadd.s32 s21, s3;
	s10 =	sshll.u32 s9, $0x7  }
0xe: {  	s11 =	sadd.s32 $0x100, s2;
	[dreg:$0xd] =	wrdreg s25;
	s13 =	sadd.s32 s10, s3  }
0xf: {  	s19 =	sadd.s32 $0x240, s2;
	[dreg:$0x8] =	wrdreg s13;
	s13 =	sshll.u32 s11, $0x7  }
0x10: {  	s26 =	sshll.u32 s19, $0x7;
	s2 =	rddreg [dreg:$0x0];
	s15 =	sadd.s32 s13, s3  }
0x11: {  	s3 =	sadd.s32 s26, s3;
	[dreg:$0x9] =	wrdreg s15;
	s15 =	smul.u32 $0x140000, s0  }
0x12: {  	s4 =	sshll.u32 s4, $0x4;
	s1 =	smax.u32 s1, $0x1;
	[dreg:$0xe] =	wrdreg s3  }
0x13: {  	s30 =	sadd.s32 s5, s15;
	s7 =	sadd.s32 s15, s7;
	s8 =	sadd.s32 s15, s8  }
0x14: {  	s10 =	sadd.s32 s15, s10;
	s13 =	sadd.s32 s15, s13;
	s14 =	sadd.s32 s15, s14  }
0x15: {  	s5 =	sadd.s32 s15, s31;
	s20 =	sadd.s32 s15, s23;
	s21 =	sadd.s32 s15, s21  }
0x16: {  	s23 =	sadd.s32 $0x48A00, s2;
	s15 =	sadd.s32 s15, s26;
	s30 =	sshrl.u32 s30, $0x3  }
0x17: {  	s31 =	sshrl.u32 s7, $0x3;
	s7 =	sshrl.u32 s8, $0x3;
	s8 =	sshrl.u32 s10, $0x3  }
0x18: {  	s13 =	sshrl.u32 s13, $0x3;
	s14 =	sshrl.u32 s14, $0x3;
	s5 =	sshrl.u32 s5, $0x3  }
0x19: {  	s25 =	sshrl.u32 s20, $0x3;
	s26 =	sshrl.u32 s21, $0x3;
	s3 =	sadd.s32 s23, s30  }
0x1a: {  	s21 =	smul.u32 $0x28000, s0;
	s10 =	sadd.s32 s23, s8;
	[dreg:$0xf] =	wrdreg s3  }
0x1b: {  	s22 =	sadd.s32 s23, s5;
	s30 =	sshrl.u32 s15, $0x3;
	[dreg:$0x12] =	wrdreg s10  }
0x1c: {  	s5 =	sshll.u32 s6, $0x4;
	s3 =	sadd.s32 s23, s31;
	[dreg:$0x15] =	wrdreg s22  }
0x1d: {  	s6 =	sshll.u32 s9, $0x4;
	s31 =	sadd.s32 s23, s30;
	[dreg:$0x10] =	wrdreg s3  }
0x1e: {  	s8 =	sshll.u32 s12, $0x4;
	s3 =	sadd.s32 s23, s7;
	[dreg:$0x18] =	wrdreg s31  }
0x1f: {  	s10 =	smul.u32 $0x2800, s24;
	[dreg:$0x11] =	wrdreg s3;
	s3 =	sadd.s32 s23, s13  }
0x20: {  	s30 =	sshll.u32 s19, $0x4;
	[dreg:$0x13] =	wrdreg s3;
	s3 =	sadd.s32 s23, s14  }
0x21: {  	s7 =	sshll.u32 s11, $0x4;
	[dreg:$0x14] =	wrdreg s3;
	s3 =	sadd.s32 s23, s25  }
0x22: {  	s11 =	sshll.u32 s17, $0x4;
	s13 =	sshll.u32 s18, $0x4;
	[dreg:$0x16] =	wrdreg s3  }
0x23: {  	s9 =	sadd.s32 s10, s21;
	s3 =	sadd.s32 s23, s26;
	s26 =	rddreg [dreg:$0x3]  }
0x24: {  	s9 =	sshrl.u32 s9, $0x3;
	s25 =	sshll.u32 s16, $0x4;
	[dreg:$0x17] =	wrdreg s3  }
0x25: {  	s31 =	sadd.s32 s10, s26;
	s15 =	sadd.s32 s4, s26;
	s16 =	sadd.s32 s5, s26  }
0x26: {  	s17 =	sadd.s32 s6, s26;
	s18 =	sadd.s32 s7, s26;
	[dreg:$0x19] =	wrdreg s31  }
0x27: {  	s19 =	sadd.s32 s8, s26;
	s20 =	sadd.s32 s25, s26;
	[dreg:$0x1a] =	wrdreg s15  }
0x28: {  	s22 =	sadd.s32 s11, s26;
	s23 =	sadd.s32 s13, s26;
	[dreg:$0x1b] =	wrdreg s16  }
0x29: {  	s12 =	sadd.s32 s30, s26;
	s3 =	sadd.s32 s21, s4;
	[dreg:$0x1c] =	wrdreg s17  }
0x2a: {  	s4 =	sadd.s32 s21, s5;
	s5 =	sadd.s32 s21, s6;
	[dreg:$0x1d] =	wrdreg s18  }
0x2b: {  	s6 =	sadd.s32 s21, s7;
	s7 =	sadd.s32 s21, s8;
	[dreg:$0x1e] =	wrdreg s19  }
0x2c: {  	s8 =	sadd.s32 s21, s25;
	s10 =	sadd.s32 s21, s11;
	[dreg:$0x1f] =	wrdreg s20  }
0x2d: {  	s25 =	sshll.u32 s24, $0x1;
	s11 =	sadd.s32 s21, s13;
	[smem:$0x7E8] =	sst s22  }
0x2e: {  	s13 =	sadd.s32 s21, s30;
	s26 =	sadd.s32 $0x3EA00, s2;
	[smem:$0x7E9] =	sst s23  }
0x2f: {  	[smem:$0x7EA] =	sst s12;
	s12 =	sor.u32 s0, s25;
	s9 =	sadd.s32 s26, s9  }
0x30: {  	s3 =	sshrl.u32 s3, $0x3;
	s4 =	sshrl.u32 s4, $0x3;
	s31 =	sshrl.u32 s5, $0x3  }
0x31: {  	s5 =	sshrl.u32 s7, $0x3;
	s7 =	sshrl.u32 s8, $0x3;
	s8 =	sshrl.u32 s10, $0x3  }
0x32: {  	s0 =	smul.u32 $0x2900, s0;
	s10 =	sshrl.u32 s13, $0x3;
	s20 =	simm.s32 $0x0  }
0x33: {  	s16 =	sadd.s32 $0x34600, s2;
	s17 =	sadd.s32 $0x2A200, s2;
	[smem:$0x7EB] =	sst s9  }
0x34: {  	s12 =	smul.u32 $0x2900, s12;
	s3 =	sadd.s32 s26, s3;
	[smem:$0x7FF] =	sst s20  }
0x35: {  	s30 =	sadd.s32 s26, s4;
	s4 =	sshrl.u32 s6, $0x3;
	[smem:$0x7EC] =	sst s3  }
0x36: {  	s6 =	sadd.s32 s26, s5;
	s9 =	sshrl.u32 s11, $0x3;
	[smem:$0x7ED] =	sst s30  }
0x37: {  	s11 =	smul.u32 $0x5200, s24;
	s14 =	sadd.s32 s26, s10;
	[smem:$0x7F0] =	sst s6  }
0x38: {  	s5 =	simm.s32 $0x3;
	s3 =	sadd.s32 s26, s31;
	[smem:$0x7F4] =	sst s14  }
0x39: {  	s10 =	simm.s32 $0x2180;
	s13 =	sadd.s32 s26, s9;
	[smem:$0x7EE] =	sst s3  }
0x3a: {  	s9 =	simm.s32 $0x180;
	s3 =	sadd.s32 s26, s4;
	[smem:$0x7F3] =	sst s13  }
0x3b: {  	s0 =	sadd.s32 s0, s11;
	s15 =	sshrl.u32 s12, $0x3;
	s13 =	sadd.s32 $0x2000, s2  }
0x3c: {  	s4 =	simm.s32 $0x100;
	[smem:$0x7EF] =	sst s3;
	s3 =	sadd.s32 s26, s7  }
0x3d: {  	s18 =	sor.u32 $0x8, s15;
	s21 =	sadd.s32 s16, s15;
	s22 =	sadd.s32 s17, s15  }
0x3e: {  	s23 =	sadd.s32 $0x518, s15;
	s25 =	sor.u32 $0x80, s0;
	[smem:$0x7F1] =	sst s3  }
0x3f: {  	s0 =	sor.u32 $0xC0, s0;
	s7 =	simm.s32 $0x140;
	[smem:$0x7F7] =	sst s21  }
0x40: {  	s3 =	sadd.s32 s26, s8;
	s19 =	sadd.s32 s16, s18;
	[smem:$0x7F8] =	sst s22  }
0x41: {  	s6 =	sadd.s32 s17, s18;
	s31 =	sshrl.u32 s0, $0x3;
	s0 =	rddreg [dreg:$0x1]  }
0x42: {  	s24 =	sadd.s32 s16, s23;
	s26 =	sshrl.u32 s25, $0x3;
	[smem:$0x7F2] =	sst s3  }
0x43: {  	s8 =	simm.s32 $0x40;
	s21 =	simm.s32 $0x6180;
	[smem:$0x7F5] =	sst s19  }
0x44: {  	s22 =	simm.s32 $0x1;
	s25 =	simm.s32 $0x3180;
	[smem:$0x7F6] =	sst s6  }
0x45: {  	s3 =	sadd.s32 $0x510, s15;
	[smem:$0x7F9] =	sst s24;
	s15 =	sadd.s32 s17, s23  }
0x46: {  	s18 =	sadd.s32 s26, s17;
	s19 =	sadd.s32 s26, s16;
	s11 =	sadd.s32 s31, s17  }
0x47: {  	s12 =	sadd.s32 s31, s16;
	s6 =	simm.s32 $0xC0;
	s23 =	simm.s32 $0x4  }
0x48: {  	s24 =	simm.s32 $0x1180;
	s26 =	simm.s32 $0x6580;
	s30 =	sadd.s32 s16, s3  }
0x49: {  	s3 =	sadd.s32 s17, s3;
	s16 =	sadd.s32 $0x16000, s2;
	[smem:$0x7FA] =	sst s30  }
0x4a: {  	s2 =	sadd.s32 $0x2A000, s2;
	s17 =	simm.s32 $0x4180;
	[smem:$0x7FB] =	sst s3  }
0x4b: {  	s3 =	simm.s32 $0x80;
	_ =	strace $0x80000047;
	[smem:$0x7FC] =	sst s2  }
0x4c: {  	v0 =	vimm.f32 $0.0e+00;
	[smem:$0x7FD] =	sst s1;
	s1 =	simm.s32 $0x5;
	s2 =	simm.s32 $0x6980  }
.LBB2_1:
0x4d: {  	s30 =	simm.s32 $0x41C0  }
0x4e: {  	[tilespmem:s30+$0x20] =	vst v0  }
0x4f: {  	[tilespmem:s30+$0x10] =	vst v0  }
0x50: {  	[tilespmem:s30+$0x0] =	vst v0  }
0x51: {  	[tilespmem:s30+$0xFFFFFFF0] =	vst v0  }
0x52: {  	[tilespmem:s30+$0xFFFFFFE0] =	vst v0  }
0x53: {  	[tilespmem:s30+$0xFFFFFFD0] =	vst v0  }
0x54: {  	[tilespmem:s30+$0xFFFFFFC0] =	vst v0  }
0x55: {  	s14 =	simm.s32 $0x0;
	s31 =	simm.s32 $0x40;
	[tilespmem:s30+$0x30] =	vst v0  }
.LBB2_2:
0x56: {  	p0 =	sne.s32 s31, $0xFC0;
	[tilespmem:s14+$0x6D80] =	vst v0  }
0x57: {  	s30 =	sadd.s32 $0x80, s30;
	[tilespmem:s14+$0x6980] =	vst v0  }
0x58: {  	[tilespmem:s30+$0x20] =	vst v0  }
0x59: {  	[tilespmem:s30+$0x10] =	vst v0  }
0x5a: {  	[tilespmem:s30+$0x0] =	vst v0  }
.Ltmp0:
0x5b: {  	[tilespmem:s30+$0xFFFFFFF0] =	vst v0;
	(pc) =	sbr.rel @p0 .LBB2_2-.Ltmp0, $4  }
0x5c: {  	[tilespmem:s30+$0xFFFFFFE0] =	vst v0  }
0x5d: {  	[tilespmem:s30+$0xFFFFFFD0] =	vst v0  }
0x5e: {  	[tilespmem:s30+$0xFFFFFFC0] =	vst v0  }
0x5f: {  	s14 =	sshra.s32 s31, $0x2;
	s31 =	sadd.s32 $0x40, s31;
	[tilespmem:s30+$0x30] =	vst v0  }
0x60: {  	[tilespmem:s14+$0x6D80] =	vst v0  }
0x61: {  	[tilespmem:s14+$0x6980] =	vst v0;
	s31 =	rddreg [dreg:$0x5]  }
0x62: {  	[spmem:s31] =	stream.linear.scatter [tilespmem:s17], [sflag:$0x5], $0x2000, $0x38;
	[tilespmem:$0x1D980] =	vst v63  }
0x63: {  	_ =	swait.ge [sflag:s1], $0x2000  }
0x64: {  	[sflag:s1] =	ssyncset.done $0x0  }
0x65: {  	s31 =	rddreg [dreg:$0x19];
	[sflag:s1] =	ssyncadd.s32 $0xFFFFE000  }
0x66: {  	[spmem:s31] =	stream.linear.scatter [tilespmem:s2], [sflag:$0x5], $0x400, $0x38;
	[tilespmem:$0x1D980] =	vst v63  }
0x67: {  	_ =	swait.ge [sflag:s1], $0x400  }
0x68: {  	[sflag:s1] =	ssyncset.done $0x0  }
0x69: {  	s31 =	rddreg [dreg:$0x6];
	[sflag:s1] =	ssyncadd.s32 $0xFFFFFC00  }
0x6a: {  	[spmem:s31] =	stream.linear.scatter [tilespmem:s17], [sflag:$0x5], $0x2000, $0x38;
	[tilespmem:$0x1D980] =	vst v63  }
0x6b: {  	_ =	swait.ge [sflag:s1], $0x2000  }
0x6c: {  	[sflag:s1] =	ssyncset.done $0x0  }
0x6d: {  	s31 =	rddreg [dreg:$0x1a];
	[sflag:s1] =	ssyncadd.s32 $0xFFFFE000  }
0x6e: {  	[spmem:s31] =	stream.linear.scatter [tilespmem:s2], [sflag:$0x5], $0x400, $0x38;
	[tilespmem:$0x1D980] =	vst v63  }
0x6f: {  	_ =	swait.ge [sflag:s1], $0x400  }
0x70: {  	[sflag:s1] =	ssyncset.done $0x0  }
0x71: {  	s31 =	rddreg [dreg:$0x7];
	[sflag:s1] =	ssyncadd.s32 $0xFFFFFC00  }
0x72: {  	[spmem:s31] =	stream.linear.scatter [tilespmem:s17], [sflag:$0x5], $0x2000, $0x38;
	[tilespmem:$0x1D980] =	vst v63  }
0x73: {  	_ =	swait.ge [sflag:s1], $0x2000  }
0x74: {  	[sflag:s1] =	ssyncset.done $0x0  }
0x75: {  	s31 =	rddreg [dreg:$0x1b];
	[sflag:s1] =	ssyncadd.s32 $0xFFFFE000  }
0x76: {  	[spmem:s31] =	stream.linear.scatter [tilespmem:s2], [sflag:$0x5], $0x400, $0x38;
	[tilespmem:$0x1D980] =	vst v63  }
0x77: {  	_ =	swait.ge [sflag:s1], $0x400  }
0x78: {  	[sflag:s1] =	ssyncset.done $0x0  }
0x79: {  	s31 =	rddreg [dreg:$0x8];
	[sflag:s1] =	ssyncadd.s32 $0xFFFFFC00  }
0x7a: {  	[spmem:s31] =	stream.linear.scatter [tilespmem:s17], [sflag:$0x5], $0x2000, $0x38;
	[tilespmem:$0x1D980] =	vst v63  }
0x7b: {  	_ =	swait.ge [sflag:s1], $0x2000  }
0x7c: {  	[sflag:s1] =	ssyncset.done $0x0  }
0x7d: {  	s31 =	rddreg [dreg:$0x1c];
	[sflag:s1] =	ssyncadd.s32 $0xFFFFE000  }
0x7e: {  	[spmem:s31] =	stream.linear.scatter [tilespmem:s2], [sflag:$0x5], $0x400, $0x38;
	[tilespmem:$0x1D980] =	vst v63  }
0x7f: {  	_ =	swait.ge [sflag:s1], $0x400  }
0x80: {  	[sflag:s1] =	ssyncset.done $0x0  }
0x81: {  	s31 =	rddreg [dreg:$0x9];
	[sflag:s1] =	ssyncadd.s32 $0xFFFFFC00  }
0x82: {  	[spmem:s31] =	stream.linear.scatter [tilespmem:s17], [sflag:$0x5], $0x2000, $0x38;
	[tilespmem:$0x1D980] =	vst v63  }
0x83: {  	_ =	swait.ge [sflag:s1], $0x2000  }
0x84: {  	[sflag:s1] =	ssyncset.done $0x0  }
0x85: {  	s31 =	rddreg [dreg:$0x1d];
	[sflag:s1] =	ssyncadd.s32 $0xFFFFE000  }
0x86: {  	[spmem:s31] =	stream.linear.scatter [tilespmem:s2], [sflag:$0x5], $0x400, $0x38;
	[tilespmem:$0x1D980] =	vst v63  }
0x87: {  	_ =	swait.ge [sflag:s1], $0x400  }
0x88: {  	[sflag:s1] =	ssyncset.done $0x0  }
0x89: {  	s31 =	rddreg [dreg:$0xa];
	[sflag:s1] =	ssyncadd.s32 $0xFFFFFC00  }
0x8a: {  	[spmem:s31] =	stream.linear.scatter [tilespmem:s17], [sflag:$0x5], $0x2000, $0x38;
	[tilespmem:$0x1D980] =	vst v63  }
0x8b: {  	_ =	swait.ge [sflag:s1], $0x2000  }
0x8c: {  	[sflag:s1] =	ssyncset.done $0x0  }
0x8d: {  	s31 =	rddreg [dreg:$0x1e];
	[sflag:s1] =	ssyncadd.s32 $0xFFFFE000  }
0x8e: {  	[spmem:s31] =	stream.linear.scatter [tilespmem:s2], [sflag:$0x5], $0x400, $0x38;
	[tilespmem:$0x1D980] =	vst v63  }
0x8f: {  	_ =	swait.ge [sflag:s1], $0x400  }
0x90: {  	[sflag:s1] =	ssyncset.done $0x0  }
0x91: {  	s31 =	rddreg [dreg:$0xb];
	[sflag:s1] =	ssyncadd.s32 $0xFFFFFC00  }
0x92: {  	[spmem:s31] =	stream.linear.scatter [tilespmem:s17], [sflag:$0x5], $0x2000, $0x38;
	[tilespmem:$0x1D980] =	vst v63  }
0x93: {  	_ =	swait.ge [sflag:s1], $0x2000  }
0x94: {  	[sflag:s1] =	ssyncset.done $0x0  }
0x95: {  	s31 =	rddreg [dreg:$0x1f];
	[sflag:s1] =	ssyncadd.s32 $0xFFFFE000  }
0x96: {  	[spmem:s31] =	stream.linear.scatter [tilespmem:s2], [sflag:$0x5], $0x400, $0x38;
	[tilespmem:$0x1D980] =	vst v63  }
0x97: {  	_ =	swait.ge [sflag:s1], $0x400  }
0x98: {  	[sflag:s1] =	ssyncset.done $0x0  }
0x99: {  	s31 =	rddreg [dreg:$0xc];
	[sflag:s1] =	ssyncadd.s32 $0xFFFFFC00  }
0x9a: {  	[spmem:s31] =	stream.linear.scatter [tilespmem:s17], [sflag:$0x5], $0x2000, $0x38;
	[tilespmem:$0x1D980] =	vst v63  }
0x9b: {  	_ =	swait.ge [sflag:s1], $0x2000  }
0x9c: {  	s31 =	sld [smem:$0x7E8]  }
0x9d: {  	[sflag:s1] =	ssyncset.done $0x0  }
0x9e: {  	[sflag:s1] =	ssyncadd.s32 $0xFFFFE000  }
0x9f: {  	[spmem:s31] =	stream.linear.scatter [tilespmem:s2], [sflag:$0x5], $0x400, $0x38;
	[tilespmem:$0x1D980] =	vst v63  }
0xa0: {  	_ =	swait.ge [sflag:s1], $0x400  }
0xa1: {  	[sflag:s1] =	ssyncset.done $0x0  }
0xa2: {  	s31 =	rddreg [dreg:$0xd];
	[sflag:s1] =	ssyncadd.s32 $0xFFFFFC00  }
0xa3: {  	[spmem:s31] =	stream.linear.scatter [tilespmem:s17], [sflag:$0x5], $0x2000, $0x38;
	[tilespmem:$0x1D980] =	vst v63  }
0xa4: {  	_ =	swait.ge [sflag:s1], $0x2000  }
0xa5: {  	s31 =	sld [smem:$0x7E9]  }
0xa6: {  	[sflag:s1] =	ssyncset.done $0x0  }
0xa7: {  	[sflag:s1] =	ssyncadd.s32 $0xFFFFE000  }
0xa8: {  	[spmem:s31] =	stream.linear.scatter [tilespmem:s2], [sflag:$0x5], $0x400, $0x38;
	[tilespmem:$0x1D980] =	vst v63  }
0xa9: {  	_ =	swait.ge [sflag:s1], $0x400  }
0xaa: {  	[sflag:s1] =	ssyncset.done $0x0  }
0xab: {  	s31 =	rddreg [dreg:$0xe];
	[sflag:s1] =	ssyncadd.s32 $0xFFFFFC00  }
0xac: {  	[spmem:s31] =	stream.linear.scatter [tilespmem:s17], [sflag:$0x5], $0x2000, $0x38;
	[tilespmem:$0x1D980] =	vst v63  }
0xad: {  	_ =	swait.ge [sflag:s1], $0x2000  }
0xae: {  	s31 =	sld [smem:$0x7EA]  }
0xaf: {  	[sflag:s1] =	ssyncset.done $0x0  }
0xb0: {  	[sflag:s1] =	ssyncadd.s32 $0xFFFFE000  }
0xb1: {  	[spmem:s31] =	stream.linear.scatter [tilespmem:s2], [sflag:$0x5], $0x400, $0x38;
	[tilespmem:$0x1D980] =	vst v63  }
0xb2: {  	_ =	swait.ge [sflag:s1], $0x400  }
0xb3: {  	s30 =	sld [smem:$0x7FC]  }
0xb4: {  	[sflag:s1] =	ssyncset.done $0x0  }
0xb5: {  	s31 =	simm.s32 $0x0;
	[sflag:s1] =	ssyncadd.s32 $0xFFFFFC00  }
0xb6: {  	[tilespmem:s31], [sflag:$0x5] =	stream.linear.gather [hbm4b:s30+s31], $0x80, $0x38;
	[tilespmem:$0x1D980] =	vst v63  }
0xb7: {  	_ =	swait.ge [sflag:s1], $0x80  }
0xb8: {  	[sflag:s1] =	ssyncset.done $0x0  }
0xb9: {  	[sflag:s1] =	ssyncadd.s32 $0xFFFFFF80  }
0xba: {  	[bflag:$0x0] =	sbarrier.arrive $0xFFFF  }
0xbb: {  	s30 =	sld [smem:$0x7F7];
	_ =	sdelay $0x2  }
0xbc: {  	[tilespmem:s3], [sflag:$0x3] =	stream.linear.gather [hbm4b:s30+s31], $0x40, $0x38;
	[tilespmem:$0x1D980] =	vst v63  }
0xbd: {  	s30 =	sld [smem:$0x7F8];
	_ =	sdelay $0x2  }
0xbe: {  	[tilespmem:s4], [sflag:$0x3] =	stream.linear.gather [hbm4b:s30+s31], $0x40, $0x38;
	[tilespmem:$0x1D980] =	vst v63  }
0xbf: {  	_ =	swait.ge [sflag:s5], $0x40  }
0xc0: {  	[sflag:s5] =	ssyncset.done $0x0  }
0xc1: {  	[sflag:s5] =	ssyncadd.s32 $0xFFFFFFC0  }
0xc2: {  	_ =	swait.ge [sflag:s5], $0x40  }
0xc3: {  	s30 =	sld [smem:$0x7F5]  }
0xc4: {  	[sflag:s5] =	ssyncset.done $0x0  }
0xc5: {  	[sflag:s5] =	ssyncadd.s32 $0xFFFFFFC0  }
0xc6: {  	[tilespmem:s6], [sflag:$0x4] =	stream.linear.gather [hbm4b:s30+s31], $0x40, $0x38;
	[tilespmem:$0x1D980] =	vst v63  }
0xc7: {  	s30 =	sld [smem:$0x7F6];
	_ =	sdelay $0x2  }
0xc8: {  	[tilespmem:s7], [sflag:$0x4] =	stream.linear.gather [hbm4b:s30+s31], $0x40, $0x38;
	[tilespmem:$0x1D980] =	vst v63  }
0xc9: {  	_ = 	snop  }
0xca: {  	[tilespmem:s9], [sflag:$0x1] =	stream.indirect.gather [hbm4b:s13+s8], $0x40, s3, s8, $0xb8;
	[tilespmem:$0x1D980] =	vst v63  }
0xcb: {  	_ = 	snop  }
0xcc: {  	[tilespmem:s10], [sflag:$0x1] =	stream.indirect.gather [hbm4b:s16+s8], $0x40, s4, s8, $0xb8;
	[tilespmem:$0x1D980] =	vst v63  }
0xcd: {  	_ = 	snop  }
0xce: {  	[tilespmem:s21], [sflag:$0x1] =	stream.indirect.gather [hbm4b:s0+s8], $0x10, s4, s8, $0xb8;
	[tilespmem:$0x1D980] =	vst v63  }
0xcf: {  	_ =	swait.ge [sflag:s22], $0x1000  }
0xd0: {  	[sflag:s22] =	ssyncset.done $0x0  }
0xd1: {  	[sflag:s22] =	ssyncadd.s32 $0xFFFFF000  }
0xd2: {  	_ =	swait.ge [sflag:s22], $0x1000  }
0xd3: {  	[sflag:s22] =	ssyncset.done $0x0  }
0xd4: {  	[sflag:s22] =	ssyncadd.s32 $0xFFFFF000  }
0xd5: {  	_ =	swait.ge [sflag:s22], $0x400  }
0xd6: {  	[sflag:s22] =	ssyncset.done $0x0  }
0xd7: {  	[sflag:s22] =	ssyncadd.s32 $0xFFFFFC00  }
0xd8: {  	_ =	swait.ge [sflag:s23], $0x40  }
0xd9: {  	[sflag:s23] =	ssyncset.done $0x0  }
0xda: {  	[sflag:s23] =	ssyncadd.s32 $0xFFFFFFC0  }
0xdb: {  	_ =	swait.ge [sflag:s23], $0x40  }
0xdc: {  	[sflag:s23] =	ssyncset.done $0x0  }
0xdd: {  	[sflag:s23] =	ssyncadd.s32 $0xFFFFFFC0  }
0xde: {  	[tilespmem:s24], [sflag:$0x2] =	stream.indirect.gather [hbm4b:s13+s8], $0x40, s6, s8, $0xb8;
	[tilespmem:$0x1D980] =	vst v63  }
0xdf: {  	_ = 	snop  }
0xe0: {  	[tilespmem:s25], [sflag:$0x2] =	stream.indirect.gather [hbm4b:s16+s8], $0x40, s7, s8, $0xb8;
	[tilespmem:$0x1D980] =	vst v63  }
0xe1: {  	_ = 	snop  }
0xe2: {  	[tilespmem:s26], [sflag:$0x2] =	stream.indirect.gather [hbm4b:s0+s8], $0x10, s7, s8, $0xb8;
	[tilespmem:$0x1D980] =	vst v63  }
0xe3: {  	s31 =	sadd.s32 $0x0, s19  }
0xe4: {  	[tilespmem:s3], [sflag:$0x3] =	stream.linear.gather [hbm4b:s31+s20], $0x40, $0x38;
	[tilespmem:$0x1D980] =	vst v63  }
0xe5: {  	s31 =	sadd.s32 $0x0, s18  }
0xe6: {  	[tilespmem:s4], [sflag:$0x3] =	stream.linear.gather [hbm4b:s31+s20], $0x40, $0x38;
	[tilespmem:$0x1D980] =	vst v63  }
0xe7: {  	_ =	swait.ge [sflag:s28], $0x1000  }
0xe8: {  	[sflag:s28] =	ssyncset.done $0x0  }
0xe9: {  	[sflag:s28] =	ssyncadd.s32 $0xFFFFF000  }
0xea: {  	_ =	swait.ge [sflag:s28], $0x1000  }
0xeb: {  	[sflag:s28] =	ssyncset.done $0x0  }
0xec: {  	[sflag:s28] =	ssyncadd.s32 $0xFFFFF000  }
0xed: {  	_ =	swait.ge [sflag:s28], $0x400  }
0xee: {  	[sflag:s28] =	ssyncset.done $0x0  }
0xef: {  	[sflag:s28] =	ssyncadd.s32 $0xFFFFFC00  }
0xf0: {  	_ =	swait.ge [sflag:s5], $0x40  }
0xf1: {  	[sflag:s5] =	ssyncset.done $0x0  }
0xf2: {  	[sflag:s5] =	ssyncadd.s32 $0xFFFFFFC0  }
0xf3: {  	_ =	swait.ge [sflag:s5], $0x40  }
0xf4: {  	[sflag:s5] =	ssyncset.done $0x0  }
0xf5: {  	[sflag:s5] =	ssyncadd.s32 $0xFFFFFFC0  }
0xf6: {  	[tilespmem:s9], [sflag:$0x1] =	stream.indirect.gather [hbm4b:s13+s8], $0x40, s3, s8, $0xb8;
	[tilespmem:$0x1D980] =	vst v63  }
0xf7: {  	_ = 	snop  }
0xf8: {  	[tilespmem:s10], [sflag:$0x1] =	stream.indirect.gather [hbm4b:s16+s8], $0x40, s4, s8, $0xb8;
	[tilespmem:$0x1D980] =	vst v63  }
0xf9: {  	_ = 	snop  }
0xfa: {  	[tilespmem:s21], [sflag:$0x1] =	stream.indirect.gather [hbm4b:s0+s8], $0x10, s4, s8, $0xb8;
	[tilespmem:$0x1D980] =	vst v63  }
0xfb: {  	s14 =	sadd.s32 $0x0, s11;
	s30 =	simm.s32 $0x10;
	s31 =	sadd.s32 $0x0, s12  }
0xfc: {  	[tilespmem:s6], [sflag:$0x4] =	stream.linear.gather [hbm4b:s31+s20], $0x40, $0x38;
	[tilespmem:$0x1D980] =	vst v63  }
.LBB2_4:
0xfd: {  	[tilespmem:s7], [sflag:$0x4] =	stream.linear.gather [hbm4b:s14+s20], $0x40, $0x38;
	[tilespmem:$0x1D980] =	vst v63  }
0xfe: {  	s31 =	smov.u32 s30  }
0xff: {  	p0 =	sne.s32 s30, $0x4F0;
	s30 =	sadd.s32 $0x10, s30;
	_ =	swait.ge [sflag:s22], $0x1000  }
0x100: {  	[sflag:s22] =	ssyncset.done $0x0  }
0x101: {  	[sflag:s22] =	ssyncadd.s32 $0xFFFFF000  }
0x102: {  	_ =	swait.ge [sflag:s22], $0x1000  }
0x103: {  	[sflag:s22] =	ssyncset.done $0x0  }
0x104: {  	[sflag:s22] =	ssyncadd.s32 $0xFFFFF000  }
0x105: {  	_ =	swait.ge [sflag:s22], $0x400  }
0x106: {  	[sflag:s22] =	ssyncset.done $0x0  }
0x107: {  	[sflag:s22] =	ssyncadd.s32 $0xFFFFFC00  }
0x108: {  	_ =	swait.ge [sflag:s23], $0x40  }
0x109: {  	[sflag:s23] =	ssyncset.done $0x0  }
0x10a: {  	[sflag:s23] =	ssyncadd.s32 $0xFFFFFFC0  }
0x10b: {  	_ =	swait.ge [sflag:s23], $0x40  }
0x10c: {  	[sflag:s23] =	ssyncset.done $0x0  }
0x10d: {  	[sflag:s23] =	ssyncadd.s32 $0xFFFFFFC0  }
0x10e: {  	[tilespmem:s24], [sflag:$0x2] =	stream.indirect.gather [hbm4b:s13+s8], $0x40, s6, s8, $0xb8;
	[tilespmem:$0x1D980] =	vst v63  }
0x10f: {  	_ = 	snop  }
0x110: {  	[tilespmem:s25], [sflag:$0x2] =	stream.indirect.gather [hbm4b:s16+s8], $0x40, s7, s8, $0xb8;
	[tilespmem:$0x1D980] =	vst v63  }
0x111: {  	_ = 	snop  }
0x112: {  	[tilespmem:s26], [sflag:$0x2] =	stream.indirect.gather [hbm4b:s0+s8], $0x10, s7, s8, $0xb8;
	[tilespmem:$0x1D980] =	vst v63  }
0x113: {  	s14 =	sadd.s32 s31, s19  }
0x114: {  	[tilespmem:s3], [sflag:$0x3] =	stream.linear.gather [hbm4b:s14+s20], $0x40, $0x38;
	[tilespmem:$0x1D980] =	vst v63  }
0x115: {  	s14 =	sadd.s32 s31, s18  }
0x116: {  	[tilespmem:s4], [sflag:$0x3] =	stream.linear.gather [hbm4b:s14+s20], $0x40, $0x38;
	[tilespmem:$0x1D980] =	vst v63  }
0x117: {  	_ =	swait.ge [sflag:s28], $0x1000  }
0x118: {  	[sflag:s28] =	ssyncset.done $0x0  }
0x119: {  	[sflag:s28] =	ssyncadd.s32 $0xFFFFF000  }
0x11a: {  	_ =	swait.ge [sflag:s28], $0x1000  }
0x11b: {  	[sflag:s28] =	ssyncset.done $0x0  }
0x11c: {  	[sflag:s28] =	ssyncadd.s32 $0xFFFFF000  }
0x11d: {  	_ =	swait.ge [sflag:s28], $0x400  }
0x11e: {  	[sflag:s28] =	ssyncset.done $0x0  }
0x11f: {  	[sflag:s28] =	ssyncadd.s32 $0xFFFFFC00  }
0x120: {  	_ =	swait.ge [sflag:s5], $0x40  }
0x121: {  	[sflag:s5] =	ssyncset.done $0x0  }
0x122: {  	[sflag:s5] =	ssyncadd.s32 $0xFFFFFFC0  }
0x123: {  	_ =	swait.ge [sflag:s5], $0x40  }
0x124: {  	[sflag:s5] =	ssyncset.done $0x0  }
0x125: {  	[sflag:s5] =	ssyncadd.s32 $0xFFFFFFC0  }
0x126: {  	[tilespmem:s9], [sflag:$0x1] =	stream.indirect.gather [hbm4b:s13+s8], $0x40, s3, s8, $0xb8;
	[tilespmem:$0x1D980] =	vst v63  }
0x127: {  	_ = 	snop  }
0x128: {  	[tilespmem:s10], [sflag:$0x1] =	stream.indirect.gather [hbm4b:s16+s8], $0x40, s4, s8, $0xb8;
	[tilespmem:$0x1D980] =	vst v63  }
.Ltmp1:
0x129: {  	(pc) =	sbr.rel @p0 .LBB2_4-.Ltmp1, $4  }
0x12a: {  	[tilespmem:s21], [sflag:$0x1] =	stream.indirect.gather [hbm4b:s0+s8], $0x10, s4, s8, $0xb8;
	[tilespmem:$0x1D980] =	vst v63  }
0x12b: {  	s14 =	sadd.s32 s31, s12  }
0x12c: {  	[tilespmem:s6], [sflag:$0x4] =	stream.linear.gather [hbm4b:s14+s20], $0x40, $0x38;
	[tilespmem:$0x1D980] =	vst v63  }
0x12d: {  	s14 =	sadd.s32 s31, s11  }
0x12e: {  	[tilespmem:s7], [sflag:$0x4] =	stream.linear.gather [hbm4b:s14+s20], $0x40, $0x38;
	[tilespmem:$0x1D980] =	vst v63  }
0x12f: {  	_ =	swait.ge [sflag:s22], $0x1000  }
0x130: {  	[sflag:s22] =	ssyncset.done $0x0  }
0x131: {  	[sflag:s22] =	ssyncadd.s32 $0xFFFFF000  }
0x132: {  	_ =	swait.ge [sflag:s22], $0x1000  }
0x133: {  	[sflag:s22] =	ssyncset.done $0x0  }
0x134: {  	[sflag:s22] =	ssyncadd.s32 $0xFFFFF000  }
0x135: {  	_ =	swait.ge [sflag:s22], $0x400  }
0x136: {  	[sflag:s22] =	ssyncset.done $0x0  }
0x137: {  	[sflag:s22] =	ssyncadd.s32 $0xFFFFFC00  }
0x138: {  	_ =	swait.ge [sflag:s23], $0x40  }
0x139: {  	[sflag:s23] =	ssyncset.done $0x0  }
0x13a: {  	[sflag:s23] =	ssyncadd.s32 $0xFFFFFFC0  }
0x13b: {  	_ =	swait.ge [sflag:s23], $0x40  }
0x13c: {  	[sflag:s23] =	ssyncset.done $0x0  }
0x13d: {  	[sflag:s23] =	ssyncadd.s32 $0xFFFFFFC0  }
0x13e: {  	[tilespmem:s24], [sflag:$0x2] =	stream.indirect.gather [hbm4b:s13+s8], $0x40, s6, s8, $0xb8;
	[tilespmem:$0x1D980] =	vst v63  }
0x13f: {  	_ = 	snop  }
0x140: {  	[tilespmem:s25], [sflag:$0x2] =	stream.indirect.gather [hbm4b:s16+s8], $0x40, s7, s8, $0xb8;
	[tilespmem:$0x1D980] =	vst v63  }
0x141: {  	s30 =	sld [smem:$0x7FA]  }
0x142: {  	[tilespmem:s26], [sflag:$0x2] =	stream.indirect.gather [hbm4b:s0+s8], $0x10, s7, s8, $0xb8;
	[tilespmem:$0x1D980] =	vst v63  }
0x143: {  	s31 =	sld [smem:$0x7FB]  }
0x144: {  	[tilespmem:s3], [sflag:$0x3] =	stream.linear.gather [hbm4b:s30+s20], $0x40, $0x38;
	[tilespmem:$0x1D980] =	vst v63  }
0x145: {  	_ = 	snop  }
0x146: {  	[tilespmem:s4], [sflag:$0x3] =	stream.linear.gather [hbm4b:s31+s20], $0x40, $0x38;
	[tilespmem:$0x1D980] =	vst v63  }
0x147: {  	_ =	swait.ge [sflag:s28], $0x1000  }
0x148: {  	[sflag:s28] =	ssyncset.done $0x0  }
0x149: {  	[sflag:s28] =	ssyncadd.s32 $0xFFFFF000  }
0x14a: {  	_ =	swait.ge [sflag:s28], $0x1000  }
0x14b: {  	[sflag:s28] =	ssyncset.done $0x0  }
0x14c: {  	[sflag:s28] =	ssyncadd.s32 $0xFFFFF000  }
0x14d: {  	_ =	swait.ge [sflag:s28], $0x400  }
0x14e: {  	[sflag:s28] =	ssyncset.done $0x0  }
0x14f: {  	[sflag:s28] =	ssyncadd.s32 $0xFFFFFC00  }
0x150: {  	_ =	swait.ge [sflag:s5], $0x40  }
0x151: {  	[sflag:s5] =	ssyncset.done $0x0  }
0x152: {  	[sflag:s5] =	ssyncadd.s32 $0xFFFFFFC0  }
0x153: {  	_ =	swait.ge [sflag:s5], $0x40  }
0x154: {  	[sflag:s5] =	ssyncset.done $0x0  }
0x155: {  	[sflag:s5] =	ssyncadd.s32 $0xFFFFFFC0  }
0x156: {  	[tilespmem:s9], [sflag:$0x1] =	stream.indirect.gather [hbm4b:s13+s8], $0x40, s3, s8, $0xb8;
	[tilespmem:$0x1D980] =	vst v63  }
0x157: {  	_ = 	snop  }
0x158: {  	[tilespmem:s10], [sflag:$0x1] =	stream.indirect.gather [hbm4b:s16+s8], $0x40, s4, s8, $0xb8;
	[tilespmem:$0x1D980] =	vst v63  }
0x159: {  	s30 =	sld [smem:$0x7F9]  }
0x15a: {  	[tilespmem:s21], [sflag:$0x1] =	stream.indirect.gather [hbm4b:s0+s8], $0x10, s4, s8, $0xb8;
	[tilespmem:$0x1D980] =	vst v63  }
0x15b: {  	_ = 	snop  }
0x15c: {  	[tilespmem:s6], [sflag:$0x4] =	stream.linear.gather [hbm4b:s30+s20], $0x40, $0x38;
	[tilespmem:$0x1D980] =	vst v63  }
0x15d: {  	_ = 	snop  }
0x15e: {  	[tilespmem:s7], [sflag:$0x4] =	stream.linear.gather [hbm4b:s15+s20], $0x40, $0x38;
	[tilespmem:$0x1D980] =	vst v63  }
0x15f: {  	_ =	swait.ge [sflag:s22], $0x1000  }
0x160: {  	[sflag:s22] =	ssyncset.done $0x0  }
0x161: {  	[sflag:s22] =	ssyncadd.s32 $0xFFFFF000  }
0x162: {  	_ =	swait.ge [sflag:s22], $0x1000  }
0x163: {  	[sflag:s22] =	ssyncset.done $0x0  }
0x164: {  	[sflag:s22] =	ssyncadd.s32 $0xFFFFF000  }
0x165: {  	_ =	swait.ge [sflag:s22], $0x400  }
0x166: {  	[sflag:s22] =	ssyncset.done $0x0  }
0x167: {  	[sflag:s22] =	ssyncadd.s32 $0xFFFFFC00  }
0x168: {  	_ =	swait.ge [sflag:s23], $0x40  }
0x169: {  	[sflag:s23] =	ssyncset.done $0x0  }
0x16a: {  	[sflag:s23] =	ssyncadd.s32 $0xFFFFFFC0  }
0x16b: {  	_ =	swait.ge [sflag:s23], $0x40  }
0x16c: {  	[sflag:s23] =	ssyncset.done $0x0  }
0x16d: {  	[sflag:s23] =	ssyncadd.s32 $0xFFFFFFC0  }
0x16e: {  	[tilespmem:s24], [sflag:$0x2] =	stream.indirect.gather [hbm4b:s13+s8], $0x40, s6, s8, $0xb8;
	[tilespmem:$0x1D980] =	vst v63  }
0x16f: {  	_ = 	snop  }
0x170: {  	[tilespmem:s25], [sflag:$0x2] =	stream.indirect.gather [hbm4b:s16+s8], $0x40, s7, s8, $0xb8;
	[tilespmem:$0x1D980] =	vst v63  }
0x171: {  	_ = 	snop  }
0x172: {  	[tilespmem:s26], [sflag:$0x2] =	stream.indirect.gather [hbm4b:s0+s8], $0x10, s7, s8, $0xb8;
	[tilespmem:$0x1D980] =	vst v63  }
0x173: {  	_ = 	snop  }
0x174: {  	[tilespmem:s3], [sflag:$0x3] =	stream.linear.gather [hbm4b:s30+s20], $0x40, $0x38;
	[tilespmem:$0x1D980] =	vst v63  }
0x175: {  	_ = 	snop  }
0x176: {  	[tilespmem:s4], [sflag:$0x3] =	stream.linear.gather [hbm4b:s15+s20], $0x40, $0x38;
	[tilespmem:$0x1D980] =	vst v63  }
0x177: {  	_ =	swait.ge [sflag:s28], $0x1000  }
0x178: {  	[sflag:s28] =	ssyncset.done $0x0  }
0x179: {  	[sflag:s28] =	ssyncadd.s32 $0xFFFFF000  }
0x17a: {  	_ =	swait.ge [sflag:s28], $0x1000  }
0x17b: {  	[sflag:s28] =	ssyncset.done $0x0  }
0x17c: {  	[sflag:s28] =	ssyncadd.s32 $0xFFFFF000  }
0x17d: {  	_ =	swait.ge [sflag:s28], $0x400  }
0x17e: {  	[sflag:s28] =	ssyncset.done $0x0  }
0x17f: {  	[sflag:s28] =	ssyncadd.s32 $0xFFFFFC00  }
0x180: {  	_ =	swait.ge [sflag:s5], $0x40  }
0x181: {  	[sflag:s5] =	ssyncset.done $0x0  }
0x182: {  	[sflag:s5] =	ssyncadd.s32 $0xFFFFFFC0  }
0x183: {  	_ =	swait.ge [sflag:s5], $0x40  }
0x184: {  	[sflag:s5] =	ssyncset.done $0x0  }
0x185: {  	[sflag:s5] =	ssyncadd.s32 $0xFFFFFFC0  }
0x186: {  	[tilespmem:s9], [sflag:$0x1] =	stream.indirect.gather [hbm4b:s13+s8], $0x40, s3, s8, $0xb8;
	[tilespmem:$0x1D980] =	vst v63  }
0x187: {  	_ = 	snop  }
0x188: {  	[tilespmem:s10], [sflag:$0x1] =	stream.indirect.gather [hbm4b:s16+s8], $0x40, s4, s8, $0xb8;
	[tilespmem:$0x1D980] =	vst v63  }
0x189: {  	_ = 	snop  }
0x18a: {  	[tilespmem:s21], [sflag:$0x1] =	stream.indirect.gather [hbm4b:s0+s8], $0x10, s4, s8, $0xb8;
	[tilespmem:$0x1D980] =	vst v63  }
0x18b: {  	_ = 	snop  }
0x18c: {  	[tilespmem:s6], [sflag:$0x4] =	stream.linear.gather [hbm4b:s30+s20], $0x40, $0x38;
	[tilespmem:$0x1D980] =	vst v63  }
0x18d: {  	_ = 	snop  }
0x18e: {  	[tilespmem:s7], [sflag:$0x4] =	stream.linear.gather [hbm4b:s15+s20], $0x40, $0x38;
	[tilespmem:$0x1D980] =	vst v63  }
0x18f: {  	_ =	swait.ge [sflag:s22], $0x1000  }
0x190: {  	[sflag:s22] =	ssyncset.done $0x0  }
0x191: {  	[sflag:s22] =	ssyncadd.s32 $0xFFFFF000  }
0x192: {  	_ =	swait.ge [sflag:s22], $0x1000  }
0x193: {  	[sflag:s22] =	ssyncset.done $0x0  }
0x194: {  	[sflag:s22] =	ssyncadd.s32 $0xFFFFF000  }
0x195: {  	_ =	swait.ge [sflag:s22], $0x400  }
0x196: {  	[sflag:s22] =	ssyncset.done $0x0  }
0x197: {  	[sflag:s22] =	ssyncadd.s32 $0xFFFFFC00  }
0x198: {  	_ =	swait.ge [sflag:s23], $0x40  }
0x199: {  	[sflag:s23] =	ssyncset.done $0x0  }
0x19a: {  	[sflag:s23] =	ssyncadd.s32 $0xFFFFFFC0  }
0x19b: {  	_ =	swait.ge [sflag:s23], $0x40  }
0x19c: {  	[sflag:s23] =	ssyncset.done $0x0  }
0x19d: {  	[sflag:s23] =	ssyncadd.s32 $0xFFFFFFC0  }
0x19e: {  	[bflag:$0x0] =	sbarrier.arrive $0xFFFF  }
0x19f: {  	s31 =	rddreg [dreg:$0x5]  }
0x1a0: {  	[tilespmem:s17], [sflag:$0x5] =	stream.linear.gather [spmem:s31], $0x2000, $0x38;
	[tilespmem:$0x1D980] =	vst v63  }
0x1a1: {  	_ =	swait.ge [sflag:s1], $0x2000  }
0x1a2: {  	[sflag:s1] =	ssyncset.done $0x0  }
0x1a3: {  	s30 =	rddreg [dreg:$0xf];
	[sflag:s1] =	ssyncadd.s32 $0xFFFFE000  }
0x1a4: {  	[hbm4b:s30+s20] =	stream.linear.scatter [tilespmem:s17], [sflag:$0x5], $0x2000, $0x38;
	[tilespmem:$0x1D980] =	vst v63  }
0x1a5: {  	_ =	swait.ge [sflag:s1], $0x2000  }
0x1a6: {  	[sflag:s1] =	ssyncset.done $0x0  }
0x1a7: {  	s31 =	rddreg [dreg:$0x19];
	[sflag:s1] =	ssyncadd.s32 $0xFFFFE000  }
0x1a8: {  	[tilespmem:s2], [sflag:$0x5] =	stream.linear.gather [spmem:s31], $0x400, $0x38;
	[tilespmem:$0x1D980] =	vst v63  }
0x1a9: {  	_ =	swait.ge [sflag:s1], $0x400  }
0x1aa: {  	s30 =	sld [smem:$0x7EB]  }
0x1ab: {  	[sflag:s1] =	ssyncset.done $0x0  }
0x1ac: {  	[sflag:s1] =	ssyncadd.s32 $0xFFFFFC00  }
0x1ad: {  	[hbm4b:s30+s20] =	stream.linear.scatter [tilespmem:s2], [sflag:$0x5], $0x400, $0x38;
	[tilespmem:$0x1D980] =	vst v63  }
0x1ae: {  	_ =	swait.ge [sflag:s1], $0x400  }
0x1af: {  	[sflag:s1] =	ssyncset.done $0x0  }
0x1b0: {  	s31 =	rddreg [dreg:$0x6];
	[sflag:s1] =	ssyncadd.s32 $0xFFFFFC00  }
0x1b1: {  	[tilespmem:s17], [sflag:$0x5] =	stream.linear.gather [spmem:s31], $0x2000, $0x38;
	[tilespmem:$0x1D980] =	vst v63  }
0x1b2: {  	_ =	swait.ge [sflag:s1], $0x2000  }
0x1b3: {  	[sflag:s1] =	ssyncset.done $0x0  }
0x1b4: {  	s30 =	rddreg [dreg:$0x10];
	[sflag:s1] =	ssyncadd.s32 $0xFFFFE000  }
0x1b5: {  	[hbm4b:s30+s20] =	stream.linear.scatter [tilespmem:s17], [sflag:$0x5], $0x2000, $0x38;
	[tilespmem:$0x1D980] =	vst v63  }
0x1b6: {  	_ =	swait.ge [sflag:s1], $0x2000  }
0x1b7: {  	[sflag:s1] =	ssyncset.done $0x0  }
0x1b8: {  	s31 =	rddreg [dreg:$0x1a];
	[sflag:s1] =	ssyncadd.s32 $0xFFFFE000  }
0x1b9: {  	[tilespmem:s2], [sflag:$0x5] =	stream.linear.gather [spmem:s31], $0x400, $0x38;
	[tilespmem:$0x1D980] =	vst v63  }
0x1ba: {  	_ =	swait.ge [sflag:s1], $0x400  }
0x1bb: {  	s30 =	sld [smem:$0x7EC]  }
0x1bc: {  	[sflag:s1] =	ssyncset.done $0x0  }
0x1bd: {  	[sflag:s1] =	ssyncadd.s32 $0xFFFFFC00  }
0x1be: {  	[hbm4b:s30+s20] =	stream.linear.scatter [tilespmem:s2], [sflag:$0x5], $0x400, $0x38;
	[tilespmem:$0x1D980] =	vst v63  }
0x1bf: {  	_ =	swait.ge [sflag:s1], $0x400  }
0x1c0: {  	[sflag:s1] =	ssyncset.done $0x0  }
0x1c1: {  	s31 =	rddreg [dreg:$0x7];
	[sflag:s1] =	ssyncadd.s32 $0xFFFFFC00  }
0x1c2: {  	[tilespmem:s17], [sflag:$0x5] =	stream.linear.gather [spmem:s31], $0x2000, $0x38;
	[tilespmem:$0x1D980] =	vst v63  }
0x1c3: {  	_ =	swait.ge [sflag:s1], $0x2000  }
0x1c4: {  	[sflag:s1] =	ssyncset.done $0x0  }
0x1c5: {  	s30 =	rddreg [dreg:$0x11];
	[sflag:s1] =	ssyncadd.s32 $0xFFFFE000  }
0x1c6: {  	[hbm4b:s30+s20] =	stream.linear.scatter [tilespmem:s17], [sflag:$0x5], $0x2000, $0x38;
	[tilespmem:$0x1D980] =	vst v63  }
0x1c7: {  	_ =	swait.ge [sflag:s1], $0x2000  }
0x1c8: {  	[sflag:s1] =	ssyncset.done $0x0  }
0x1c9: {  	s31 =	rddreg [dreg:$0x1b];
	[sflag:s1] =	ssyncadd.s32 $0xFFFFE000  }
0x1ca: {  	[tilespmem:s2], [sflag:$0x5] =	stream.linear.gather [spmem:s31], $0x400, $0x38;
	[tilespmem:$0x1D980] =	vst v63  }
0x1cb: {  	_ =	swait.ge [sflag:s1], $0x400  }
0x1cc: {  	s30 =	sld [smem:$0x7ED]  }
0x1cd: {  	[sflag:s1] =	ssyncset.done $0x0  }
0x1ce: {  	[sflag:s1] =	ssyncadd.s32 $0xFFFFFC00  }
0x1cf: {  	[hbm4b:s30+s20] =	stream.linear.scatter [tilespmem:s2], [sflag:$0x5], $0x400, $0x38;
	[tilespmem:$0x1D980] =	vst v63  }
0x1d0: {  	_ =	swait.ge [sflag:s1], $0x400  }
0x1d1: {  	[sflag:s1] =	ssyncset.done $0x0  }
0x1d2: {  	s31 =	rddreg [dreg:$0x8];
	[sflag:s1] =	ssyncadd.s32 $0xFFFFFC00  }
0x1d3: {  	[tilespmem:s17], [sflag:$0x5] =	stream.linear.gather [spmem:s31], $0x2000, $0x38;
	[tilespmem:$0x1D980] =	vst v63  }
0x1d4: {  	_ =	swait.ge [sflag:s1], $0x2000  }
0x1d5: {  	[sflag:s1] =	ssyncset.done $0x0  }
0x1d6: {  	s30 =	rddreg [dreg:$0x12];
	[sflag:s1] =	ssyncadd.s32 $0xFFFFE000  }
0x1d7: {  	[hbm4b:s30+s20] =	stream.linear.scatter [tilespmem:s17], [sflag:$0x5], $0x2000, $0x38;
	[tilespmem:$0x1D980] =	vst v63  }
0x1d8: {  	_ =	swait.ge [sflag:s1], $0x2000  }
0x1d9: {  	[sflag:s1] =	ssyncset.done $0x0  }
0x1da: {  	s31 =	rddreg [dreg:$0x1c];
	[sflag:s1] =	ssyncadd.s32 $0xFFFFE000  }
0x1db: {  	[tilespmem:s2], [sflag:$0x5] =	stream.linear.gather [spmem:s31], $0x400, $0x38;
	[tilespmem:$0x1D980] =	vst v63  }
0x1dc: {  	_ =	swait.ge [sflag:s1], $0x400  }
0x1dd: {  	s30 =	sld [smem:$0x7EE]  }
0x1de: {  	[sflag:s1] =	ssyncset.done $0x0  }
0x1df: {  	[sflag:s1] =	ssyncadd.s32 $0xFFFFFC00  }
0x1e0: {  	[hbm4b:s30+s20] =	stream.linear.scatter [tilespmem:s2], [sflag:$0x5], $0x400, $0x38;
	[tilespmem:$0x1D980] =	vst v63  }
0x1e1: {  	_ =	swait.ge [sflag:s1], $0x400  }
0x1e2: {  	[sflag:s1] =	ssyncset.done $0x0  }
0x1e3: {  	s31 =	rddreg [dreg:$0x9];
	[sflag:s1] =	ssyncadd.s32 $0xFFFFFC00  }
0x1e4: {  	[tilespmem:s17], [sflag:$0x5] =	stream.linear.gather [spmem:s31], $0x2000, $0x38;
	[tilespmem:$0x1D980] =	vst v63  }
0x1e5: {  	_ =	swait.ge [sflag:s1], $0x2000  }
0x1e6: {  	[sflag:s1] =	ssyncset.done $0x0  }
0x1e7: {  	s30 =	rddreg [dreg:$0x13];
	[sflag:s1] =	ssyncadd.s32 $0xFFFFE000  }
0x1e8: {  	[hbm4b:s30+s20] =	stream.linear.scatter [tilespmem:s17], [sflag:$0x5], $0x2000, $0x38;
	[tilespmem:$0x1D980] =	vst v63  }
0x1e9: {  	_ =	swait.ge [sflag:s1], $0x2000  }
0x1ea: {  	[sflag:s1] =	ssyncset.done $0x0  }
0x1eb: {  	s31 =	rddreg [dreg:$0x1d];
	[sflag:s1] =	ssyncadd.s32 $0xFFFFE000  }
0x1ec: {  	[tilespmem:s2], [sflag:$0x5] =	stream.linear.gather [spmem:s31], $0x400, $0x38;
	[tilespmem:$0x1D980] =	vst v63  }
0x1ed: {  	_ =	swait.ge [sflag:s1], $0x400  }
0x1ee: {  	s30 =	sld [smem:$0x7EF]  }
0x1ef: {  	[sflag:s1] =	ssyncset.done $0x0  }
0x1f0: {  	[sflag:s1] =	ssyncadd.s32 $0xFFFFFC00  }
0x1f1: {  	[hbm4b:s30+s20] =	stream.linear.scatter [tilespmem:s2], [sflag:$0x5], $0x400, $0x38;
	[tilespmem:$0x1D980] =	vst v63  }
0x1f2: {  	_ =	swait.ge [sflag:s1], $0x400  }
0x1f3: {  	[sflag:s1] =	ssyncset.done $0x0  }
0x1f4: {  	s31 =	rddreg [dreg:$0xa];
	[sflag:s1] =	ssyncadd.s32 $0xFFFFFC00  }
0x1f5: {  	[tilespmem:s17], [sflag:$0x5] =	stream.linear.gather [spmem:s31], $0x2000, $0x38;
	[tilespmem:$0x1D980] =	vst v63  }
0x1f6: {  	_ =	swait.ge [sflag:s1], $0x2000  }
0x1f7: {  	[sflag:s1] =	ssyncset.done $0x0  }
0x1f8: {  	s30 =	rddreg [dreg:$0x14];
	[sflag:s1] =	ssyncadd.s32 $0xFFFFE000  }
0x1f9: {  	[hbm4b:s30+s20] =	stream.linear.scatter [tilespmem:s17], [sflag:$0x5], $0x2000, $0x38;
	[tilespmem:$0x1D980] =	vst v63  }
0x1fa: {  	_ =	swait.ge [sflag:s1], $0x2000  }
0x1fb: {  	[sflag:s1] =	ssyncset.done $0x0  }
0x1fc: {  	s31 =	rddreg [dreg:$0x1e];
	[sflag:s1] =	ssyncadd.s32 $0xFFFFE000  }
0x1fd: {  	[tilespmem:s2], [sflag:$0x5] =	stream.linear.gather [spmem:s31], $0x400, $0x38;
	[tilespmem:$0x1D980] =	vst v63  }
0x1fe: {  	_ =	swait.ge [sflag:s1], $0x400  }
0x1ff: {  	s30 =	sld [smem:$0x7F0]  }
0x200: {  	[sflag:s1] =	ssyncset.done $0x0  }
0x201: {  	[sflag:s1] =	ssyncadd.s32 $0xFFFFFC00  }
0x202: {  	[hbm4b:s30+s20] =	stream.linear.scatter [tilespmem:s2], [sflag:$0x5], $0x400, $0x38;
	[tilespmem:$0x1D980] =	vst v63  }
0x203: {  	_ =	swait.ge [sflag:s1], $0x400  }
0x204: {  	[sflag:s1] =	ssyncset.done $0x0  }
0x205: {  	s31 =	rddreg [dreg:$0xb];
	[sflag:s1] =	ssyncadd.s32 $0xFFFFFC00  }
0x206: {  	[tilespmem:s17], [sflag:$0x5] =	stream.linear.gather [spmem:s31], $0x2000, $0x38;
	[tilespmem:$0x1D980] =	vst v63  }
0x207: {  	_ =	swait.ge [sflag:s1], $0x2000  }
0x208: {  	[sflag:s1] =	ssyncset.done $0x0  }
0x209: {  	s30 =	rddreg [dreg:$0x15];
	[sflag:s1] =	ssyncadd.s32 $0xFFFFE000  }
0x20a: {  	[hbm4b:s30+s20] =	stream.linear.scatter [tilespmem:s17], [sflag:$0x5], $0x2000, $0x38;
	[tilespmem:$0x1D980] =	vst v63  }
0x20b: {  	_ =	swait.ge [sflag:s1], $0x2000  }
0x20c: {  	[sflag:s1] =	ssyncset.done $0x0  }
0x20d: {  	s31 =	rddreg [dreg:$0x1f];
	[sflag:s1] =	ssyncadd.s32 $0xFFFFE000  }
0x20e: {  	[tilespmem:s2], [sflag:$0x5] =	stream.linear.gather [spmem:s31], $0x400, $0x38;
	[tilespmem:$0x1D980] =	vst v63  }
0x20f: {  	_ =	swait.ge [sflag:s1], $0x400  }
0x210: {  	s30 =	sld [smem:$0x7F1]  }
0x211: {  	[sflag:s1] =	ssyncset.done $0x0  }
0x212: {  	[sflag:s1] =	ssyncadd.s32 $0xFFFFFC00  }
0x213: {  	[hbm4b:s30+s20] =	stream.linear.scatter [tilespmem:s2], [sflag:$0x5], $0x400, $0x38;
	[tilespmem:$0x1D980] =	vst v63  }
0x214: {  	_ =	swait.ge [sflag:s1], $0x400  }
0x215: {  	[sflag:s1] =	ssyncset.done $0x0  }
0x216: {  	s31 =	rddreg [dreg:$0xc];
	[sflag:s1] =	ssyncadd.s32 $0xFFFFFC00  }
0x217: {  	[tilespmem:s17], [sflag:$0x5] =	stream.linear.gather [spmem:s31], $0x2000, $0x38;
	[tilespmem:$0x1D980] =	vst v63  }
0x218: {  	_ =	swait.ge [sflag:s1], $0x2000  }
0x219: {  	[sflag:s1] =	ssyncset.done $0x0  }
0x21a: {  	s30 =	rddreg [dreg:$0x16];
	[sflag:s1] =	ssyncadd.s32 $0xFFFFE000  }
0x21b: {  	[hbm4b:s30+s20] =	stream.linear.scatter [tilespmem:s17], [sflag:$0x5], $0x2000, $0x38;
	[tilespmem:$0x1D980] =	vst v63  }
0x21c: {  	_ =	swait.ge [sflag:s1], $0x2000  }
0x21d: {  	s31 =	sld [smem:$0x7E8]  }
0x21e: {  	[sflag:s1] =	ssyncset.done $0x0  }
0x21f: {  	[sflag:s1] =	ssyncadd.s32 $0xFFFFE000  }
0x220: {  	[tilespmem:s2], [sflag:$0x5] =	stream.linear.gather [spmem:s31], $0x400, $0x38;
	[tilespmem:$0x1D980] =	vst v63  }
0x221: {  	_ =	swait.ge [sflag:s1], $0x400  }
0x222: {  	s30 =	sld [smem:$0x7F2]  }
0x223: {  	[sflag:s1] =	ssyncset.done $0x0  }
0x224: {  	[sflag:s1] =	ssyncadd.s32 $0xFFFFFC00  }
0x225: {  	[hbm4b:s30+s20] =	stream.linear.scatter [tilespmem:s2], [sflag:$0x5], $0x400, $0x38;
	[tilespmem:$0x1D980] =	vst v63  }
0x226: {  	_ =	swait.ge [sflag:s1], $0x400  }
0x227: {  	[sflag:s1] =	ssyncset.done $0x0  }
0x228: {  	s31 =	rddreg [dreg:$0xd];
	[sflag:s1] =	ssyncadd.s32 $0xFFFFFC00  }
0x229: {  	[tilespmem:s17], [sflag:$0x5] =	stream.linear.gather [spmem:s31], $0x2000, $0x38;
	[tilespmem:$0x1D980] =	vst v63  }
0x22a: {  	_ =	swait.ge [sflag:s1], $0x2000  }
0x22b: {  	[sflag:s1] =	ssyncset.done $0x0  }
0x22c: {  	s30 =	rddreg [dreg:$0x17];
	[sflag:s1] =	ssyncadd.s32 $0xFFFFE000  }
0x22d: {  	[hbm4b:s30+s20] =	stream.linear.scatter [tilespmem:s17], [sflag:$0x5], $0x2000, $0x38;
	[tilespmem:$0x1D980] =	vst v63  }
0x22e: {  	_ =	swait.ge [sflag:s1], $0x2000  }
0x22f: {  	s31 =	sld [smem:$0x7E9]  }
0x230: {  	[sflag:s1] =	ssyncset.done $0x0  }
0x231: {  	[sflag:s1] =	ssyncadd.s32 $0xFFFFE000  }
0x232: {  	[tilespmem:s2], [sflag:$0x5] =	stream.linear.gather [spmem:s31], $0x400, $0x38;
	[tilespmem:$0x1D980] =	vst v63  }
0x233: {  	_ =	swait.ge [sflag:s1], $0x400  }
0x234: {  	s30 =	sld [smem:$0x7F3]  }
0x235: {  	[sflag:s1] =	ssyncset.done $0x0  }
0x236: {  	[sflag:s1] =	ssyncadd.s32 $0xFFFFFC00  }
0x237: {  	[hbm4b:s30+s20] =	stream.linear.scatter [tilespmem:s2], [sflag:$0x5], $0x400, $0x38;
	[tilespmem:$0x1D980] =	vst v63  }
0x238: {  	_ =	swait.ge [sflag:s1], $0x400  }
0x239: {  	[sflag:s1] =	ssyncset.done $0x0  }
0x23a: {  	s31 =	rddreg [dreg:$0xe];
	[sflag:s1] =	ssyncadd.s32 $0xFFFFFC00  }
0x23b: {  	[tilespmem:s17], [sflag:$0x5] =	stream.linear.gather [spmem:s31], $0x2000, $0x38;
	[tilespmem:$0x1D980] =	vst v63  }
0x23c: {  	_ =	swait.ge [sflag:s1], $0x2000  }
0x23d: {  	[sflag:s1] =	ssyncset.done $0x0  }
0x23e: {  	s30 =	rddreg [dreg:$0x18];
	[sflag:s1] =	ssyncadd.s32 $0xFFFFE000  }
0x23f: {  	[hbm4b:s30+s20] =	stream.linear.scatter [tilespmem:s17], [sflag:$0x5], $0x2000, $0x38;
	[tilespmem:$0x1D980] =	vst v63  }
0x240: {  	_ =	swait.ge [sflag:s1], $0x2000  }
0x241: {  	s31 =	sld [smem:$0x7EA]  }
0x242: {  	[sflag:s1] =	ssyncset.done $0x0  }
0x243: {  	[sflag:s1] =	ssyncadd.s32 $0xFFFFE000  }
0x244: {  	[tilespmem:s2], [sflag:$0x5] =	stream.linear.gather [spmem:s31], $0x400, $0x38;
	[tilespmem:$0x1D980] =	vst v63  }
0x245: {  	_ =	swait.ge [sflag:s1], $0x400  }
0x246: {  	s30 =	sld [smem:$0x7F4]  }
0x247: {  	[sflag:s1] =	ssyncset.done $0x0  }
0x248: {  	[sflag:s1] =	ssyncadd.s32 $0xFFFFFC00  }
0x249: {  	[hbm4b:s30+s20] =	stream.linear.scatter [tilespmem:s2], [sflag:$0x5], $0x400, $0x38;
	[tilespmem:$0x1D980] =	vst v63  }
0x24a: {  	_ =	swait.ge [sflag:s1], $0x400  }
0x24b: {  	s31 =	sld [smem:$0x7FD];
	_ =	sdelay $0x1  }
0x24c: {  	s29 =	sadd.s32 $0x1, s29  }
0x24d: {  	p0 =	sne.s32 s29, s31  }
.Ltmp2:
0x24e: {  	_ = 	snop;
	(pc) =	sbr.rel @p0 .LBB2_1-.Ltmp2, $3  }
0x24f: {  	_ =	sdelay $0x1  }
0x250: {  	[sflag:s1] =	ssyncset.done $0x0  }
0x251: {  	[sflag:s1] =	ssyncadd.s32 $0xFFFFFC00  }
0x252: {  	_ =	sfence.sel $0x180000  }
0x253: {  	[bflag:$0x0] =	sbarrier.arrive $0xFFFF  }
0x254: {  	_ =	strace $0x90000047  }
0x255: {  	s0 =	stileid.u32;
	[bflag:$0x2] =	sbarrier.arrive $0xFFFF  }
0x256: {  	p0 =	sne.s32 s0, $0x0;
	s0 =	rddreg [dreg:$0x4]  }
0x257: {  	s0 =	sadd.s32 @!p0 $0x100000, s0  }
0x258: {  	[sflag:s0] =	ssyncadd.tile.s32 @!p0 $0x1;
	_ =	shalt  }
.Lfunc_end2:
_tile_overlayer_lowered:
.L_overlay_start_2:
0x259: {  	(tag) =	ssettag $0x2  }
0x25a: {  	s0 =	rddreg [dreg:$0x0];
	s2 =	stileid.u32  }
0x25b: {  	s1 =	rddreg [dreg:$0x1];
	p0 =	sne.s32 s2, $0x0  }
0x25c: {  	s3 =	rddreg [dreg:$0x2];
	[bflag:$0x3] =	sbarrier.arrive $0xFFFF;
	s2 =	simm.s32 @!p0 $0x1C05  }
0x25d: {  	[timem:s3], [sflag:s2] =	dma.local @!p0 [hbm:s0], s1  }
0x25e: {  	s0 =	simm.s32 @!p0 $0x5  }
0x25f: {  	_ =	swait.ge @!p0 [sflag:s0], s1  }
0x260: {  	s1 =	ssub.s32 @!p0 $0x0, s1;
	[sflag:s0] =	ssyncset.done @!p0 $0x0  }
0x261: {  	[sflag:s0] =	ssyncadd.s32 @!p0 s1  }
0x262: {  	[bflag:$0x3] =	sbarrier.arrive $0xFFFF  }
0x263: {  	_ =	shalt  }

</sc_bundles>
